<compile_context>
chip_gen: v7x
topology: tpu7x:2x2x1
jax: 0.10.2.dev20260603
libtpu: 0.0.44.dev20260713+nightly
codegen_flags: <defaults>
</compile_context>

<pallas_src>
import functools

import jax
import jax.numpy as jnp
from jax import lax
from jax.experimental import pallas as pl
from jax.experimental.pallas import tpu as pltpu
from jax.experimental.pallas import tpu_sc as plsc

NC = 2
NS = 16
NW = NC * NS
L = 16
CHUNK = 2048


def _interp_kernel(nf, d, h, w, n, coords_hbm, vols_hbm, out_hbm,
                   coord_refs, idx_refs, corner_refs, w_refs,
                   out_refs, gsem0, gsem1, csem0, csem1, osem0, osem1):
    b_per_w = n // NW
    n_chunks = b_per_w // CHUNK
    n_pairs = n_chunks // 2
    wid = lax.axis_index("s") * NC + lax.axis_index("c")
    base = wid * b_per_w
    last_cbase = base + (n_chunks - 1) * CHUNK

    hw = h * w
    dhw = d * hw
    gsems = [gsem0, gsem1]
    csems = [csem0, csem1]
    osems = [osem0, osem1]
    yts = (w // 128) * 1024

    def fire_coords(ci, p):
        cbase = lax.min(base + ci * CHUNK, last_cbase)
        pltpu.async_copy(coords_hbm.at[pl.ds(cbase * 4, CHUNK * 4)],
                         coord_refs[p], csems[p])

    def compute_and_fire(ci, p):
        cbase0 = base + ci * CHUNK
        pltpu.make_async_copy(coords_hbm.at[pl.ds(cbase0 * 4, CHUNK * 4)],
                              coord_refs[p], csems[p]).wait()

        cbuf = coord_refs[p]
        iref = idx_refs[p]
        wzr, wyr, wxr = w_refs[p]

        def idx_body(i, _):
            sl = pl.ds(i * L, L)
            off = ((i >> 3) << 9) + ((i & 7) << 4)
            zc = cbuf[pl.ds(off, L)]
            yc = cbuf[pl.ds(off + 128, L)]
            xc = cbuf[pl.ds(off + 256, L)]
            tc = cbuf[pl.ds(off + 384, L)]
            sz = zc * float(d - 1)
            sy = yc * float(h - 1)
            sx = xc * float(w - 1)
            iz = sz.astype(jnp.int32)
            iy = sy.astype(jnp.int32)
            ix = sx.astype(jnp.int32)
            wzr[sl] = sz - iz.astype(jnp.float32)
            wyr[sl] = sy - iy.astype(jnp.float32)
            wxr[sl] = sx - ix.astype(jnp.float32)
            z0 = jnp.clip(iz, 0, d - 1)
            y0 = jnp.clip(iy, 0, h - 1)
            x0 = jnp.clip(ix, 0, w - 1)
            z1 = jnp.minimum(z0 + 1, d - 1)
            y1 = jnp.minimum(y0 + 1, h - 1)
            x1 = jnp.minimum(x0 + 1, w - 1)
            d0 = jnp.abs(tc + 1.0)
            d1 = jnp.abs(tc)
            d2 = jnp.abs(tc - 1.0)
            fi = jnp.where(d1 < d0,
                           jnp.where(d2 < d1, 2, 1),
                           jnp.where(d2 < d0, 2, 0)).astype(jnp.int32)
            za = (fi * d + z0) * hw
            zb = za + (z1 - z0) * hw
            ya = (y0 >> 3) * yts + ((y0 & 7) << 7)
            yb = (y1 >> 3) * yts + ((y1 & 7) << 7)
            xa = ((x0 >> 7) << 10) + (x0 & 127)
            xb = ((x1 >> 7) << 10) + (x1 & 127)
            b00 = za + ya
            b01 = za + yb
            b10 = zb + ya
            b11 = zb + yb
            iref[0][sl] = b00 + xa
            iref[1][sl] = b00 + xb
            iref[2][sl] = b01 + xa
            iref[3][sl] = b01 + xb
            iref[4][sl] = b10 + xa
            iref[5][sl] = b10 + xb
            iref[6][sl] = b11 + xa
            iref[7][sl] = b11 + xb
            return 0

        lax.fori_loop(0, CHUNK // L, idx_body, 0)
        fire_coords(ci + 1, 1 - p)
        for k in range(8):
            pltpu.async_copy(vols_hbm.at[iref[k]], corner_refs[p][k],
                             gsems[p])

    def drain_combine_store(ci, p):
        for k in range(8):
            pltpu.make_async_copy(vols_hbm.at[idx_refs[p][k]],
                                  corner_refs[p][k], gsems[p]).wait()
        cref = corner_refs[p]
        wzr, wyr, wxr = w_refs[p]
        out_v = out_refs[p]
        cbase = base + ci * CHUNK

        @pl.when(ci >= 2)
        def _():
            pltpu.make_async_copy(
                out_v, out_hbm.at[pl.ds(cbase - 2 * CHUNK, CHUNK)],
                osems[p]).wait()

        def comb_body(i, _):
            sl = pl.ds(i * L, L)
            wx = wxr[sl]
            wy = wyr[sl]
            wz = wzr[sl]
            c00 = cref[0][sl] * (1 - wx) + cref[1][sl] * wx
            c01 = cref[2][sl] * (1 - wx) + cref[3][sl] * wx
            c10 = cref[4][sl] * (1 - wx) + cref[5][sl] * wx
            c11 = cref[6][sl] * (1 - wx) + cref[7][sl] * wx
            c0 = c00 * (1 - wy) + c01 * wy
            c1 = c10 * (1 - wy) + c11 * wy
            out_v[sl] = c0 * (1 - wz) + c1 * wz
            return 0

        lax.fori_loop(0, CHUNK // L, comb_body, 0)
        pltpu.async_copy(out_v, out_hbm.at[pl.ds(cbase, CHUNK)], osems[p])

    fire_coords(0, 0)
    compute_and_fire(0, 0)

    def pair_body(pi, _):
        ci = pi * 2
        compute_and_fire(ci + 1, 1)
        drain_combine_store(ci, 0)
        compute_and_fire(ci + 2, 0)
        drain_combine_store(ci + 1, 1)
        return 0

    lax.fori_loop(0, n_pairs - 1, pair_body, 0)

    ci = (n_pairs - 1) * 2
    compute_and_fire(ci + 1, 1)
    drain_combine_store(ci, 0)
    drain_combine_store(ci + 1, 1)
    pltpu.make_async_copy(coords_hbm.at[pl.ds(last_cbase * 4, CHUNK * 4)],
                          coord_refs[0], csems[0]).wait()
    pltpu.make_async_copy(out_refs[0],
                          out_hbm.at[pl.ds(last_cbase - CHUNK, CHUNK)],
                          osems[0]).wait()
    pltpu.make_async_copy(out_refs[1], out_hbm.at[pl.ds(last_cbase, CHUNK)],
                          osems[1]).wait()


def kernel(coords, vols):
    n = coords.shape[0]
    nf, d, h, w = vols.shape
    coords_flat = (coords.reshape(n // 128, 128, 4)
                   .transpose(0, 2, 1).reshape(-1))
    vols_flat = (vols.reshape(nf, d, h // 8, 8, w // 128, 128)
                 .transpose(0, 1, 2, 4, 3, 5).reshape(-1))

    mesh = plsc.VectorSubcoreMesh(core_axis_name="c", subcore_axis_name="s",
                                  num_cores=NC, num_subcores=NS)
    body = functools.partial(_interp_kernel, nf, d, h, w, n)
    run = pl.kernel(
        body,
        out_type=jax.ShapeDtypeStruct((n,), jnp.float32),
        mesh=mesh,
        scratch_types=[
            [pltpu.VMEM((4 * CHUNK,), jnp.float32) for _ in range(2)],
            [[pltpu.VMEM((CHUNK,), jnp.int32) for _ in range(8)]
             for _ in range(2)],
            [[pltpu.VMEM((CHUNK,), jnp.float32) for _ in range(8)]
             for _ in range(2)],
            [[pltpu.VMEM((CHUNK,), jnp.float32) for _ in range(3)]
             for _ in range(2)],
            [pltpu.VMEM((CHUNK,), jnp.float32) for _ in range(2)],
            pltpu.SemaphoreType.DMA,
            pltpu.SemaphoreType.DMA,
            pltpu.SemaphoreType.DMA,
            pltpu.SemaphoreType.DMA,
            pltpu.SemaphoreType.DMA,
            pltpu.SemaphoreType.DMA,
        ],
    )
    out = run(coords_flat, vols_flat)
    return out.reshape(n, 1)

# --- scband reference (transcript-rebuilt; emitter-appended) ---
"""Pipeline reference for scband-zap-bench-volume-72447508349072 (READ-ONLY COPY).

The authoritative reference and input builder live on the scoring server;
editing this copy changes nothing except your own understanding.
"""

import jax, jax.numpy as jnp
import numpy as np

Z, Y, X = 72, 512, 512
N_FRAMES = 3
N_COORDS = 1048576


def setup_inputs(seed: int = 0) -> dict:
    key = jax.random.key(seed)
    k1, k2 = jax.random.split(key)
    coords = jax.random.uniform(k1, (N_COORDS, 4), dtype=jnp.float32)
    # synthetic stand-in for the 3 ZapBench temporal volumes (ZYX), values in [0,1]
    vols = jax.random.uniform(k2, (N_FRAMES, Z, Y, X), dtype=jnp.float32)
    return {"coords": coords, "vols": vols}


def reference(coords, vols):
    depth, height, width = vols.shape[1], vols.shape[2], vols.shape[3]
    scale = jnp.array([depth - 1, height - 1, width - 1], dtype=jnp.float32)
    spatial = coords[:, :3]
    t_batch = coords[:, 3]
    scaled = spatial * scale
    idx = scaled.astype(jnp.int32)
    weights = scaled - idx.astype(jnp.float32)
    z0 = jnp.clip(idx[:, 0], 0, depth - 1)
    y0 = jnp.clip(idx[:, 1], 0, height - 1)
    x0 = jnp.clip(idx[:, 2], 0, width - 1)
    z1 = jnp.clip(z0 + 1, 0, depth - 1)
    y1 = jnp.clip(y0 + 1, 0, height - 1)
    x1 = jnp.clip(x0 + 1, 0, width - 1)
    wz = weights[:, 0:1]
    wy = weights[:, 1:2]
    wx = weights[:, 2:3]
    time_coords = jnp.array([-1.0, 0.0, 1.0], dtype=jnp.float32)
    time_diffs = jnp.abs(t_batch[:, None] - time_coords[None, :])
    fi = jnp.argmin(time_diffs, axis=1)
    # gather 8 corners from the nearest temporal frame per query
    c000 = vols[fi, z0, y0, x0][:, None]
    c001 = vols[fi, z0, y0, x1][:, None]
    c010 = vols[fi, z0, y1, x0][:, None]
    c011 = vols[fi, z0, y1, x1][:, None]
    c100 = vols[fi, z1, y0, x0][:, None]
    c101 = vols[fi, z1, y0, x1][:, None]
    c110 = vols[fi, z1, y1, x0][:, None]
    c111 = vols[fi, z1, y1, x1][:, None]
    c00 = c000 * (1 - wx) + c001 * wx
    c01 = c010 * (1 - wx) + c011 * wx
    c10 = c100 * (1 - wx) + c101 * wx
    c11 = c110 * (1 - wx) + c111 * wx
    c0 = c00 * (1 - wy) + c01 * wy
    c1 = c10 * (1 - wy) + c11 * wy
    results = c0 * (1 - wz) + c1 * wz
    return results

if __name__ == "__main__":
    import jax
    _d = setup_inputs()
    print(jax.jit(kernel)(*tuple(_d.values())))

</pallas_src>

<mosaic_0001>
#map = affine_map<(d0, d1) -> (0)>
module attributes {stable_mosaic.version = 14 : i64} {
  func.func @_interp_kernel(%arg0: i32, %arg1: i32, %arg2: memref<4194304xf32, #tpu.memory_space<hbm>>, %arg3: memref<56623104xf32, #tpu.memory_space<hbm>>, %arg4: memref<1048576xf32, #tpu.memory_space<hbm>>, %arg5: memref<8192xf32, #tpu.memory_space<vmem>>, %arg6: memref<8192xf32, #tpu.memory_space<vmem>>, %arg7: memref<2048xi32, #tpu.memory_space<vmem>>, %arg8: memref<2048xi32, #tpu.memory_space<vmem>>, %arg9: memref<2048xi32, #tpu.memory_space<vmem>>, %arg10: memref<2048xi32, #tpu.memory_space<vmem>>, %arg11: memref<2048xi32, #tpu.memory_space<vmem>>, %arg12: memref<2048xi32, #tpu.memory_space<vmem>>, %arg13: memref<2048xi32, #tpu.memory_space<vmem>>, %arg14: memref<2048xi32, #tpu.memory_space<vmem>>, %arg15: memref<2048xi32, #tpu.memory_space<vmem>>, %arg16: memref<2048xi32, #tpu.memory_space<vmem>>, %arg17: memref<2048xi32, #tpu.memory_space<vmem>>, %arg18: memref<2048xi32, #tpu.memory_space<vmem>>, %arg19: memref<2048xi32, #tpu.memory_space<vmem>>, %arg20: memref<2048xi32, #tpu.memory_space<vmem>>, %arg21: memref<2048xi32, #tpu.memory_space<vmem>>, %arg22: memref<2048xi32, #tpu.memory_space<vmem>>, %arg23: memref<2048xf32, #tpu.memory_space<vmem>>, %arg24: memref<2048xf32, #tpu.memory_space<vmem>>, %arg25: memref<2048xf32, #tpu.memory_space<vmem>>, %arg26: memref<2048xf32, #tpu.memory_space<vmem>>, %arg27: memref<2048xf32, #tpu.memory_space<vmem>>, %arg28: memref<2048xf32, #tpu.memory_space<vmem>>, %arg29: memref<2048xf32, #tpu.memory_space<vmem>>, %arg30: memref<2048xf32, #tpu.memory_space<vmem>>, %arg31: memref<2048xf32, #tpu.memory_space<vmem>>, %arg32: memref<2048xf32, #tpu.memory_space<vmem>>, %arg33: memref<2048xf32, #tpu.memory_space<vmem>>, %arg34: memref<2048xf32, #tpu.memory_space<vmem>>, %arg35: memref<2048xf32, #tpu.memory_space<vmem>>, %arg36: memref<2048xf32, #tpu.memory_space<vmem>>, %arg37: memref<2048xf32, #tpu.memory_space<vmem>>, %arg38: memref<2048xf32, #tpu.memory_space<vmem>>, %arg39: memref<2048xf32, #tpu.memory_space<vmem>>, %arg40: memref<2048xf32, #tpu.memory_space<vmem>>, %arg41: memref<2048xf32, #tpu.memory_space<vmem>>, %arg42: memref<2048xf32, #tpu.memory_space<vmem>>, %arg43: memref<2048xf32, #tpu.memory_space<vmem>>, %arg44: memref<2048xf32, #tpu.memory_space<vmem>>, %arg45: memref<2048xf32, #tpu.memory_space<vmem>>, %arg46: memref<2048xf32, #tpu.memory_space<vmem>>, %arg47: memref<!tpu.dma_semaphore, #tpu.memory_space<semaphore_mem>>, %arg48: memref<!tpu.dma_semaphore, #tpu.memory_space<semaphore_mem>>, %arg49: memref<!tpu.dma_semaphore, #tpu.memory_space<semaphore_mem>>, %arg50: memref<!tpu.dma_semaphore, #tpu.memory_space<semaphore_mem>>, %arg51: memref<!tpu.dma_semaphore, #tpu.memory_space<semaphore_mem>>, %arg52: memref<!tpu.dma_semaphore, #tpu.memory_space<semaphore_mem>>) attributes {dimension_semantics = [#tpu.dimension_semantics<core_parallel>, #tpu.dimension_semantics<subcore_parallel>], iteration_bounds = array<i64: 2, 16>, scalar_prefetch = 0 : i64, scratch_operands = 48 : i64, tpu.core_type = #tpu.core_type<sc_vector_subcore>, window_params = [{transform_indices = #map}, {transform_indices = #map}, {transform_indices = #map}]} {
    %mul3A = arith.constant 2 : i32
    %mul3A_0 = arith.muli %arg1, %mul3A : i32
    %add3A = arith.addi %mul3A_0, %arg0 : i32
    %mul3A_1 = arith.constant 32768 : i32
    %mul3A_2 = arith.muli %add3A, %mul3A_1 : i32
    %add3A_3 = arith.constant 30720 : i32
    %add3A_4 = arith.addi %mul3A_2, %add3A_3 : i32
    %add3A_5 = arith.constant 0 : i32
    %add3A_6 = arith.addi %mul3A_2, %add3A_5 : i32
    %min3A = arith.minsi %add3A_6, %add3A_4 : i32
    %mul3A_7 = arith.constant 4 : i32
    %mul3A_8 = arith.muli %min3A, %mul3A_7 : i32
    %dma_start3A = tpu.memref_slice %arg2[%mul3A_8] : memref<4194304xf32, #tpu.memory_space<hbm>> -> memref<8192xf32, #tpu.memory_space<hbm>>
    %dma_start3A_9 = tpu.memref_slice %arg2[%mul3A_8] : memref<4194304xf32, #tpu.memory_space<hbm>> -> memref<8192xf32, #tpu.memory_space<hbm>>
    tpu.enqueue_dma source(%dma_start3A_9 : memref<8192xf32, #tpu.memory_space<hbm>>) target(%arg5 : memref<8192xf32, #tpu.memory_space<vmem>>) target_semaphore(%arg49 : memref<!tpu.dma_semaphore, #tpu.memory_space<semaphore_mem>>)
    %add3A_10 = arith.constant 0 : i32
    %add3A_11 = arith.addi %mul3A_2, %add3A_10 : i32
    %mul3A_12 = arith.constant 4 : i32
    %mul3A_13 = arith.muli %add3A_11, %mul3A_12 : i32
    %dma_wait3A = tpu.memref_slice %arg2[%mul3A_13] : memref<4194304xf32, #tpu.memory_space<hbm>> -> memref<8192xf32, #tpu.memory_space<hbm>>
    %dma_wait3A_14 = tpu.memref_slice %arg2[%mul3A_13] : memref<4194304xf32, #tpu.memory_space<hbm>> -> memref<8192xf32, #tpu.memory_space<hbm>>
    tpu.wait_dma2 semaphore(%arg49 : memref<!tpu.dma_semaphore, #tpu.memory_space<semaphore_mem>>) src(%dma_wait3A_14 : memref<8192xf32, #tpu.memory_space<hbm>>) dst(%arg5 : memref<8192xf32, #tpu.memory_space<vmem>>)
    %scan3A = arith.constant 0 : i32
    %scan3A_15 = arith.constant 0 : i32
    %scan3A_16 = arith.constant 128 : i32
    %scan3A_17 = arith.addi %scan3A_15, %scan3A_16 : i32
    %scan3A_18 = arith.constant 1 : i32
    %scan3A_19 = scf.for %scan3A_158 = %scan3A_15 to %scan3A_17 step %scan3A_18 iter_args(%scan3A_159 = %scan3A) -> (i32)  : i32 {
      %mul3A_160 = arith.constant 16 : i32
      %mul3A_161 = arith.muli %scan3A_158, %mul3A_160 : i32
      %shift_right_arithmetic3A = arith.constant 3 : i32
      %shift_right_arithmetic3A_162 = arith.shrsi %scan3A_158, %shift_right_arithmetic3A : i32
      %shift_left3A = arith.constant 9 : i32
      %shift_left3A_163 = arith.shli %shift_right_arithmetic3A_162, %shift_left3A : i32
      %and3A = arith.constant 7 : i32
      %and3A_164 = arith.andi %scan3A_158, %and3A : i32
      %shift_left3A_165 = arith.constant 4 : i32
      %shift_left3A_166 = arith.shli %and3A_164, %shift_left3A_165 : i32
      %add3A_167 = arith.addi %shift_left3A_163, %shift_left3A_166 : i32
      %get3A = arith.index_cast %add3A_167 : i32 to index
      %get3A_168 = tpu.vector_load %arg5[%get3A] {strides = array<i32>} : memref<8192xf32, #tpu.memory_space<vmem>>, vector<16xf32>,
      %get3A_169 = vector.shape_cast %get3A_168 : vector<16xf32> to vector<16xf32>
      %add3A_170 = arith.constant 128 : i32
      %add3A_171 = arith.addi %add3A_167, %add3A_170 : i32
      %get3A_172 = arith.index_cast %add3A_171 : i32 to index
      %get3A_173 = tpu.vector_load %arg5[%get3A_172] {strides = array<i32>} : memref<8192xf32, #tpu.memory_space<vmem>>, vector<16xf32>,
      %get3A_174 = vector.shape_cast %get3A_173 : vector<16xf32> to vector<16xf32>
      %add3A_175 = arith.constant 256 : i32
      %add3A_176 = arith.addi %add3A_167, %add3A_175 : i32
      %get3A_177 = arith.index_cast %add3A_176 : i32 to index
      %get3A_178 = tpu.vector_load %arg5[%get3A_177] {strides = array<i32>} : memref<8192xf32, #tpu.memory_space<vmem>>, vector<16xf32>,
      %get3A_179 = vector.shape_cast %get3A_178 : vector<16xf32> to vector<16xf32>
      %add3A_180 = arith.constant 384 : i32
      %add3A_181 = arith.addi %add3A_167, %add3A_180 : i32
      %get3A_182 = arith.index_cast %add3A_181 : i32 to index
      %get3A_183 = tpu.vector_load %arg5[%get3A_182] {strides = array<i32>} : memref<8192xf32, #tpu.memory_space<vmem>>, vector<16xf32>,
      %get3A_184 = vector.shape_cast %get3A_183 : vector<16xf32> to vector<16xf32>
      %mul3A_185 = arith.constant 7.100000e+01 : f32
      %mul3A_186 = vector.broadcast %mul3A_185 : f32 to vector<16xf32>
      %mul3A_187 = arith.mulf %get3A_169, %mul3A_186 : vector<16xf32>
      %mul3A_188 = arith.constant 5.110000e+02 : f32
      %mul3A_189 = vector.broadcast %mul3A_188 : f32 to vector<16xf32>
      %mul3A_190 = arith.mulf %get3A_174, %mul3A_189 : vector<16xf32>
      %mul3A_191 = arith.constant 5.110000e+02 : f32
      %mul3A_192 = vector.broadcast %mul3A_191 : f32 to vector<16xf32>
      %mul3A_193 = arith.mulf %get3A_179, %mul3A_192 : vector<16xf32>
      %convert_element_type3A = arith.fptosi %mul3A_187 : vector<16xf32> to vector<16xi32>
      %convert_element_type3A_194 = arith.fptosi %mul3A_190 : vector<16xf32> to vector<16xi32>
      %convert_element_type3A_195 = arith.fptosi %mul3A_193 : vector<16xf32> to vector<16xi32>
      %convert_element_type3A_196 = arith.sitofp %convert_element_type3A : vector<16xi32> to vector<16xf32>
      %sub3A_197 = arith.subf %mul3A_187, %convert_element_type3A_196 : vector<16xf32>
      %swap3A = arith.index_cast %mul3A_161 : i32 to index
      %swap3A_198 = tpu.vector_load %arg39[%swap3A] {strides = array<i32>} : memref<2048xf32, #tpu.memory_space<vmem>>, vector<16xf32>,
      %swap3A_199 = vector.shape_cast %swap3A_198 : vector<16xf32> to vector<16xf32>
      %swap3A_200 = vector.shape_cast %sub3A_197 : vector<16xf32> to vector<16xf32>
      tpu.vector_store %arg39[%swap3A], %swap3A_200 {strides = array<i32>} : memref<2048xf32, #tpu.memory_space<vmem>>, vector<16xf32>,
      %convert_element_type3A_201 = arith.sitofp %convert_element_type3A_194 : vector<16xi32> to vector<16xf32>
      %sub3A_202 = arith.subf %mul3A_190, %convert_element_type3A_201 : vector<16xf32>
      %swap3A_203 = arith.index_cast %mul3A_161 : i32 to index
      %swap3A_204 = tpu.vector_load %arg40[%swap3A_203] {strides = array<i32>} : memref<2048xf32, #tpu.memory_space<vmem>>, vector<16xf32>,
      %swap3A_205 = vector.shape_cast %swap3A_204 : vector<16xf32> to vector<16xf32>
      %swap3A_206 = vector.shape_cast %sub3A_202 : vector<16xf32> to vector<16xf32>
      tpu.vector_store %arg40[%swap3A_203], %swap3A_206 {strides = array<i32>} : memref<2048xf32, #tpu.memory_space<vmem>>, vector<16xf32>,
      %convert_element_type3A_207 = arith.sitofp %convert_element_type3A_195 : vector<16xi32> to vector<16xf32>
      %sub3A_208 = arith.subf %mul3A_193, %convert_element_type3A_207 : vector<16xf32>
      %swap3A_209 = arith.index_cast %mul3A_161 : i32 to index
      %swap3A_210 = tpu.vector_load %arg41[%swap3A_209] {strides = array<i32>} : memref<2048xf32, #tpu.memory_space<vmem>>, vector<16xf32>,
      %swap3A_211 = vector.shape_cast %swap3A_210 : vector<16xf32> to vector<16xf32>
      %swap3A_212 = vector.shape_cast %sub3A_208 : vector<16xf32> to vector<16xf32>
      tpu.vector_store %arg41[%swap3A_209], %swap3A_212 {strides = array<i32>} : memref<2048xf32, #tpu.memory_space<vmem>>, vector<16xf32>,
      %jit3A = arith.constant 0 : i32
      %jit3A_213 = arith.constant 71 : i32
      %max3A = vector.broadcast %jit3A : i32 to vector<16xi32>
      %max3A_214 = arith.maxsi %max3A, %convert_element_type3A : vector<16xi32>
      %min3A_215 = vector.broadcast %jit3A_213 : i32 to vector<16xi32>
      %min3A_216 = arith.minsi %min3A_215, %max3A_214 : vector<16xi32>
      %jit3A_217 = arith.constant 0 : i32
      %jit3A_218 = arith.constant 511 : i32
      %max3A_219 = vector.broadcast %jit3A_217 : i32 to vector<16xi32>
      %max3A_220 = arith.maxsi %max3A_219, %convert_element_type3A_194 : vector<16xi32>
      %min3A_221 = vector.broadcast %jit3A_218 : i32 to vector<16xi32>
      %min3A_222 = arith.minsi %min3A_221, %max3A_220 : vector<16xi32>
      %jit3A_223 = arith.constant 0 : i32
      %jit3A_224 = arith.constant 511 : i32
      %max3A_225 = vector.broadcast %jit3A_223 : i32 to vector<16xi32>
      %max3A_226 = arith.maxsi %max3A_225, %convert_element_type3A_195 : vector<16xi32>
      %min3A_227 = vector.broadcast %jit3A_224 : i32 to vector<16xi32>
      %min3A_228 = arith.minsi %min3A_227, %max3A_226 : vector<16xi32>
      %add3A_229 = arith.constant 1 : i32
      %add3A_230 = vector.broadcast %add3A_229 : i32 to vector<16xi32>
      %add3A_231 = arith.addi %min3A_216, %add3A_230 : vector<16xi32>
      %min3A_232 = arith.constant 71 : i32
      %min3A_233 = vector.broadcast %min3A_232 : i32 to vector<16xi32>
      %min3A_234 = arith.minsi %add3A_231, %min3A_233 : vector<16xi32>
      %add3A_235 = arith.constant 1 : i32
      %add3A_236 = vector.broadcast %add3A_235 : i32 to vector<16xi32>
      %add3A_237 = arith.addi %min3A_222, %add3A_236 : vector<16xi32>
      %min3A_238 = arith.constant 511 : i32
      %min3A_239 = vector.broadcast %min3A_238 : i32 to vector<16xi32>
      %min3A_240 = arith.minsi %add3A_237, %min3A_239 : vector<16xi32>
      %add3A_241 = arith.constant 1 : i32
      %add3A_242 = vector.broadcast %add3A_241 : i32 to vector<16xi32>
      %add3A_243 = arith.addi %min3A_228, %add3A_242 : vector<16xi32>
      %min3A_244 = arith.constant 511 : i32
      %min3A_245 = vector.broadcast %min3A_244 : i32 to vector<16xi32>
      %min3A_246 = arith.minsi %add3A_243, %min3A_245 : vector<16xi32>
      %add3A_247 = arith.constant 1.000000e+00 : f32
      %add3A_248 = vector.broadcast %add3A_247 : f32 to vector<16xf32>
      %add3A_249 = arith.addf %get3A_184, %add3A_248 : vector<16xf32>
      %abs3A = math.absf %add3A_249 : vector<16xf32>
      %abs3A_250 = math.absf %get3A_184 : vector<16xf32>
      %sub3A_251 = arith.constant 1.000000e+00 : f32
      %sub3A_252 = vector.broadcast %sub3A_251 : f32 to vector<16xf32>
      %sub3A_253 = arith.subf %get3A_184, %sub3A_252 : vector<16xf32>
      %abs3A_254 = math.absf %sub3A_253 : vector<16xf32>
      %lt3A = arith.cmpf olt, %abs3A_250, %abs3A : vector<16xf32>
      %lt3A_255 = arith.cmpf olt, %abs3A_254, %abs3A_250 : vector<16xf32>
      %jit3A_256 = arith.constant 2 : i32
      %jit3A_257 = arith.constant 1 : i32
      %broadcast_in_dim3A = vector.broadcast %jit3A_256 : i32 to vector<16xi32>
      %broadcast_in_dim3A_258 = vector.broadcast %jit3A_257 : i32 to vector<16xi32>
      %select_n3A = arith.select %lt3A_255, %broadcast_in_dim3A, %broadcast_in_dim3A_258 : vector<16xi1>, vector<16xi32>
      %lt3A_259 = arith.cmpf olt, %abs3A_254, %abs3A : vector<16xf32>
      %jit3A_260 = arith.constant 2 : i32
      %jit3A_261 = arith.constant 0 : i32
      %broadcast_in_dim3A_262 = vector.broadcast %jit3A_260 : i32 to vector<16xi32>
      %broadcast_in_dim3A_263 = vector.broadcast %jit3A_261 : i32 to vector<16xi32>
      %select_n3A_264 = arith.select %lt3A_259, %broadcast_in_dim3A_262, %broadcast_in_dim3A_263 : vector<16xi1>, vector<16xi32>
      %select_n3A_265 = arith.select %lt3A, %select_n3A, %select_n3A_264 : vector<16xi1>, vector<16xi32>
      %mul3A_266 = arith.constant 72 : i32
      %mul3A_267 = vector.broadcast %mul3A_266 : i32 to vector<16xi32>
      %mul3A_268 = arith.muli %select_n3A_265, %mul3A_267 : vector<16xi32>
      %add3A_269 = arith.addi %mul3A_268, %min3A_216 : vector<16xi32>
      %mul3A_270 = arith.constant 262144 : i32
      %mul3A_271 = vector.broadcast %mul3A_270 : i32 to vector<16xi32>
      %mul3A_272 = arith.muli %add3A_269, %mul3A_271 : vector<16xi32>
      %sub3A_273 = arith.subi %min3A_234, %min3A_216 : vector<16xi32>
      %mul3A_274 = arith.constant 262144 : i32
      %mul3A_275 = vector.broadcast %mul3A_274 : i32 to vector<16xi32>
      %mul3A_276 = arith.muli %sub3A_273, %mul3A_275 : vector<16xi32>
      %add3A_277 = arith.addi %mul3A_272, %mul3A_276 : vector<16xi32>
      %shift_right_arithmetic3A_278 = arith.constant 3 : i32
      %shift_right_arithmetic3A_279 = vector.broadcast %shift_right_arithmetic3A_278 : i32 to vector<16xi32>
      %shift_right_arithmetic3A_280 = arith.shrsi %min3A_222, %shift_right_arithmetic3A_279 : vector<16xi32>
      %mul3A_281 = arith.constant 4096 : i32
      %mul3A_282 = vector.broadcast %mul3A_281 : i32 to vector<16xi32>
      %mul3A_283 = arith.muli %shift_right_arithmetic3A_280, %mul3A_282 : vector<16xi32>
      %and3A_284 = arith.constant 7 : i32
      %and3A_285 = vector.broadcast %and3A_284 : i32 to vector<16xi32>
      %and3A_286 = arith.andi %min3A_222, %and3A_285 : vector<16xi32>
      %shift_left3A_287 = arith.constant 7 : i32
      %shift_left3A_288 = vector.broadcast %shift_left3A_287 : i32 to vector<16xi32>
      %shift_left3A_289 = arith.shli %and3A_286, %shift_left3A_288 : vector<16xi32>
      %add3A_290 = arith.addi %mul3A_283, %shift_left3A_289 : vector<16xi32>
      %shift_right_arithmetic3A_291 = arith.constant 3 : i32
      %shift_right_arithmetic3A_292 = vector.broadcast %shift_right_arithmetic3A_291 : i32 to vector<16xi32>
      %shift_right_arithmetic3A_293 = arith.shrsi %min3A_240, %shift_right_arithmetic3A_292 : vector<16xi32>
      %mul3A_294 = arith.constant 4096 : i32
      %mul3A_295 = vector.broadcast %mul3A_294 : i32 to vector<16xi32>
      %mul3A_296 = arith.muli %shift_right_arithmetic3A_293, %mul3A_295 : vector<16xi32>
      %and3A_297 = arith.constant 7 : i32
      %and3A_298 = vector.broadcast %and3A_297 : i32 to vector<16xi32>
      %and3A_299 = arith.andi %min3A_240, %and3A_298 : vector<16xi32>
      %shift_left3A_300 = arith.constant 7 : i32
      %shift_left3A_301 = vector.broadcast %shift_left3A_300 : i32 to vector<16xi32>
      %shift_left3A_302 = arith.shli %and3A_299, %shift_left3A_301 : vector<16xi32>
      %add3A_303 = arith.addi %mul3A_296, %shift_left3A_302 : vector<16xi32>
      %shift_right_arithmetic3A_304 = arith.constant 7 : i32
      %shift_right_arithmetic3A_305 = vector.broadcast %shift_right_arithmetic3A_304 : i32 to vector<16xi32>
      %shift_right_arithmetic3A_306 = arith.shrsi %min3A_228, %shift_right_arithmetic3A_305 : vector<16xi32>
      %shift_left3A_307 = arith.constant 10 : i32
      %shift_left3A_308 = vector.broadcast %shift_left3A_307 : i32 to vector<16xi32>
      %shift_left3A_309 = arith.shli %shift_right_arithmetic3A_306, %shift_left3A_308 : vector<16xi32>
      %and3A_310 = arith.constant 127 : i32
      %and3A_311 = vector.broadcast %and3A_310 : i32 to vector<16xi32>
      %and3A_312 = arith.andi %min3A_228, %and3A_311 : vector<16xi32>
      %add3A_313 = arith.addi %shift_left3A_309, %and3A_312 : vector<16xi32>
      %shift_right_arithmetic3A_314 = arith.constant 7 : i32
      %shift_right_arithmetic3A_315 = vector.broadcast %shift_right_arithmetic3A_314 : i32 to vector<16xi32>
      %shift_right_arithmetic3A_316 = arith.shrsi %min3A_246, %shift_right_arithmetic3A_315 : vector<16xi32>
      %shift_left3A_317 = arith.constant 10 : i32
      %shift_left3A_318 = vector.broadcast %shift_left3A_317 : i32 to vector<16xi32>
      %shift_left3A_319 = arith.shli %shift_right_arithmetic3A_316, %shift_left3A_318 : vector<16xi32>
      %and3A_320 = arith.constant 127 : i32
      %and3A_321 = vector.broadcast %and3A_320 : i32 to vector<16xi32>
      %and3A_322 = arith.andi %min3A_246, %and3A_321 : vector<16xi32>
      %add3A_323 = arith.addi %shift_left3A_319, %and3A_322 : vector<16xi32>
      %add3A_324 = arith.addi %mul3A_272, %add3A_290 : vector<16xi32>
      %add3A_325 = arith.addi %mul3A_272, %add3A_303 : vector<16xi32>
      %add3A_326 = arith.addi %add3A_277, %add3A_290 : vector<16xi32>
      %add3A_327 = arith.addi %add3A_277, %add3A_303 : vector<16xi32>
      %add3A_328 = arith.addi %add3A_324, %add3A_313 : vector<16xi32>
      %swap3A_329 = arith.index_cast %mul3A_161 : i32 to index
      %swap3A_330 = tpu.vector_load %arg7[%swap3A_329] {strides = array<i32>} : memref<2048xi32, #tpu.memory_space<vmem>>, vector<16xi32>,
      %swap3A_331 = vector.shape_cast %swap3A_330 : vector<16xi32> to vector<16xi32>
      %swap3A_332 = vector.shape_cast %add3A_328 : vector<16xi32> to vector<16xi32>
      tpu.vector_store %arg7[%swap3A_329], %swap3A_332 {strides = array<i32>} : memref<2048xi32, #tpu.memory_space<vmem>>, vector<16xi32>,
      %add3A_333 = arith.addi %add3A_324, %add3A_323 : vector<16xi32>
      %swap3A_334 = arith.index_cast %mul3A_161 : i32 to index
      %swap3A_335 = tpu.vector_load %arg8[%swap3A_334] {strides = array<i32>} : memref<2048xi32, #tpu.memory_space<vmem>>, vector<16xi32>,
      %swap3A_336 = vector.shape_cast %swap3A_335 : vector<16xi32> to vector<16xi32>
      %swap3A_337 = vector.shape_cast %add3A_333 : vector<16xi32> to vector<16xi32>
      tpu.vector_store %arg8[%swap3A_334], %swap3A_337 {strides = array<i32>} : memref<2048xi32, #tpu.memory_space<vmem>>, vector<16xi32>,
      %add3A_338 = arith.addi %add3A_325, %add3A_313 : vector<16xi32>
      %swap3A_339 = arith.index_cast %mul3A_161 : i32 to index
      %swap3A_340 = tpu.vector_load %arg9[%swap3A_339] {strides = array<i32>} : memref<2048xi32, #tpu.memory_space<vmem>>, vector<16xi32>,
      %swap3A_341 = vector.shape_cast %swap3A_340 : vector<16xi32> to vector<16xi32>
      %swap3A_342 = vector.shape_cast %add3A_338 : vector<16xi32> to vector<16xi32>
      tpu.vector_store %arg9[%swap3A_339], %swap3A_342 {strides = array<i32>} : memref<2048xi32, #tpu.memory_space<vmem>>, vector<16xi32>,
      %add3A_343 = arith.addi %add3A_325, %add3A_323 : vector<16xi32>
      %swap3A_344 = arith.index_cast %mul3A_161 : i32 to index
      %swap3A_345 = tpu.vector_load %arg10[%swap3A_344] {strides = array<i32>} : memref<2048xi32, #tpu.memory_space<vmem>>, vector<16xi32>,
      %swap3A_346 = vector.shape_cast %swap3A_345 : vector<16xi32> to vector<16xi32>
      %swap3A_347 = vector.shape_cast %add3A_343 : vector<16xi32> to vector<16xi32>
      tpu.vector_store %arg10[%swap3A_344], %swap3A_347 {strides = array<i32>} : memref<2048xi32, #tpu.memory_space<vmem>>, vector<16xi32>,
      %add3A_348 = arith.addi %add3A_326, %add3A_313 : vector<16xi32>
      %swap3A_349 = arith.index_cast %mul3A_161 : i32 to index
      %swap3A_350 = tpu.vector_load %arg11[%swap3A_349] {strides = array<i32>} : memref<2048xi32, #tpu.memory_space<vmem>>, vector<16xi32>,
      %swap3A_351 = vector.shape_cast %swap3A_350 : vector<16xi32> to vector<16xi32>
      %swap3A_352 = vector.shape_cast %add3A_348 : vector<16xi32> to vector<16xi32>
      tpu.vector_store %arg11[%swap3A_349], %swap3A_352 {strides = array<i32>} : memref<2048xi32, #tpu.memory_space<vmem>>, vector<16xi32>,
      %add3A_353 = arith.addi %add3A_326, %add3A_323 : vector<16xi32>
      %swap3A_354 = arith.index_cast %mul3A_161 : i32 to index
      %swap3A_355 = tpu.vector_load %arg12[%swap3A_354] {strides = array<i32>} : memref<2048xi32, #tpu.memory_space<vmem>>, vector<16xi32>,
      %swap3A_356 = vector.shape_cast %swap3A_355 : vector<16xi32> to vector<16xi32>
      %swap3A_357 = vector.shape_cast %add3A_353 : vector<16xi32> to vector<16xi32>
      tpu.vector_store %arg12[%swap3A_354], %swap3A_357 {strides = array<i32>} : memref<2048xi32, #tpu.memory_space<vmem>>, vector<16xi32>,
      %add3A_358 = arith.addi %add3A_327, %add3A_313 : vector<16xi32>
      %swap3A_359 = arith.index_cast %mul3A_161 : i32 to index
      %swap3A_360 = tpu.vector_load %arg13[%swap3A_359] {strides = array<i32>} : memref<2048xi32, #tpu.memory_space<vmem>>, vector<16xi32>,
      %swap3A_361 = vector.shape_cast %swap3A_360 : vector<16xi32> to vector<16xi32>
      %swap3A_362 = vector.shape_cast %add3A_358 : vector<16xi32> to vector<16xi32>
      tpu.vector_store %arg13[%swap3A_359], %swap3A_362 {strides = array<i32>} : memref<2048xi32, #tpu.memory_space<vmem>>, vector<16xi32>,
      %add3A_363 = arith.addi %add3A_327, %add3A_323 : vector<16xi32>
      %swap3A_364 = arith.index_cast %mul3A_161 : i32 to index
      %swap3A_365 = tpu.vector_load %arg14[%swap3A_364] {strides = array<i32>} : memref<2048xi32, #tpu.memory_space<vmem>>, vector<16xi32>,
      %swap3A_366 = vector.shape_cast %swap3A_365 : vector<16xi32> to vector<16xi32>
      %swap3A_367 = vector.shape_cast %add3A_363 : vector<16xi32> to vector<16xi32>
      tpu.vector_store %arg14[%swap3A_364], %swap3A_367 {strides = array<i32>} : memref<2048xi32, #tpu.memory_space<vmem>>, vector<16xi32>,
      %scan3A_368 = arith.constant 0 : i32
      scf.yield %scan3A_368 : i32
    }
    %scan3A_20 = arith.constant 128 : i32
    %add3A_21 = arith.constant 2048 : i32
    %add3A_22 = arith.addi %mul3A_2, %add3A_21 : i32
    %min3A_23 = arith.minsi %add3A_22, %add3A_4 : i32
    %mul3A_24 = arith.constant 4 : i32
    %mul3A_25 = arith.muli %min3A_23, %mul3A_24 : i32
    %dma_start3A_26 = tpu.memref_slice %arg2[%mul3A_25] : memref<4194304xf32, #tpu.memory_space<hbm>> -> memref<8192xf32, #tpu.memory_space<hbm>>
    %dma_start3A_27 = tpu.memref_slice %arg2[%mul3A_25] : memref<4194304xf32, #tpu.memory_space<hbm>> -> memref<8192xf32, #tpu.memory_space<hbm>>
    tpu.enqueue_dma source(%dma_start3A_27 : memref<8192xf32, #tpu.memory_space<hbm>>) target(%arg6 : memref<8192xf32, #tpu.memory_space<vmem>>) target_semaphore(%arg50 : memref<!tpu.dma_semaphore, #tpu.memory_space<semaphore_mem>>)
    %dma_start3A_28 = arith.constant 0 : i32
    %dma_start3A_29 = tpu.memref_slice %arg3[%dma_start3A_28] : memref<56623104xf32, #tpu.memory_space<hbm>> -> memref<56623104xf32, #tpu.memory_space<hbm>>
    tpu.enqueue_indirect_dma source(%dma_start3A_29 : memref<56623104xf32, #tpu.memory_space<hbm>>) target(%arg23 : memref<2048xf32, #tpu.memory_space<vmem>>) offsets(%arg7 : memref<2048xi32, #tpu.memory_space<vmem>>) semaphore(%arg47 : memref<!tpu.dma_semaphore, #tpu.memory_space<semaphore_mem>>)
    %dma_start3A_30 = arith.constant 0 : i32
    %dma_start3A_31 = tpu.memref_slice %arg3[%dma_start3A_30] : memref<56623104xf32, #tpu.memory_space<hbm>> -> memref<56623104xf32, #tpu.memory_space<hbm>>
    tpu.enqueue_indirect_dma source(%dma_start3A_31 : memref<56623104xf32, #tpu.memory_space<hbm>>) target(%arg24 : memref<2048xf32, #tpu.memory_space<vmem>>) offsets(%arg8 : memref<2048xi32, #tpu.memory_space<vmem>>) semaphore(%arg47 : memref<!tpu.dma_semaphore, #tpu.memory_space<semaphore_mem>>)
    %dma_start3A_32 = arith.constant 0 : i32
    %dma_start3A_33 = tpu.memref_slice %arg3[%dma_start3A_32] : memref<56623104xf32, #tpu.memory_space<hbm>> -> memref<56623104xf32, #tpu.memory_space<hbm>>
    tpu.enqueue_indirect_dma source(%dma_start3A_33 : memref<56623104xf32, #tpu.memory_space<hbm>>) target(%arg25 : memref<2048xf32, #tpu.memory_space<vmem>>) offsets(%arg9 : memref<2048xi32, #tpu.memory_space<vmem>>) semaphore(%arg47 : memref<!tpu.dma_semaphore, #tpu.memory_space<semaphore_mem>>)
    %dma_start3A_34 = arith.constant 0 : i32
    %dma_start3A_35 = tpu.memref_slice %arg3[%dma_start3A_34] : memref<56623104xf32, #tpu.memory_space<hbm>> -> memref<56623104xf32, #tpu.memory_space<hbm>>
    tpu.enqueue_indirect_dma source(%dma_start3A_35 : memref<56623104xf32, #tpu.memory_space<hbm>>) target(%arg26 : memref<2048xf32, #tpu.memory_space<vmem>>) offsets(%arg10 : memref<2048xi32, #tpu.memory_space<vmem>>) semaphore(%arg47 : memref<!tpu.dma_semaphore, #tpu.memory_space<semaphore_mem>>)
    %dma_start3A_36 = arith.constant 0 : i32
    %dma_start3A_37 = tpu.memref_slice %arg3[%dma_start3A_36] : memref<56623104xf32, #tpu.memory_space<hbm>> -> memref<56623104xf32, #tpu.memory_space<hbm>>
    tpu.enqueue_indirect_dma source(%dma_start3A_37 : memref<56623104xf32, #tpu.memory_space<hbm>>) target(%arg27 : memref<2048xf32, #tpu.memory_space<vmem>>) offsets(%arg11 : memref<2048xi32, #tpu.memory_space<vmem>>) semaphore(%arg47 : memref<!tpu.dma_semaphore, #tpu.memory_space<semaphore_mem>>)
    %dma_start3A_38 = arith.constant 0 : i32
    %dma_start3A_39 = tpu.memref_slice %arg3[%dma_start3A_38] : memref<56623104xf32, #tpu.memory_space<hbm>> -> memref<56623104xf32, #tpu.memory_space<hbm>>
    tpu.enqueue_indirect_dma source(%dma_start3A_39 : memref<56623104xf32, #tpu.memory_space<hbm>>) target(%arg28 : memref<2048xf32, #tpu.memory_space<vmem>>) offsets(%arg12 : memref<2048xi32, #tpu.memory_space<vmem>>) semaphore(%arg47 : memref<!tpu.dma_semaphore, #tpu.memory_space<semaphore_mem>>)
    %dma_start3A_40 = arith.constant 0 : i32
    %dma_start3A_41 = tpu.memref_slice %arg3[%dma_start3A_40] : memref<56623104xf32, #tpu.memory_space<hbm>> -> memref<56623104xf32, #tpu.memory_space<hbm>>
    tpu.enqueue_indirect_dma source(%dma_start3A_41 : memref<56623104xf32, #tpu.memory_space<hbm>>) target(%arg29 : memref<2048xf32, #tpu.memory_space<vmem>>) offsets(%arg13 : memref<2048xi32, #tpu.memory_space<vmem>>) semaphore(%arg47 : memref<!tpu.dma_semaphore, #tpu.memory_space<semaphore_mem>>)
    %dma_start3A_42 = arith.constant 0 : i32
    %dma_start3A_43 = tpu.memref_slice %arg3[%dma_start3A_42] : memref<56623104xf32, #tpu.memory_space<hbm>> -> memref<56623104xf32, #tpu.memory_space<hbm>>
    tpu.enqueue_indirect_dma source(%dma_start3A_43 : memref<56623104xf32, #tpu.memory_space<hbm>>) target(%arg30 : memref<2048xf32, #tpu.memory_space<vmem>>) offsets(%arg14 : memref<2048xi32, #tpu.memory_space<vmem>>) semaphore(%arg47 : memref<!tpu.dma_semaphore, #tpu.memory_space<semaphore_mem>>)
    %scan3A_44 = arith.constant 0 : i32
    %scan3A_45 = arith.constant 0 : i32
    %scan3A_46 = arith.constant 7 : i32
    %scan3A_47 = arith.addi %scan3A_45, %scan3A_46 : i32
    %scan3A_48 = arith.constant 1 : i32
    %scan3A_49 = scf.for %scan3A_158 = %scan3A_45 to %scan3A_47 step %scan3A_48 iter_args(%scan3A_159 = %scan3A_44) -> (i32)  : i32 {
      %mul3A_160 = arith.constant 2 : i32
      %mul3A_161 = arith.muli %scan3A_158, %mul3A_160 : i32
      %add3A_162 = arith.constant 1 : i32
      %add3A_163 = arith.addi %mul3A_161, %add3A_162 : i32
      %mul3A_164 = arith.constant 2048 : i32
      %mul3A_165 = arith.muli %add3A_163, %mul3A_164 : i32
      %add3A_166 = arith.addi %mul3A_2, %mul3A_165 : i32
      %mul3A_167 = arith.constant 4 : i32
      %mul3A_168 = arith.muli %add3A_166, %mul3A_167 : i32
      %dma_wait3A_169 = tpu.memref_slice %arg2[%mul3A_168] : memref<4194304xf32, #tpu.memory_space<hbm>> -> memref<8192xf32, #tpu.memory_space<hbm>>
      %dma_wait3A_170 = tpu.memref_slice %arg2[%mul3A_168] : memref<4194304xf32, #tpu.memory_space<hbm>> -> memref<8192xf32, #tpu.memory_space<hbm>>
      tpu.wait_dma2 semaphore(%arg50 : memref<!tpu.dma_semaphore, #tpu.memory_space<semaphore_mem>>) src(%dma_wait3A_170 : memref<8192xf32, #tpu.memory_space<hbm>>) dst(%arg6 : memref<8192xf32, #tpu.memory_space<vmem>>)
      %scan3A_171 = arith.constant 0 : i32
      %scan3A_172 = arith.constant 0 : i32
      %scan3A_173 = arith.constant 128 : i32
      %scan3A_174 = arith.addi %scan3A_172, %scan3A_173 : i32
      %scan3A_175 = arith.constant 1 : i32
      %scan3A_176 = scf.for %scan3A_312 = %scan3A_172 to %scan3A_174 step %scan3A_175 iter_args(%scan3A_313 = %scan3A_171) -> (i32)  : i32 {
        %mul3A_314 = arith.constant 16 : i32
        %mul3A_315 = arith.muli %scan3A_312, %mul3A_314 : i32
        %shift_right_arithmetic3A = arith.constant 3 : i32
        %shift_right_arithmetic3A_316 = arith.shrsi %scan3A_312, %shift_right_arithmetic3A : i32
        %shift_left3A = arith.constant 9 : i32
        %shift_left3A_317 = arith.shli %shift_right_arithmetic3A_316, %shift_left3A : i32
        %and3A = arith.constant 7 : i32
        %and3A_318 = arith.andi %scan3A_312, %and3A : i32
        %shift_left3A_319 = arith.constant 4 : i32
        %shift_left3A_320 = arith.shli %and3A_318, %shift_left3A_319 : i32
        %add3A_321 = arith.addi %shift_left3A_317, %shift_left3A_320 : i32
        %get3A = arith.index_cast %add3A_321 : i32 to index
        %get3A_322 = tpu.vector_load %arg6[%get3A] {strides = array<i32>} : memref<8192xf32, #tpu.memory_space<vmem>>, vector<16xf32>,
        %get3A_323 = vector.shape_cast %get3A_322 : vector<16xf32> to vector<16xf32>
        %add3A_324 = arith.constant 128 : i32
        %add3A_325 = arith.addi %add3A_321, %add3A_324 : i32
        %get3A_326 = arith.index_cast %add3A_325 : i32 to index
        %get3A_327 = tpu.vector_load %arg6[%get3A_326] {strides = array<i32>} : memref<8192xf32, #tpu.memory_space<vmem>>, vector<16xf32>,
        %get3A_328 = vector.shape_cast %get3A_327 : vector<16xf32> to vector<16xf32>
        %add3A_329 = arith.constant 256 : i32
        %add3A_330 = arith.addi %add3A_321, %add3A_329 : i32
        %get3A_331 = arith.index_cast %add3A_330 : i32 to index
        %get3A_332 = tpu.vector_load %arg6[%get3A_331] {strides = array<i32>} : memref<8192xf32, #tpu.memory_space<vmem>>, vector<16xf32>,
        %get3A_333 = vector.shape_cast %get3A_332 : vector<16xf32> to vector<16xf32>
        %add3A_334 = arith.constant 384 : i32
        %add3A_335 = arith.addi %add3A_321, %add3A_334 : i32
        %get3A_336 = arith.index_cast %add3A_335 : i32 to index
        %get3A_337 = tpu.vector_load %arg6[%get3A_336] {strides = array<i32>} : memref<8192xf32, #tpu.memory_space<vmem>>, vector<16xf32>,
        %get3A_338 = vector.shape_cast %get3A_337 : vector<16xf32> to vector<16xf32>
        %mul3A_339 = arith.constant 7.100000e+01 : f32
        %mul3A_340 = vector.broadcast %mul3A_339 : f32 to vector<16xf32>
        %mul3A_341 = arith.mulf %get3A_323, %mul3A_340 : vector<16xf32>
        %mul3A_342 = arith.constant 5.110000e+02 : f32
        %mul3A_343 = vector.broadcast %mul3A_342 : f32 to vector<16xf32>
        %mul3A_344 = arith.mulf %get3A_328, %mul3A_343 : vector<16xf32>
        %mul3A_345 = arith.constant 5.110000e+02 : f32
        %mul3A_346 = vector.broadcast %mul3A_345 : f32 to vector<16xf32>
        %mul3A_347 = arith.mulf %get3A_333, %mul3A_346 : vector<16xf32>
        %convert_element_type3A_348 = arith.fptosi %mul3A_341 : vector<16xf32> to vector<16xi32>
        %convert_element_type3A_349 = arith.fptosi %mul3A_344 : vector<16xf32> to vector<16xi32>
        %convert_element_type3A_350 = arith.fptosi %mul3A_347 : vector<16xf32> to vector<16xi32>
        %convert_element_type3A_351 = arith.sitofp %convert_element_type3A_348 : vector<16xi32> to vector<16xf32>
        %sub3A_352 = arith.subf %mul3A_341, %convert_element_type3A_351 : vector<16xf32>
        %swap3A = arith.index_cast %mul3A_315 : i32 to index
        %swap3A_353 = tpu.vector_load %arg42[%swap3A] {strides = array<i32>} : memref<2048xf32, #tpu.memory_space<vmem>>, vector<16xf32>,
        %swap3A_354 = vector.shape_cast %swap3A_353 : vector<16xf32> to vector<16xf32>
        %swap3A_355 = vector.shape_cast %sub3A_352 : vector<16xf32> to vector<16xf32>
        tpu.vector_store %arg42[%swap3A], %swap3A_355 {strides = array<i32>} : memref<2048xf32, #tpu.memory_space<vmem>>, vector<16xf32>,
        %convert_element_type3A_356 = arith.sitofp %convert_element_type3A_349 : vector<16xi32> to vector<16xf32>
        %sub3A_357 = arith.subf %mul3A_344, %convert_element_type3A_356 : vector<16xf32>
        %swap3A_358 = arith.index_cast %mul3A_315 : i32 to index
        %swap3A_359 = tpu.vector_load %arg43[%swap3A_358] {strides = array<i32>} : memref<2048xf32, #tpu.memory_space<vmem>>, vector<16xf32>,
        %swap3A_360 = vector.shape_cast %swap3A_359 : vector<16xf32> to vector<16xf32>
        %swap3A_361 = vector.shape_cast %sub3A_357 : vector<16xf32> to vector<16xf32>
        tpu.vector_store %arg43[%swap3A_358], %swap3A_361 {strides = array<i32>} : memref<2048xf32, #tpu.memory_space<vmem>>, vector<16xf32>,
        %convert_element_type3A_362 = arith.sitofp %convert_element_type3A_350 : vector<16xi32> to vector<16xf32>
        %sub3A_363 = arith.subf %mul3A_347, %convert_element_type3A_362 : vector<16xf32>
        %swap3A_364 = arith.index_cast %mul3A_315 : i32 to index
        %swap3A_365 = tpu.vector_load %arg44[%swap3A_364] {strides = array<i32>} : memref<2048xf32, #tpu.memory_space<vmem>>, vector<16xf32>,
        %swap3A_366 = vector.shape_cast %swap3A_365 : vector<16xf32> to vector<16xf32>
        %swap3A_367 = vector.shape_cast %sub3A_363 : vector<16xf32> to vector<16xf32>
        tpu.vector_store %arg44[%swap3A_364], %swap3A_367 {strides = array<i32>} : memref<2048xf32, #tpu.memory_space<vmem>>, vector<16xf32>,
        %jit3A = arith.constant 0 : i32
        %jit3A_368 = arith.constant 71 : i32
        %max3A = vector.broadcast %jit3A : i32 to vector<16xi32>
        %max3A_369 = arith.maxsi %max3A, %convert_element_type3A_348 : vector<16xi32>
        %min3A_370 = vector.broadcast %jit3A_368 : i32 to vector<16xi32>
        %min3A_371 = arith.minsi %min3A_370, %max3A_369 : vector<16xi32>
        %jit3A_372 = arith.constant 0 : i32
        %jit3A_373 = arith.constant 511 : i32
        %max3A_374 = vector.broadcast %jit3A_372 : i32 to vector<16xi32>
        %max3A_375 = arith.maxsi %max3A_374, %convert_element_type3A_349 : vector<16xi32>
        %min3A_376 = vector.broadcast %jit3A_373 : i32 to vector<16xi32>
        %min3A_377 = arith.minsi %min3A_376, %max3A_375 : vector<16xi32>
        %jit3A_378 = arith.constant 0 : i32
        %jit3A_379 = arith.constant 511 : i32
        %max3A_380 = vector.broadcast %jit3A_378 : i32 to vector<16xi32>
        %max3A_381 = arith.maxsi %max3A_380, %convert_element_type3A_350 : vector<16xi32>
        %min3A_382 = vector.broadcast %jit3A_379 : i32 to vector<16xi32>
        %min3A_383 = arith.minsi %min3A_382, %max3A_381 : vector<16xi32>
        %add3A_384 = arith.constant 1 : i32
        %add3A_385 = vector.broadcast %add3A_384 : i32 to vector<16xi32>
        %add3A_386 = arith.addi %min3A_371, %add3A_385 : vector<16xi32>
        %min3A_387 = arith.constant 71 : i32
        %min3A_388 = vector.broadcast %min3A_387 : i32 to vector<16xi32>
        %min3A_389 = arith.minsi %add3A_386, %min3A_388 : vector<16xi32>
        %add3A_390 = arith.constant 1 : i32
        %add3A_391 = vector.broadcast %add3A_390 : i32 to vector<16xi32>
        %add3A_392 = arith.addi %min3A_377, %add3A_391 : vector<16xi32>
        %min3A_393 = arith.constant 511 : i32
        %min3A_394 = vector.broadcast %min3A_393 : i32 to vector<16xi32>
        %min3A_395 = arith.minsi %add3A_392, %min3A_394 : vector<16xi32>
        %add3A_396 = arith.constant 1 : i32
        %add3A_397 = vector.broadcast %add3A_396 : i32 to vector<16xi32>
        %add3A_398 = arith.addi %min3A_383, %add3A_397 : vector<16xi32>
        %min3A_399 = arith.constant 511 : i32
        %min3A_400 = vector.broadcast %min3A_399 : i32 to vector<16xi32>
        %min3A_401 = arith.minsi %add3A_398, %min3A_400 : vector<16xi32>
        %add3A_402 = arith.constant 1.000000e+00 : f32
        %add3A_403 = vector.broadcast %add3A_402 : f32 to vector<16xf32>
        %add3A_404 = arith.addf %get3A_338, %add3A_403 : vector<16xf32>
        %abs3A = math.absf %add3A_404 : vector<16xf32>
        %abs3A_405 = math.absf %get3A_338 : vector<16xf32>
        %sub3A_406 = arith.constant 1.000000e+00 : f32
        %sub3A_407 = vector.broadcast %sub3A_406 : f32 to vector<16xf32>
        %sub3A_408 = arith.subf %get3A_338, %sub3A_407 : vector<16xf32>
        %abs3A_409 = math.absf %sub3A_408 : vector<16xf32>
        %lt3A = arith.cmpf olt, %abs3A_405, %abs3A : vector<16xf32>
        %lt3A_410 = arith.cmpf olt, %abs3A_409, %abs3A_405 : vector<16xf32>
        %jit3A_411 = arith.constant 2 : i32
        %jit3A_412 = arith.constant 1 : i32
        %broadcast_in_dim3A = vector.broadcast %jit3A_411 : i32 to vector<16xi32>
        %broadcast_in_dim3A_413 = vector.broadcast %jit3A_412 : i32 to vector<16xi32>
        %select_n3A = arith.select %lt3A_410, %broadcast_in_dim3A, %broadcast_in_dim3A_413 : vector<16xi1>, vector<16xi32>
        %lt3A_414 = arith.cmpf olt, %abs3A_409, %abs3A : vector<16xf32>
        %jit3A_415 = arith.constant 2 : i32
        %jit3A_416 = arith.constant 0 : i32
        %broadcast_in_dim3A_417 = vector.broadcast %jit3A_415 : i32 to vector<16xi32>
        %broadcast_in_dim3A_418 = vector.broadcast %jit3A_416 : i32 to vector<16xi32>
        %select_n3A_419 = arith.select %lt3A_414, %broadcast_in_dim3A_417, %broadcast_in_dim3A_418 : vector<16xi1>, vector<16xi32>
        %select_n3A_420 = arith.select %lt3A, %select_n3A, %select_n3A_419 : vector<16xi1>, vector<16xi32>
        %mul3A_421 = arith.constant 72 : i32
        %mul3A_422 = vector.broadcast %mul3A_421 : i32 to vector<16xi32>
        %mul3A_423 = arith.muli %select_n3A_420, %mul3A_422 : vector<16xi32>
        %add3A_424 = arith.addi %mul3A_423, %min3A_371 : vector<16xi32>
        %mul3A_425 = arith.constant 262144 : i32
        %mul3A_426 = vector.broadcast %mul3A_425 : i32 to vector<16xi32>
        %mul3A_427 = arith.muli %add3A_424, %mul3A_426 : vector<16xi32>
        %sub3A_428 = arith.subi %min3A_389, %min3A_371 : vector<16xi32>
        %mul3A_429 = arith.constant 262144 : i32
        %mul3A_430 = vector.broadcast %mul3A_429 : i32 to vector<16xi32>
        %mul3A_431 = arith.muli %sub3A_428, %mul3A_430 : vector<16xi32>
        %add3A_432 = arith.addi %mul3A_427, %mul3A_431 : vector<16xi32>
        %shift_right_arithmetic3A_433 = arith.constant 3 : i32
        %shift_right_arithmetic3A_434 = vector.broadcast %shift_right_arithmetic3A_433 : i32 to vector<16xi32>
        %shift_right_arithmetic3A_435 = arith.shrsi %min3A_377, %shift_right_arithmetic3A_434 : vector<16xi32>
        %mul3A_436 = arith.constant 4096 : i32
        %mul3A_437 = vector.broadcast %mul3A_436 : i32 to vector<16xi32>
        %mul3A_438 = arith.muli %shift_right_arithmetic3A_435, %mul3A_437 : vector<16xi32>
        %and3A_439 = arith.constant 7 : i32
        %and3A_440 = vector.broadcast %and3A_439 : i32 to vector<16xi32>
        %and3A_441 = arith.andi %min3A_377, %and3A_440 : vector<16xi32>
        %shift_left3A_442 = arith.constant 7 : i32
        %shift_left3A_443 = vector.broadcast %shift_left3A_442 : i32 to vector<16xi32>
        %shift_left3A_444 = arith.shli %and3A_441, %shift_left3A_443 : vector<16xi32>
        %add3A_445 = arith.addi %mul3A_438, %shift_left3A_444 : vector<16xi32>
        %shift_right_arithmetic3A_446 = arith.constant 3 : i32
        %shift_right_arithmetic3A_447 = vector.broadcast %shift_right_arithmetic3A_446 : i32 to vector<16xi32>
        %shift_right_arithmetic3A_448 = arith.shrsi %min3A_395, %shift_right_arithmetic3A_447 : vector<16xi32>
        %mul3A_449 = arith.constant 4096 : i32
        %mul3A_450 = vector.broadcast %mul3A_449 : i32 to vector<16xi32>
        %mul3A_451 = arith.muli %shift_right_arithmetic3A_448, %mul3A_450 : vector<16xi32>
        %and3A_452 = arith.constant 7 : i32
        %and3A_453 = vector.broadcast %and3A_452 : i32 to vector<16xi32>
        %and3A_454 = arith.andi %min3A_395, %and3A_453 : vector<16xi32>
        %shift_left3A_455 = arith.constant 7 : i32
        %shift_left3A_456 = vector.broadcast %shift_left3A_455 : i32 to vector<16xi32>
        %shift_left3A_457 = arith.shli %and3A_454, %shift_left3A_456 : vector<16xi32>
        %add3A_458 = arith.addi %mul3A_451, %shift_left3A_457 : vector<16xi32>
        %shift_right_arithmetic3A_459 = arith.constant 7 : i32
        %shift_right_arithmetic3A_460 = vector.broadcast %shift_right_arithmetic3A_459 : i32 to vector<16xi32>
        %shift_right_arithmetic3A_461 = arith.shrsi %min3A_383, %shift_right_arithmetic3A_460 : vector<16xi32>
        %shift_left3A_462 = arith.constant 10 : i32
        %shift_left3A_463 = vector.broadcast %shift_left3A_462 : i32 to vector<16xi32>
        %shift_left3A_464 = arith.shli %shift_right_arithmetic3A_461, %shift_left3A_463 : vector<16xi32>
        %and3A_465 = arith.constant 127 : i32
        %and3A_466 = vector.broadcast %and3A_465 : i32 to vector<16xi32>
        %and3A_467 = arith.andi %min3A_383, %and3A_466 : vector<16xi32>
        %add3A_468 = arith.addi %shift_left3A_464, %and3A_467 : vector<16xi32>
        %shift_right_arithmetic3A_469 = arith.constant 7 : i32
        %shift_right_arithmetic3A_470 = vector.broadcast %shift_right_arithmetic3A_469 : i32 to vector<16xi32>
        %shift_right_arithmetic3A_471 = arith.shrsi %min3A_401, %shift_right_arithmetic3A_470 : vector<16xi32>
        %shift_left3A_472 = arith.constant 10 : i32
        %shift_left3A_473 = vector.broadcast %shift_left3A_472 : i32 to vector<16xi32>
        %shift_left3A_474 = arith.shli %shift_right_arithmetic3A_471, %shift_left3A_473 : vector<16xi32>
        %and3A_475 = arith.constant 127 : i32
        %and3A_476 = vector.broadcast %and3A_475 : i32 to vector<16xi32>
        %and3A_477 = arith.andi %min3A_401, %and3A_476 : vector<16xi32>
        %add3A_478 = arith.addi %shift_left3A_474, %and3A_477 : vector<16xi32>
        %add3A_479 = arith.addi %mul3A_427, %add3A_445 : vector<16xi32>
        %add3A_480 = arith.addi %mul3A_427, %add3A_458 : vector<16xi32>
        %add3A_481 = arith.addi %add3A_432, %add3A_445 : vector<16xi32>
        %add3A_482 = arith.addi %add3A_432, %add3A_458 : vector<16xi32>
        %add3A_483 = arith.addi %add3A_479, %add3A_468 : vector<16xi32>
        %swap3A_484 = arith.index_cast %mul3A_315 : i32 to index
        %swap3A_485 = tpu.vector_load %arg15[%swap3A_484] {strides = array<i32>} : memref<2048xi32, #tpu.memory_space<vmem>>, vector<16xi32>,
        %swap3A_486 = vector.shape_cast %swap3A_485 : vector<16xi32> to vector<16xi32>
        %swap3A_487 = vector.shape_cast %add3A_483 : vector<16xi32> to vector<16xi32>
        tpu.vector_store %arg15[%swap3A_484], %swap3A_487 {strides = array<i32>} : memref<2048xi32, #tpu.memory_space<vmem>>, vector<16xi32>,
        %add3A_488 = arith.addi %add3A_479, %add3A_478 : vector<16xi32>
        %swap3A_489 = arith.index_cast %mul3A_315 : i32 to index
        %swap3A_490 = tpu.vector_load %arg16[%swap3A_489] {strides = array<i32>} : memref<2048xi32, #tpu.memory_space<vmem>>, vector<16xi32>,
        %swap3A_491 = vector.shape_cast %swap3A_490 : vector<16xi32> to vector<16xi32>
        %swap3A_492 = vector.shape_cast %add3A_488 : vector<16xi32> to vector<16xi32>
        tpu.vector_store %arg16[%swap3A_489], %swap3A_492 {strides = array<i32>} : memref<2048xi32, #tpu.memory_space<vmem>>, vector<16xi32>,
        %add3A_493 = arith.addi %add3A_480, %add3A_468 : vector<16xi32>
        %swap3A_494 = arith.index_cast %mul3A_315 : i32 to index
        %swap3A_495 = tpu.vector_load %arg17[%swap3A_494] {strides = array<i32>} : memref<2048xi32, #tpu.memory_space<vmem>>, vector<16xi32>,
        %swap3A_496 = vector.shape_cast %swap3A_495 : vector<16xi32> to vector<16xi32>
        %swap3A_497 = vector.shape_cast %add3A_493 : vector<16xi32> to vector<16xi32>
        tpu.vector_store %arg17[%swap3A_494], %swap3A_497 {strides = array<i32>} : memref<2048xi32, #tpu.memory_space<vmem>>, vector<16xi32>,
        %add3A_498 = arith.addi %add3A_480, %add3A_478 : vector<16xi32>
        %swap3A_499 = arith.index_cast %mul3A_315 : i32 to index
        %swap3A_500 = tpu.vector_load %arg18[%swap3A_499] {strides = array<i32>} : memref<2048xi32, #tpu.memory_space<vmem>>, vector<16xi32>,
        %swap3A_501 = vector.shape_cast %swap3A_500 : vector<16xi32> to vector<16xi32>
        %swap3A_502 = vector.shape_cast %add3A_498 : vector<16xi32> to vector<16xi32>
        tpu.vector_store %arg18[%swap3A_499], %swap3A_502 {strides = array<i32>} : memref<2048xi32, #tpu.memory_space<vmem>>, vector<16xi32>,
        %add3A_503 = arith.addi %add3A_481, %add3A_468 : vector<16xi32>
        %swap3A_504 = arith.index_cast %mul3A_315 : i32 to index
        %swap3A_505 = tpu.vector_load %arg19[%swap3A_504] {strides = array<i32>} : memref<2048xi32, #tpu.memory_space<vmem>>, vector<16xi32>,
        %swap3A_506 = vector.shape_cast %swap3A_505 : vector<16xi32> to vector<16xi32>
        %swap3A_507 = vector.shape_cast %add3A_503 : vector<16xi32> to vector<16xi32>
        tpu.vector_store %arg19[%swap3A_504], %swap3A_507 {strides = array<i32>} : memref<2048xi32, #tpu.memory_space<vmem>>, vector<16xi32>,
        %add3A_508 = arith.addi %add3A_481, %add3A_478 : vector<16xi32>
        %swap3A_509 = arith.index_cast %mul3A_315 : i32 to index
        %swap3A_510 = tpu.vector_load %arg20[%swap3A_509] {strides = array<i32>} : memref<2048xi32, #tpu.memory_space<vmem>>, vector<16xi32>,
        %swap3A_511 = vector.shape_cast %swap3A_510 : vector<16xi32> to vector<16xi32>
        %swap3A_512 = vector.shape_cast %add3A_508 : vector<16xi32> to vector<16xi32>
        tpu.vector_store %arg20[%swap3A_509], %swap3A_512 {strides = array<i32>} : memref<2048xi32, #tpu.memory_space<vmem>>, vector<16xi32>,
        %add3A_513 = arith.addi %add3A_482, %add3A_468 : vector<16xi32>
        %swap3A_514 = arith.index_cast %mul3A_315 : i32 to index
        %swap3A_515 = tpu.vector_load %arg21[%swap3A_514] {strides = array<i32>} : memref<2048xi32, #tpu.memory_space<vmem>>, vector<16xi32>,
        %swap3A_516 = vector.shape_cast %swap3A_515 : vector<16xi32> to vector<16xi32>
        %swap3A_517 = vector.shape_cast %add3A_513 : vector<16xi32> to vector<16xi32>
        tpu.vector_store %arg21[%swap3A_514], %swap3A_517 {strides = array<i32>} : memref<2048xi32, #tpu.memory_space<vmem>>, vector<16xi32>,
        %add3A_518 = arith.addi %add3A_482, %add3A_478 : vector<16xi32>
        %swap3A_519 = arith.index_cast %mul3A_315 : i32 to index
        %swap3A_520 = tpu.vector_load %arg22[%swap3A_519] {strides = array<i32>} : memref<2048xi32, #tpu.memory_space<vmem>>, vector<16xi32>,
        %swap3A_521 = vector.shape_cast %swap3A_520 : vector<16xi32> to vector<16xi32>
        %swap3A_522 = vector.shape_cast %add3A_518 : vector<16xi32> to vector<16xi32>
        tpu.vector_store %arg22[%swap3A_519], %swap3A_522 {strides = array<i32>} : memref<2048xi32, #tpu.memory_space<vmem>>, vector<16xi32>,
        %scan3A_523 = arith.constant 0 : i32
        scf.yield %scan3A_523 : i32
      }
      %scan3A_177 = arith.constant 128 : i32
      %add3A_178 = arith.constant 1 : i32
      %add3A_179 = arith.addi %add3A_163, %add3A_178 : i32
      %mul3A_180 = arith.constant 2048 : i32
      %mul3A_181 = arith.muli %add3A_179, %mul3A_180 : i32
      %add3A_182 = arith.addi %mul3A_2, %mul3A_181 : i32
      %min3A_183 = arith.minsi %add3A_182, %add3A_4 : i32
      %mul3A_184 = arith.constant 4 : i32
      %mul3A_185 = arith.muli %min3A_183, %mul3A_184 : i32
      %dma_start3A_186 = tpu.memref_slice %arg2[%mul3A_185] : memref<4194304xf32, #tpu.memory_space<hbm>> -> memref<8192xf32, #tpu.memory_space<hbm>>
      %dma_start3A_187 = tpu.memref_slice %arg2[%mul3A_185] : memref<4194304xf32, #tpu.memory_space<hbm>> -> memref<8192xf32, #tpu.memory_space<hbm>>
      tpu.enqueue_dma source(%dma_start3A_187 : memref<8192xf32, #tpu.memory_space<hbm>>) target(%arg5 : memref<8192xf32, #tpu.memory_space<vmem>>) target_semaphore(%arg49 : memref<!tpu.dma_semaphore, #tpu.memory_space<semaphore_mem>>)
      %dma_start3A_188 = arith.constant 0 : i32
      %dma_start3A_189 = tpu.memref_slice %arg3[%dma_start3A_188] : memref<56623104xf32, #tpu.memory_space<hbm>> -> memref<56623104xf32, #tpu.memory_space<hbm>>
      tpu.enqueue_indirect_dma source(%dma_start3A_189 : memref<56623104xf32, #tpu.memory_space<hbm>>) target(%arg31 : memref<2048xf32, #tpu.memory_space<vmem>>) offsets(%arg15 : memref<2048xi32, #tpu.memory_space<vmem>>) semaphore(%arg48 : memref<!tpu.dma_semaphore, #tpu.memory_space<semaphore_mem>>)
      %dma_start3A_190 = arith.constant 0 : i32
      %dma_start3A_191 = tpu.memref_slice %arg3[%dma_start3A_190] : memref<56623104xf32, #tpu.memory_space<hbm>> -> memref<56623104xf32, #tpu.memory_space<hbm>>
      tpu.enqueue_indirect_dma source(%dma_start3A_191 : memref<56623104xf32, #tpu.memory_space<hbm>>) target(%arg32 : memref<2048xf32, #tpu.memory_space<vmem>>) offsets(%arg16 : memref<2048xi32, #tpu.memory_space<vmem>>) semaphore(%arg48 : memref<!tpu.dma_semaphore, #tpu.memory_space<semaphore_mem>>)
      %dma_start3A_192 = arith.constant 0 : i32
      %dma_start3A_193 = tpu.memref_slice %arg3[%dma_start3A_192] : memref<56623104xf32, #tpu.memory_space<hbm>> -> memref<56623104xf32, #tpu.memory_space<hbm>>
      tpu.enqueue_indirect_dma source(%dma_start3A_193 : memref<56623104xf32, #tpu.memory_space<hbm>>) target(%arg33 : memref<2048xf32, #tpu.memory_space<vmem>>) offsets(%arg17 : memref<2048xi32, #tpu.memory_space<vmem>>) semaphore(%arg48 : memref<!tpu.dma_semaphore, #tpu.memory_space<semaphore_mem>>)
      %dma_start3A_194 = arith.constant 0 : i32
      %dma_start3A_195 = tpu.memref_slice %arg3[%dma_start3A_194] : memref<56623104xf32, #tpu.memory_space<hbm>> -> memref<56623104xf32, #tpu.memory_space<hbm>>
      tpu.enqueue_indirect_dma source(%dma_start3A_195 : memref<56623104xf32, #tpu.memory_space<hbm>>) target(%arg34 : memref<2048xf32, #tpu.memory_space<vmem>>) offsets(%arg18 : memref<2048xi32, #tpu.memory_space<vmem>>) semaphore(%arg48 : memref<!tpu.dma_semaphore, #tpu.memory_space<semaphore_mem>>)
      %dma_start3A_196 = arith.constant 0 : i32
      %dma_start3A_197 = tpu.memref_slice %arg3[%dma_start3A_196] : memref<56623104xf32, #tpu.memory_space<hbm>> -> memref<56623104xf32, #tpu.memory_space<hbm>>
      tpu.enqueue_indirect_dma source(%dma_start3A_197 : memref<56623104xf32, #tpu.memory_space<hbm>>) target(%arg35 : memref<2048xf32, #tpu.memory_space<vmem>>) offsets(%arg19 : memref<2048xi32, #tpu.memory_space<vmem>>) semaphore(%arg48 : memref<!tpu.dma_semaphore, #tpu.memory_space<semaphore_mem>>)
      %dma_start3A_198 = arith.constant 0 : i32
      %dma_start3A_199 = tpu.memref_slice %arg3[%dma_start3A_198] : memref<56623104xf32, #tpu.memory_space<hbm>> -> memref<56623104xf32, #tpu.memory_space<hbm>>
      tpu.enqueue_indirect_dma source(%dma_start3A_199 : memref<56623104xf32, #tpu.memory_space<hbm>>) target(%arg36 : memref<2048xf32, #tpu.memory_space<vmem>>) offsets(%arg20 : memref<2048xi32, #tpu.memory_space<vmem>>) semaphore(%arg48 : memref<!tpu.dma_semaphore, #tpu.memory_space<semaphore_mem>>)
      %dma_start3A_200 = arith.constant 0 : i32
      %dma_start3A_201 = tpu.memref_slice %arg3[%dma_start3A_200] : memref<56623104xf32, #tpu.memory_space<hbm>> -> memref<56623104xf32, #tpu.memory_space<hbm>>
      tpu.enqueue_indirect_dma source(%dma_start3A_201 : memref<56623104xf32, #tpu.memory_space<hbm>>) target(%arg37 : memref<2048xf32, #tpu.memory_space<vmem>>) offsets(%arg21 : memref<2048xi32, #tpu.memory_space<vmem>>) semaphore(%arg48 : memref<!tpu.dma_semaphore, #tpu.memory_space<semaphore_mem>>)
      %dma_start3A_202 = arith.constant 0 : i32
      %dma_start3A_203 = tpu.memref_slice %arg3[%dma_start3A_202] : memref<56623104xf32, #tpu.memory_space<hbm>> -> memref<56623104xf32, #tpu.memory_space<hbm>>
      tpu.enqueue_indirect_dma source(%dma_start3A_203 : memref<56623104xf32, #tpu.memory_space<hbm>>) target(%arg38 : memref<2048xf32, #tpu.memory_space<vmem>>) offsets(%arg22 : memref<2048xi32, #tpu.memory_space<vmem>>) semaphore(%arg48 : memref<!tpu.dma_semaphore, #tpu.memory_space<semaphore_mem>>)
      %dma_wait3A_204 = arith.constant 0 : i32
      %dma_wait3A_205 = tpu.memref_slice %arg3[%dma_wait3A_204] : memref<56623104xf32, #tpu.memory_space<hbm>> -> memref<56623104xf32, #tpu.memory_space<hbm>>
      tpu.wait_indirect_dma semaphore(%arg47 : memref<!tpu.dma_semaphore, #tpu.memory_space<semaphore_mem>>) src(%dma_wait3A_205 : memref<56623104xf32, #tpu.memory_space<hbm>>) dst(%arg23 : memref<2048xf32, #tpu.memory_space<vmem>>)
      %dma_wait3A_206 = arith.constant 0 : i32
      %dma_wait3A_207 = tpu.memref_slice %arg3[%dma_wait3A_206] : memref<56623104xf32, #tpu.memory_space<hbm>> -> memref<56623104xf32, #tpu.memory_space<hbm>>
      tpu.wait_indirect_dma semaphore(%arg47 : memref<!tpu.dma_semaphore, #tpu.memory_space<semaphore_mem>>) src(%dma_wait3A_207 : memref<56623104xf32, #tpu.memory_space<hbm>>) dst(%arg24 : memref<2048xf32, #tpu.memory_space<vmem>>)
      %dma_wait3A_208 = arith.constant 0 : i32
      %dma_wait3A_209 = tpu.memref_slice %arg3[%dma_wait3A_208] : memref<56623104xf32, #tpu.memory_space<hbm>> -> memref<56623104xf32, #tpu.memory_space<hbm>>
      tpu.wait_indirect_dma semaphore(%arg47 : memref<!tpu.dma_semaphore, #tpu.memory_space<semaphore_mem>>) src(%dma_wait3A_209 : memref<56623104xf32, #tpu.memory_space<hbm>>) dst(%arg25 : memref<2048xf32, #tpu.memory_space<vmem>>)
      %dma_wait3A_210 = arith.constant 0 : i32
      %dma_wait3A_211 = tpu.memref_slice %arg3[%dma_wait3A_210] : memref<56623104xf32, #tpu.memory_space<hbm>> -> memref<56623104xf32, #tpu.memory_space<hbm>>
      tpu.wait_indirect_dma semaphore(%arg47 : memref<!tpu.dma_semaphore, #tpu.memory_space<semaphore_mem>>) src(%dma_wait3A_211 : memref<56623104xf32, #tpu.memory_space<hbm>>) dst(%arg26 : memref<2048xf32, #tpu.memory_space<vmem>>)
      %dma_wait3A_212 = arith.constant 0 : i32
      %dma_wait3A_213 = tpu.memref_slice %arg3[%dma_wait3A_212] : memref<56623104xf32, #tpu.memory_space<hbm>> -> memref<56623104xf32, #tpu.memory_space<hbm>>
      tpu.wait_indirect_dma semaphore(%arg47 : memref<!tpu.dma_semaphore, #tpu.memory_space<semaphore_mem>>) src(%dma_wait3A_213 : memref<56623104xf32, #tpu.memory_space<hbm>>) dst(%arg27 : memref<2048xf32, #tpu.memory_space<vmem>>)
      %dma_wait3A_214 = arith.constant 0 : i32
      %dma_wait3A_215 = tpu.memref_slice %arg3[%dma_wait3A_214] : memref<56623104xf32, #tpu.memory_space<hbm>> -> memref<56623104xf32, #tpu.memory_space<hbm>>
      tpu.wait_indirect_dma semaphore(%arg47 : memref<!tpu.dma_semaphore, #tpu.memory_space<semaphore_mem>>) src(%dma_wait3A_215 : memref<56623104xf32, #tpu.memory_space<hbm>>) dst(%arg28 : memref<2048xf32, #tpu.memory_space<vmem>>)
      %dma_wait3A_216 = arith.constant 0 : i32
      %dma_wait3A_217 = tpu.memref_slice %arg3[%dma_wait3A_216] : memref<56623104xf32, #tpu.memory_space<hbm>> -> memref<56623104xf32, #tpu.memory_space<hbm>>
      tpu.wait_indirect_dma semaphore(%arg47 : memref<!tpu.dma_semaphore, #tpu.memory_space<semaphore_mem>>) src(%dma_wait3A_217 : memref<56623104xf32, #tpu.memory_space<hbm>>) dst(%arg29 : memref<2048xf32, #tpu.memory_space<vmem>>)
      %dma_wait3A_218 = arith.constant 0 : i32
      %dma_wait3A_219 = tpu.memref_slice %arg3[%dma_wait3A_218] : memref<56623104xf32, #tpu.memory_space<hbm>> -> memref<56623104xf32, #tpu.memory_space<hbm>>
      tpu.wait_indirect_dma semaphore(%arg47 : memref<!tpu.dma_semaphore, #tpu.memory_space<semaphore_mem>>) src(%dma_wait3A_219 : memref<56623104xf32, #tpu.memory_space<hbm>>) dst(%arg30 : memref<2048xf32, #tpu.memory_space<vmem>>)
      %mul3A_220 = arith.constant 2048 : i32
      %mul3A_221 = arith.muli %mul3A_161, %mul3A_220 : i32
      %add3A_222 = arith.addi %mul3A_2, %mul3A_221 : i32
      %ge3A = arith.constant 2 : i32
      %ge3A_223 = arith.cmpi sge, %mul3A_161, %ge3A : i32
      %convert_element_type3A = arith.extui %ge3A_223 : i1 to i32
      %cond3A = arith.constant 0 : i32
      %cond3A_224 = arith.cmpi ne, %convert_element_type3A, %cond3A : i32
      scf.if %cond3A_224 {
        %sub3A_312 = arith.constant 4096 : i32
        %sub3A_313 = arith.subi %add3A_222, %sub3A_312 : i32
        %dma_wait3A_314 = tpu.memref_slice %arg4[%sub3A_313] : memref<1048576xf32, #tpu.memory_space<hbm>> -> memref<2048xf32, #tpu.memory_space<hbm>>
        %dma_wait3A_315 = tpu.memref_slice %arg4[%sub3A_313] : memref<1048576xf32, #tpu.memory_space<hbm>> -> memref<2048xf32, #tpu.memory_space<hbm>>
        tpu.wait_dma2 semaphore(%arg51 : memref<!tpu.dma_semaphore, #tpu.memory_space<semaphore_mem>>) src(%arg45 : memref<2048xf32, #tpu.memory_space<vmem>>) dst(%dma_wait3A_315 : memref<2048xf32, #tpu.memory_space<hbm>>)
      } else {
      }
      %scan3A_225 = arith.constant 0 : i32
      %scan3A_226 = arith.constant 0 : i32
      %scan3A_227 = arith.constant 128 : i32
      %scan3A_228 = arith.addi %scan3A_226, %scan3A_227 : i32
      %scan3A_229 = arith.constant 1 : i32
      %scan3A_230 = scf.for %scan3A_312 = %scan3A_226 to %scan3A_228 step %scan3A_229 iter_args(%scan3A_313 = %scan3A_225) -> (i32)  : i32 {
        %mul3A_314 = arith.constant 16 : i32
        %mul3A_315 = arith.muli %scan3A_312, %mul3A_314 : i32
        %get3A = arith.index_cast %mul3A_315 : i32 to index
        %get3A_316 = tpu.vector_load %arg41[%get3A] {strides = array<i32>} : memref<2048xf32, #tpu.memory_space<vmem>>, vector<16xf32>,
        %get3A_317 = vector.shape_cast %get3A_316 : vector<16xf32> to vector<16xf32>
        %get3A_318 = arith.index_cast %mul3A_315 : i32 to index
        %get3A_319 = tpu.vector_load %arg40[%get3A_318] {strides = array<i32>} : memref<2048xf32, #tpu.memory_space<vmem>>, vector<16xf32>,
        %get3A_320 = vector.shape_cast %get3A_319 : vector<16xf32> to vector<16xf32>
        %get3A_321 = arith.index_cast %mul3A_315 : i32 to index
        %get3A_322 = tpu.vector_load %arg39[%get3A_321] {strides = array<i32>} : memref<2048xf32, #tpu.memory_space<vmem>>, vector<16xf32>,
        %get3A_323 = vector.shape_cast %get3A_322 : vector<16xf32> to vector<16xf32>
        %get3A_324 = arith.index_cast %mul3A_315 : i32 to index
        %get3A_325 = tpu.vector_load %arg23[%get3A_324] {strides = array<i32>} : memref<2048xf32, #tpu.memory_space<vmem>>, vector<16xf32>,
        %get3A_326 = vector.shape_cast %get3A_325 : vector<16xf32> to vector<16xf32>
        %sub3A_327 = arith.constant 1.000000e+00 : f32
        %sub3A_328 = vector.broadcast %sub3A_327 : f32 to vector<16xf32>
        %sub3A_329 = arith.subf %sub3A_328, %get3A_317 : vector<16xf32>
        %mul3A_330 = arith.mulf %get3A_326, %sub3A_329 : vector<16xf32>
        %get3A_331 = arith.index_cast %mul3A_315 : i32 to index
        %get3A_332 = tpu.vector_load %arg24[%get3A_331] {strides = array<i32>} : memref<2048xf32, #tpu.memory_space<vmem>>, vector<16xf32>,
        %get3A_333 = vector.shape_cast %get3A_332 : vector<16xf32> to vector<16xf32>
        %mul3A_334 = arith.mulf %get3A_333, %get3A_317 : vector<16xf32>
        %add3A_335 = arith.addf %mul3A_330, %mul3A_334 : vector<16xf32>
        %get3A_336 = arith.index_cast %mul3A_315 : i32 to index
        %get3A_337 = tpu.vector_load %arg25[%get3A_336] {strides = array<i32>} : memref<2048xf32, #tpu.memory_space<vmem>>, vector<16xf32>,
        %get3A_338 = vector.shape_cast %get3A_337 : vector<16xf32> to vector<16xf32>
        %sub3A_339 = arith.constant 1.000000e+00 : f32
        %sub3A_340 = vector.broadcast %sub3A_339 : f32 to vector<16xf32>
        %sub3A_341 = arith.subf %sub3A_340, %get3A_317 : vector<16xf32>
        %mul3A_342 = arith.mulf %get3A_338, %sub3A_341 : vector<16xf32>
        %get3A_343 = arith.index_cast %mul3A_315 : i32 to index
        %get3A_344 = tpu.vector_load %arg26[%get3A_343] {strides = array<i32>} : memref<2048xf32, #tpu.memory_space<vmem>>, vector<16xf32>,
        %get3A_345 = vector.shape_cast %get3A_344 : vector<16xf32> to vector<16xf32>
        %mul3A_346 = arith.mulf %get3A_345, %get3A_317 : vector<16xf32>
        %add3A_347 = arith.addf %mul3A_342, %mul3A_346 : vector<16xf32>
        %get3A_348 = arith.index_cast %mul3A_315 : i32 to index
        %get3A_349 = tpu.vector_load %arg27[%get3A_348] {strides = array<i32>} : memref<2048xf32, #tpu.memory_space<vmem>>, vector<16xf32>,
        %get3A_350 = vector.shape_cast %get3A_349 : vector<16xf32> to vector<16xf32>
        %sub3A_351 = arith.constant 1.000000e+00 : f32
        %sub3A_352 = vector.broadcast %sub3A_351 : f32 to vector<16xf32>
        %sub3A_353 = arith.subf %sub3A_352, %get3A_317 : vector<16xf32>
        %mul3A_354 = arith.mulf %get3A_350, %sub3A_353 : vector<16xf32>
        %get3A_355 = arith.index_cast %mul3A_315 : i32 to index
        %get3A_356 = tpu.vector_load %arg28[%get3A_355] {strides = array<i32>} : memref<2048xf32, #tpu.memory_space<vmem>>, vector<16xf32>,
        %get3A_357 = vector.shape_cast %get3A_356 : vector<16xf32> to vector<16xf32>
        %mul3A_358 = arith.mulf %get3A_357, %get3A_317 : vector<16xf32>
        %add3A_359 = arith.addf %mul3A_354, %mul3A_358 : vector<16xf32>
        %get3A_360 = arith.index_cast %mul3A_315 : i32 to index
        %get3A_361 = tpu.vector_load %arg29[%get3A_360] {strides = array<i32>} : memref<2048xf32, #tpu.memory_space<vmem>>, vector<16xf32>,
        %get3A_362 = vector.shape_cast %get3A_361 : vector<16xf32> to vector<16xf32>
        %sub3A_363 = arith.constant 1.000000e+00 : f32
        %sub3A_364 = vector.broadcast %sub3A_363 : f32 to vector<16xf32>
        %sub3A_365 = arith.subf %sub3A_364, %get3A_317 : vector<16xf32>
        %mul3A_366 = arith.mulf %get3A_362, %sub3A_365 : vector<16xf32>
        %get3A_367 = arith.index_cast %mul3A_315 : i32 to index
        %get3A_368 = tpu.vector_load %arg30[%get3A_367] {strides = array<i32>} : memref<2048xf32, #tpu.memory_space<vmem>>, vector<16xf32>,
        %get3A_369 = vector.shape_cast %get3A_368 : vector<16xf32> to vector<16xf32>
        %mul3A_370 = arith.mulf %get3A_369, %get3A_317 : vector<16xf32>
        %add3A_371 = arith.addf %mul3A_366, %mul3A_370 : vector<16xf32>
        %sub3A_372 = arith.constant 1.000000e+00 : f32
        %sub3A_373 = vector.broadcast %sub3A_372 : f32 to vector<16xf32>
        %sub3A_374 = arith.subf %sub3A_373, %get3A_320 : vector<16xf32>
        %mul3A_375 = arith.mulf %add3A_335, %sub3A_374 : vector<16xf32>
        %mul3A_376 = arith.mulf %add3A_347, %get3A_320 : vector<16xf32>
        %add3A_377 = arith.addf %mul3A_375, %mul3A_376 : vector<16xf32>
        %sub3A_378 = arith.constant 1.000000e+00 : f32
        %sub3A_379 = vector.broadcast %sub3A_378 : f32 to vector<16xf32>
        %sub3A_380 = arith.subf %sub3A_379, %get3A_320 : vector<16xf32>
        %mul3A_381 = arith.mulf %add3A_359, %sub3A_380 : vector<16xf32>
        %mul3A_382 = arith.mulf %add3A_371, %get3A_320 : vector<16xf32>
        %add3A_383 = arith.addf %mul3A_381, %mul3A_382 : vector<16xf32>
        %sub3A_384 = arith.constant 1.000000e+00 : f32
        %sub3A_385 = vector.broadcast %sub3A_384 : f32 to vector<16xf32>
        %sub3A_386 = arith.subf %sub3A_385, %get3A_323 : vector<16xf32>
        %mul3A_387 = arith.mulf %add3A_377, %sub3A_386 : vector<16xf32>
        %mul3A_388 = arith.mulf %add3A_383, %get3A_323 : vector<16xf32>
        %add3A_389 = arith.addf %mul3A_387, %mul3A_388 : vector<16xf32>
        %swap3A = arith.index_cast %mul3A_315 : i32 to index
        %swap3A_390 = tpu.vector_load %arg45[%swap3A] {strides = array<i32>} : memref<2048xf32, #tpu.memory_space<vmem>>, vector<16xf32>,
        %swap3A_391 = vector.shape_cast %swap3A_390 : vector<16xf32> to vector<16xf32>
        %swap3A_392 = vector.shape_cast %add3A_389 : vector<16xf32> to vector<16xf32>
        tpu.vector_store %arg45[%swap3A], %swap3A_392 {strides = array<i32>} : memref<2048xf32, #tpu.memory_space<vmem>>, vector<16xf32>,
        %scan3A_393 = arith.constant 0 : i32
        scf.yield %scan3A_393 : i32
      }
      %scan3A_231 = arith.constant 128 : i32
      %dma_start3A_232 = tpu.memref_slice %arg4[%add3A_222] : memref<1048576xf32, #tpu.memory_space<hbm>> -> memref<2048xf32, #tpu.memory_space<hbm>>
      %dma_start3A_233 = tpu.memref_slice %arg4[%add3A_222] : memref<1048576xf32, #tpu.memory_space<hbm>> -> memref<2048xf32, #tpu.memory_space<hbm>>
      tpu.enqueue_dma source(%arg45 : memref<2048xf32, #tpu.memory_space<vmem>>) target(%dma_start3A_233 : memref<2048xf32, #tpu.memory_space<hbm>>) target_semaphore(%arg51 : memref<!tpu.dma_semaphore, #tpu.memory_space<semaphore_mem>>)
      %add3A_234 = arith.constant 2 : i32
      %add3A_235 = arith.addi %mul3A_161, %add3A_234 : i32
      %mul3A_236 = arith.constant 2048 : i32
      %mul3A_237 = arith.muli %add3A_235, %mul3A_236 : i32
      %add3A_238 = arith.addi %mul3A_2, %mul3A_237 : i32
      %mul3A_239 = arith.constant 4 : i32
      %mul3A_240 = arith.muli %add3A_238, %mul3A_239 : i32
      %dma_wait3A_241 = tpu.memref_slice %arg2[%mul3A_240] : memref<4194304xf32, #tpu.memory_space<hbm>> -> memref<8192xf32, #tpu.memory_space<hbm>>
      %dma_wait3A_242 = tpu.memref_slice %arg2[%mul3A_240] : memref<4194304xf32, #tpu.memory_space<hbm>> -> memref<8192xf32, #tpu.memory_space<hbm>>
      tpu.wait_dma2 semaphore(%arg49 : memref<!tpu.dma_semaphore, #tpu.memory_space<semaphore_mem>>) src(%dma_wait3A_242 : memref<8192xf32, #tpu.memory_space<hbm>>) dst(%arg5 : memref<8192xf32, #tpu.memory_space<vmem>>)
      %scan3A_243 = arith.constant 0 : i32
      %scan3A_244 = arith.constant 0 : i32
      %scan3A_245 = arith.constant 128 : i32
      %scan3A_246 = arith.addi %scan3A_244, %scan3A_245 : i32
      %scan3A_247 = arith.constant 1 : i32
      %scan3A_248 = scf.for %scan3A_312 = %scan3A_244 to %scan3A_246 step %scan3A_247 iter_args(%scan3A_313 = %scan3A_243) -> (i32)  : i32 {
        %mul3A_314 = arith.constant 16 : i32
        %mul3A_315 = arith.muli %scan3A_312, %mul3A_314 : i32
        %shift_right_arithmetic3A = arith.constant 3 : i32
        %shift_right_arithmetic3A_316 = arith.shrsi %scan3A_312, %shift_right_arithmetic3A : i32
        %shift_left3A = arith.constant 9 : i32
        %shift_left3A_317 = arith.shli %shift_right_arithmetic3A_316, %shift_left3A : i32
        %and3A = arith.constant 7 : i32
        %and3A_318 = arith.andi %scan3A_312, %and3A : i32
        %shift_left3A_319 = arith.constant 4 : i32
        %shift_left3A_320 = arith.shli %and3A_318, %shift_left3A_319 : i32
        %add3A_321 = arith.addi %shift_left3A_317, %shift_left3A_320 : i32
        %get3A = arith.index_cast %add3A_321 : i32 to index
        %get3A_322 = tpu.vector_load %arg5[%get3A] {strides = array<i32>} : memref<8192xf32, #tpu.memory_space<vmem>>, vector<16xf32>,
        %get3A_323 = vector.shape_cast %get3A_322 : vector<16xf32> to vector<16xf32>
        %add3A_324 = arith.constant 128 : i32
        %add3A_325 = arith.addi %add3A_321, %add3A_324 : i32
        %get3A_326 = arith.index_cast %add3A_325 : i32 to index
        %get3A_327 = tpu.vector_load %arg5[%get3A_326] {strides = array<i32>} : memref<8192xf32, #tpu.memory_space<vmem>>, vector<16xf32>,
        %get3A_328 = vector.shape_cast %get3A_327 : vector<16xf32> to vector<16xf32>
        %add3A_329 = arith.constant 256 : i32
        %add3A_330 = arith.addi %add3A_321, %add3A_329 : i32
        %get3A_331 = arith.index_cast %add3A_330 : i32 to index
        %get3A_332 = tpu.vector_load %arg5[%get3A_331] {strides = array<i32>} : memref<8192xf32, #tpu.memory_space<vmem>>, vector<16xf32>,
        %get3A_333 = vector.shape_cast %get3A_332 : vector<16xf32> to vector<16xf32>
        %add3A_334 = arith.constant 384 : i32
        %add3A_335 = arith.addi %add3A_321, %add3A_334 : i32
        %get3A_336 = arith.index_cast %add3A_335 : i32 to index
        %get3A_337 = tpu.vector_load %arg5[%get3A_336] {strides = array<i32>} : memref<8192xf32, #tpu.memory_space<vmem>>, vector<16xf32>,
        %get3A_338 = vector.shape_cast %get3A_337 : vector<16xf32> to vector<16xf32>
        %mul3A_339 = arith.constant 7.100000e+01 : f32
        %mul3A_340 = vector.broadcast %mul3A_339 : f32 to vector<16xf32>
        %mul3A_341 = arith.mulf %get3A_323, %mul3A_340 : vector<16xf32>
        %mul3A_342 = arith.constant 5.110000e+02 : f32
        %mul3A_343 = vector.broadcast %mul3A_342 : f32 to vector<16xf32>
        %mul3A_344 = arith.mulf %get3A_328, %mul3A_343 : vector<16xf32>
        %mul3A_345 = arith.constant 5.110000e+02 : f32
        %mul3A_346 = vector.broadcast %mul3A_345 : f32 to vector<16xf32>
        %mul3A_347 = arith.mulf %get3A_333, %mul3A_346 : vector<16xf32>
        %convert_element_type3A_348 = arith.fptosi %mul3A_341 : vector<16xf32> to vector<16xi32>
        %convert_element_type3A_349 = arith.fptosi %mul3A_344 : vector<16xf32> to vector<16xi32>
        %convert_element_type3A_350 = arith.fptosi %mul3A_347 : vector<16xf32> to vector<16xi32>
        %convert_element_type3A_351 = arith.sitofp %convert_element_type3A_348 : vector<16xi32> to vector<16xf32>
        %sub3A_352 = arith.subf %mul3A_341, %convert_element_type3A_351 : vector<16xf32>
        %swap3A = arith.index_cast %mul3A_315 : i32 to index
        %swap3A_353 = tpu.vector_load %arg39[%swap3A] {strides = array<i32>} : memref<2048xf32, #tpu.memory_space<vmem>>, vector<16xf32>,
        %swap3A_354 = vector.shape_cast %swap3A_353 : vector<16xf32> to vector<16xf32>
        %swap3A_355 = vector.shape_cast %sub3A_352 : vector<16xf32> to vector<16xf32>
        tpu.vector_store %arg39[%swap3A], %swap3A_355 {strides = array<i32>} : memref<2048xf32, #tpu.memory_space<vmem>>, vector<16xf32>,
        %convert_element_type3A_356 = arith.sitofp %convert_element_type3A_349 : vector<16xi32> to vector<16xf32>
        %sub3A_357 = arith.subf %mul3A_344, %convert_element_type3A_356 : vector<16xf32>
        %swap3A_358 = arith.index_cast %mul3A_315 : i32 to index
        %swap3A_359 = tpu.vector_load %arg40[%swap3A_358] {strides = array<i32>} : memref<2048xf32, #tpu.memory_space<vmem>>, vector<16xf32>,
        %swap3A_360 = vector.shape_cast %swap3A_359 : vector<16xf32> to vector<16xf32>
        %swap3A_361 = vector.shape_cast %sub3A_357 : vector<16xf32> to vector<16xf32>
        tpu.vector_store %arg40[%swap3A_358], %swap3A_361 {strides = array<i32>} : memref<2048xf32, #tpu.memory_space<vmem>>, vector<16xf32>,
        %convert_element_type3A_362 = arith.sitofp %convert_element_type3A_350 : vector<16xi32> to vector<16xf32>
        %sub3A_363 = arith.subf %mul3A_347, %convert_element_type3A_362 : vector<16xf32>
        %swap3A_364 = arith.index_cast %mul3A_315 : i32 to index
        %swap3A_365 = tpu.vector_load %arg41[%swap3A_364] {strides = array<i32>} : memref<2048xf32, #tpu.memory_space<vmem>>, vector<16xf32>,
        %swap3A_366 = vector.shape_cast %swap3A_365 : vector<16xf32> to vector<16xf32>
        %swap3A_367 = vector.shape_cast %sub3A_363 : vector<16xf32> to vector<16xf32>
        tpu.vector_store %arg41[%swap3A_364], %swap3A_367 {strides = array<i32>} : memref<2048xf32, #tpu.memory_space<vmem>>, vector<16xf32>,
        %jit3A = arith.constant 0 : i32
        %jit3A_368 = arith.constant 71 : i32
        %max3A = vector.broadcast %jit3A : i32 to vector<16xi32>
        %max3A_369 = arith.maxsi %max3A, %convert_element_type3A_348 : vector<16xi32>
        %min3A_370 = vector.broadcast %jit3A_368 : i32 to vector<16xi32>
        %min3A_371 = arith.minsi %min3A_370, %max3A_369 : vector<16xi32>
        %jit3A_372 = arith.constant 0 : i32
        %jit3A_373 = arith.constant 511 : i32
        %max3A_374 = vector.broadcast %jit3A_372 : i32 to vector<16xi32>
        %max3A_375 = arith.maxsi %max3A_374, %convert_element_type3A_349 : vector<16xi32>
        %min3A_376 = vector.broadcast %jit3A_373 : i32 to vector<16xi32>
        %min3A_377 = arith.minsi %min3A_376, %max3A_375 : vector<16xi32>
        %jit3A_378 = arith.constant 0 : i32
        %jit3A_379 = arith.constant 511 : i32
        %max3A_380 = vector.broadcast %jit3A_378 : i32 to vector<16xi32>
        %max3A_381 = arith.maxsi %max3A_380, %convert_element_type3A_350 : vector<16xi32>
        %min3A_382 = vector.broadcast %jit3A_379 : i32 to vector<16xi32>
        %min3A_383 = arith.minsi %min3A_382, %max3A_381 : vector<16xi32>
        %add3A_384 = arith.constant 1 : i32
        %add3A_385 = vector.broadcast %add3A_384 : i32 to vector<16xi32>
        %add3A_386 = arith.addi %min3A_371, %add3A_385 : vector<16xi32>
        %min3A_387 = arith.constant 71 : i32
        %min3A_388 = vector.broadcast %min3A_387 : i32 to vector<16xi32>
        %min3A_389 = arith.minsi %add3A_386, %min3A_388 : vector<16xi32>
        %add3A_390 = arith.constant 1 : i32
        %add3A_391 = vector.broadcast %add3A_390 : i32 to vector<16xi32>
        %add3A_392 = arith.addi %min3A_377, %add3A_391 : vector<16xi32>
        %min3A_393 = arith.constant 511 : i32
        %min3A_394 = vector.broadcast %min3A_393 : i32 to vector<16xi32>
        %min3A_395 = arith.minsi %add3A_392, %min3A_394 : vector<16xi32>
        %add3A_396 = arith.constant 1 : i32
        %add3A_397 = vector.broadcast %add3A_396 : i32 to vector<16xi32>
        %add3A_398 = arith.addi %min3A_383, %add3A_397 : vector<16xi32>
        %min3A_399 = arith.constant 511 : i32
        %min3A_400 = vector.broadcast %min3A_399 : i32 to vector<16xi32>
        %min3A_401 = arith.minsi %add3A_398, %min3A_400 : vector<16xi32>
        %add3A_402 = arith.constant 1.000000e+00 : f32
        %add3A_403 = vector.broadcast %add3A_402 : f32 to vector<16xf32>
        %add3A_404 = arith.addf %get3A_338, %add3A_403 : vector<16xf32>
        %abs3A = math.absf %add3A_404 : vector<16xf32>
        %abs3A_405 = math.absf %get3A_338 : vector<16xf32>
        %sub3A_406 = arith.constant 1.000000e+00 : f32
        %sub3A_407 = vector.broadcast %sub3A_406 : f32 to vector<16xf32>
        %sub3A_408 = arith.subf %get3A_338, %sub3A_407 : vector<16xf32>
        %abs3A_409 = math.absf %sub3A_408 : vector<16xf32>
        %lt3A = arith.cmpf olt, %abs3A_405, %abs3A : vector<16xf32>
        %lt3A_410 = arith.cmpf olt, %abs3A_409, %abs3A_405 : vector<16xf32>
        %jit3A_411 = arith.constant 2 : i32
        %jit3A_412 = arith.constant 1 : i32
        %broadcast_in_dim3A = vector.broadcast %jit3A_411 : i32 to vector<16xi32>
        %broadcast_in_dim3A_413 = vector.broadcast %jit3A_412 : i32 to vector<16xi32>
        %select_n3A = arith.select %lt3A_410, %broadcast_in_dim3A, %broadcast_in_dim3A_413 : vector<16xi1>, vector<16xi32>
        %lt3A_414 = arith.cmpf olt, %abs3A_409, %abs3A : vector<16xf32>
        %jit3A_415 = arith.constant 2 : i32
        %jit3A_416 = arith.constant 0 : i32
        %broadcast_in_dim3A_417 = vector.broadcast %jit3A_415 : i32 to vector<16xi32>
        %broadcast_in_dim3A_418 = vector.broadcast %jit3A_416 : i32 to vector<16xi32>
        %select_n3A_419 = arith.select %lt3A_414, %broadcast_in_dim3A_417, %broadcast_in_dim3A_418 : vector<16xi1>, vector<16xi32>
        %select_n3A_420 = arith.select %lt3A, %select_n3A, %select_n3A_419 : vector<16xi1>, vector<16xi32>
        %mul3A_421 = arith.constant 72 : i32
        %mul3A_422 = vector.broadcast %mul3A_421 : i32 to vector<16xi32>
        %mul3A_423 = arith.muli %select_n3A_420, %mul3A_422 : vector<16xi32>
        %add3A_424 = arith.addi %mul3A_423, %min3A_371 : vector<16xi32>
        %mul3A_425 = arith.constant 262144 : i32
        %mul3A_426 = vector.broadcast %mul3A_425 : i32 to vector<16xi32>
        %mul3A_427 = arith.muli %add3A_424, %mul3A_426 : vector<16xi32>
        %sub3A_428 = arith.subi %min3A_389, %min3A_371 : vector<16xi32>
        %mul3A_429 = arith.constant 262144 : i32
        %mul3A_430 = vector.broadcast %mul3A_429 : i32 to vector<16xi32>
        %mul3A_431 = arith.muli %sub3A_428, %mul3A_430 : vector<16xi32>
        %add3A_432 = arith.addi %mul3A_427, %mul3A_431 : vector<16xi32>
        %shift_right_arithmetic3A_433 = arith.constant 3 : i32
        %shift_right_arithmetic3A_434 = vector.broadcast %shift_right_arithmetic3A_433 : i32 to vector<16xi32>
        %shift_right_arithmetic3A_435 = arith.shrsi %min3A_377, %shift_right_arithmetic3A_434 : vector<16xi32>
        %mul3A_436 = arith.constant 4096 : i32
        %mul3A_437 = vector.broadcast %mul3A_436 : i32 to vector<16xi32>
        %mul3A_438 = arith.muli %shift_right_arithmetic3A_435, %mul3A_437 : vector<16xi32>
        %and3A_439 = arith.constant 7 : i32
        %and3A_440 = vector.broadcast %and3A_439 : i32 to vector<16xi32>
        %and3A_441 = arith.andi %min3A_377, %and3A_440 : vector<16xi32>
        %shift_left3A_442 = arith.constant 7 : i32
        %shift_left3A_443 = vector.broadcast %shift_left3A_442 : i32 to vector<16xi32>
        %shift_left3A_444 = arith.shli %and3A_441, %shift_left3A_443 : vector<16xi32>
        %add3A_445 = arith.addi %mul3A_438, %shift_left3A_444 : vector<16xi32>
        %shift_right_arithmetic3A_446 = arith.constant 3 : i32
        %shift_right_arithmetic3A_447 = vector.broadcast %shift_right_arithmetic3A_446 : i32 to vector<16xi32>
        %shift_right_arithmetic3A_448 = arith.shrsi %min3A_395, %shift_right_arithmetic3A_447 : vector<16xi32>
        %mul3A_449 = arith.constant 4096 : i32
        %mul3A_450 = vector.broadcast %mul3A_449 : i32 to vector<16xi32>
        %mul3A_451 = arith.muli %shift_right_arithmetic3A_448, %mul3A_450 : vector<16xi32>
        %and3A_452 = arith.constant 7 : i32
        %and3A_453 = vector.broadcast %and3A_452 : i32 to vector<16xi32>
        %and3A_454 = arith.andi %min3A_395, %and3A_453 : vector<16xi32>
        %shift_left3A_455 = arith.constant 7 : i32
        %shift_left3A_456 = vector.broadcast %shift_left3A_455 : i32 to vector<16xi32>
        %shift_left3A_457 = arith.shli %and3A_454, %shift_left3A_456 : vector<16xi32>
        %add3A_458 = arith.addi %mul3A_451, %shift_left3A_457 : vector<16xi32>
        %shift_right_arithmetic3A_459 = arith.constant 7 : i32
        %shift_right_arithmetic3A_460 = vector.broadcast %shift_right_arithmetic3A_459 : i32 to vector<16xi32>
        %shift_right_arithmetic3A_461 = arith.shrsi %min3A_383, %shift_right_arithmetic3A_460 : vector<16xi32>
        %shift_left3A_462 = arith.constant 10 : i32
        %shift_left3A_463 = vector.broadcast %shift_left3A_462 : i32 to vector<16xi32>
        %shift_left3A_464 = arith.shli %shift_right_arithmetic3A_461, %shift_left3A_463 : vector<16xi32>
        %and3A_465 = arith.constant 127 : i32
        %and3A_466 = vector.broadcast %and3A_465 : i32 to vector<16xi32>
        %and3A_467 = arith.andi %min3A_383, %and3A_466 : vector<16xi32>
        %add3A_468 = arith.addi %shift_left3A_464, %and3A_467 : vector<16xi32>
        %shift_right_arithmetic3A_469 = arith.constant 7 : i32
        %shift_right_arithmetic3A_470 = vector.broadcast %shift_right_arithmetic3A_469 : i32 to vector<16xi32>
        %shift_right_arithmetic3A_471 = arith.shrsi %min3A_401, %shift_right_arithmetic3A_470 : vector<16xi32>
        %shift_left3A_472 = arith.constant 10 : i32
        %shift_left3A_473 = vector.broadcast %shift_left3A_472 : i32 to vector<16xi32>
        %shift_left3A_474 = arith.shli %shift_right_arithmetic3A_471, %shift_left3A_473 : vector<16xi32>
        %and3A_475 = arith.constant 127 : i32
        %and3A_476 = vector.broadcast %and3A_475 : i32 to vector<16xi32>
        %and3A_477 = arith.andi %min3A_401, %and3A_476 : vector<16xi32>
        %add3A_478 = arith.addi %shift_left3A_474, %and3A_477 : vector<16xi32>
        %add3A_479 = arith.addi %mul3A_427, %add3A_445 : vector<16xi32>
        %add3A_480 = arith.addi %mul3A_427, %add3A_458 : vector<16xi32>
        %add3A_481 = arith.addi %add3A_432, %add3A_445 : vector<16xi32>
        %add3A_482 = arith.addi %add3A_432, %add3A_458 : vector<16xi32>
        %add3A_483 = arith.addi %add3A_479, %add3A_468 : vector<16xi32>
        %swap3A_484 = arith.index_cast %mul3A_315 : i32 to index
        %swap3A_485 = tpu.vector_load %arg7[%swap3A_484] {strides = array<i32>} : memref<2048xi32, #tpu.memory_space<vmem>>, vector<16xi32>,
        %swap3A_486 = vector.shape_cast %swap3A_485 : vector<16xi32> to vector<16xi32>
        %swap3A_487 = vector.shape_cast %add3A_483 : vector<16xi32> to vector<16xi32>
        tpu.vector_store %arg7[%swap3A_484], %swap3A_487 {strides = array<i32>} : memref<2048xi32, #tpu.memory_space<vmem>>, vector<16xi32>,
        %add3A_488 = arith.addi %add3A_479, %add3A_478 : vector<16xi32>
        %swap3A_489 = arith.index_cast %mul3A_315 : i32 to index
        %swap3A_490 = tpu.vector_load %arg8[%swap3A_489] {strides = array<i32>} : memref<2048xi32, #tpu.memory_space<vmem>>, vector<16xi32>,
        %swap3A_491 = vector.shape_cast %swap3A_490 : vector<16xi32> to vector<16xi32>
        %swap3A_492 = vector.shape_cast %add3A_488 : vector<16xi32> to vector<16xi32>
        tpu.vector_store %arg8[%swap3A_489], %swap3A_492 {strides = array<i32>} : memref<2048xi32, #tpu.memory_space<vmem>>, vector<16xi32>,
        %add3A_493 = arith.addi %add3A_480, %add3A_468 : vector<16xi32>
        %swap3A_494 = arith.index_cast %mul3A_315 : i32 to index
        %swap3A_495 = tpu.vector_load %arg9[%swap3A_494] {strides = array<i32>} : memref<2048xi32, #tpu.memory_space<vmem>>, vector<16xi32>,
        %swap3A_496 = vector.shape_cast %swap3A_495 : vector<16xi32> to vector<16xi32>
        %swap3A_497 = vector.shape_cast %add3A_493 : vector<16xi32> to vector<16xi32>
        tpu.vector_store %arg9[%swap3A_494], %swap3A_497 {strides = array<i32>} : memref<2048xi32, #tpu.memory_space<vmem>>, vector<16xi32>,
        %add3A_498 = arith.addi %add3A_480, %add3A_478 : vector<16xi32>
        %swap3A_499 = arith.index_cast %mul3A_315 : i32 to index
        %swap3A_500 = tpu.vector_load %arg10[%swap3A_499] {strides = array<i32>} : memref<2048xi32, #tpu.memory_space<vmem>>, vector<16xi32>,
        %swap3A_501 = vector.shape_cast %swap3A_500 : vector<16xi32> to vector<16xi32>
        %swap3A_502 = vector.shape_cast %add3A_498 : vector<16xi32> to vector<16xi32>
        tpu.vector_store %arg10[%swap3A_499], %swap3A_502 {strides = array<i32>} : memref<2048xi32, #tpu.memory_space<vmem>>, vector<16xi32>,
        %add3A_503 = arith.addi %add3A_481, %add3A_468 : vector<16xi32>
        %swap3A_504 = arith.index_cast %mul3A_315 : i32 to index
        %swap3A_505 = tpu.vector_load %arg11[%swap3A_504] {strides = array<i32>} : memref<2048xi32, #tpu.memory_space<vmem>>, vector<16xi32>,
        %swap3A_506 = vector.shape_cast %swap3A_505 : vector<16xi32> to vector<16xi32>
        %swap3A_507 = vector.shape_cast %add3A_503 : vector<16xi32> to vector<16xi32>
        tpu.vector_store %arg11[%swap3A_504], %swap3A_507 {strides = array<i32>} : memref<2048xi32, #tpu.memory_space<vmem>>, vector<16xi32>,
        %add3A_508 = arith.addi %add3A_481, %add3A_478 : vector<16xi32>
        %swap3A_509 = arith.index_cast %mul3A_315 : i32 to index
        %swap3A_510 = tpu.vector_load %arg12[%swap3A_509] {strides = array<i32>} : memref<2048xi32, #tpu.memory_space<vmem>>, vector<16xi32>,
        %swap3A_511 = vector.shape_cast %swap3A_510 : vector<16xi32> to vector<16xi32>
        %swap3A_512 = vector.shape_cast %add3A_508 : vector<16xi32> to vector<16xi32>
        tpu.vector_store %arg12[%swap3A_509], %swap3A_512 {strides = array<i32>} : memref<2048xi32, #tpu.memory_space<vmem>>, vector<16xi32>,
        %add3A_513 = arith.addi %add3A_482, %add3A_468 : vector<16xi32>
        %swap3A_514 = arith.index_cast %mul3A_315 : i32 to index
        %swap3A_515 = tpu.vector_load %arg13[%swap3A_514] {strides = array<i32>} : memref<2048xi32, #tpu.memory_space<vmem>>, vector<16xi32>,
        %swap3A_516 = vector.shape_cast %swap3A_515 : vector<16xi32> to vector<16xi32>
        %swap3A_517 = vector.shape_cast %add3A_513 : vector<16xi32> to vector<16xi32>
        tpu.vector_store %arg13[%swap3A_514], %swap3A_517 {strides = array<i32>} : memref<2048xi32, #tpu.memory_space<vmem>>, vector<16xi32>,
        %add3A_518 = arith.addi %add3A_482, %add3A_478 : vector<16xi32>
        %swap3A_519 = arith.index_cast %mul3A_315 : i32 to index
        %swap3A_520 = tpu.vector_load %arg14[%swap3A_519] {strides = array<i32>} : memref<2048xi32, #tpu.memory_space<vmem>>, vector<16xi32>,
        %swap3A_521 = vector.shape_cast %swap3A_520 : vector<16xi32> to vector<16xi32>
        %swap3A_522 = vector.shape_cast %add3A_518 : vector<16xi32> to vector<16xi32>
        tpu.vector_store %arg14[%swap3A_519], %swap3A_522 {strides = array<i32>} : memref<2048xi32, #tpu.memory_space<vmem>>, vector<16xi32>,
        %scan3A_523 = arith.constant 0 : i32
        scf.yield %scan3A_523 : i32
      }
      %scan3A_249 = arith.constant 128 : i32
      %add3A_250 = arith.constant 1 : i32
      %add3A_251 = arith.addi %add3A_235, %add3A_250 : i32
      %mul3A_252 = arith.constant 2048 : i32
      %mul3A_253 = arith.muli %add3A_251, %mul3A_252 : i32
      %add3A_254 = arith.addi %mul3A_2, %mul3A_253 : i32
      %min3A_255 = arith.minsi %add3A_254, %add3A_4 : i32
      %mul3A_256 = arith.constant 4 : i32
      %mul3A_257 = arith.muli %min3A_255, %mul3A_256 : i32
      %dma_start3A_258 = tpu.memref_slice %arg2[%mul3A_257] : memref<4194304xf32, #tpu.memory_space<hbm>> -> memref<8192xf32, #tpu.memory_space<hbm>>
      %dma_start3A_259 = tpu.memref_slice %arg2[%mul3A_257] : memref<4194304xf32, #tpu.memory_space<hbm>> -> memref<8192xf32, #tpu.memory_space<hbm>>
      tpu.enqueue_dma source(%dma_start3A_259 : memref<8192xf32, #tpu.memory_space<hbm>>) target(%arg6 : memref<8192xf32, #tpu.memory_space<vmem>>) target_semaphore(%arg50 : memref<!tpu.dma_semaphore, #tpu.memory_space<semaphore_mem>>)
      %dma_start3A_260 = arith.constant 0 : i32
      %dma_start3A_261 = tpu.memref_slice %arg3[%dma_start3A_260] : memref<56623104xf32, #tpu.memory_space<hbm>> -> memref<56623104xf32, #tpu.memory_space<hbm>>
      tpu.enqueue_indirect_dma source(%dma_start3A_261 : memref<56623104xf32, #tpu.memory_space<hbm>>) target(%arg23 : memref<2048xf32, #tpu.memory_space<vmem>>) offsets(%arg7 : memref<2048xi32, #tpu.memory_space<vmem>>) semaphore(%arg47 : memref<!tpu.dma_semaphore, #tpu.memory_space<semaphore_mem>>)
      %dma_start3A_262 = arith.constant 0 : i32
      %dma_start3A_263 = tpu.memref_slice %arg3[%dma_start3A_262] : memref<56623104xf32, #tpu.memory_space<hbm>> -> memref<56623104xf32, #tpu.memory_space<hbm>>
      tpu.enqueue_indirect_dma source(%dma_start3A_263 : memref<56623104xf32, #tpu.memory_space<hbm>>) target(%arg24 : memref<2048xf32, #tpu.memory_space<vmem>>) offsets(%arg8 : memref<2048xi32, #tpu.memory_space<vmem>>) semaphore(%arg47 : memref<!tpu.dma_semaphore, #tpu.memory_space<semaphore_mem>>)
      %dma_start3A_264 = arith.constant 0 : i32
      %dma_start3A_265 = tpu.memref_slice %arg3[%dma_start3A_264] : memref<56623104xf32, #tpu.memory_space<hbm>> -> memref<56623104xf32, #tpu.memory_space<hbm>>
      tpu.enqueue_indirect_dma source(%dma_start3A_265 : memref<56623104xf32, #tpu.memory_space<hbm>>) target(%arg25 : memref<2048xf32, #tpu.memory_space<vmem>>) offsets(%arg9 : memref<2048xi32, #tpu.memory_space<vmem>>) semaphore(%arg47 : memref<!tpu.dma_semaphore, #tpu.memory_space<semaphore_mem>>)
      %dma_start3A_266 = arith.constant 0 : i32
      %dma_start3A_267 = tpu.memref_slice %arg3[%dma_start3A_266] : memref<56623104xf32, #tpu.memory_space<hbm>> -> memref<56623104xf32, #tpu.memory_space<hbm>>
      tpu.enqueue_indirect_dma source(%dma_start3A_267 : memref<56623104xf32, #tpu.memory_space<hbm>>) target(%arg26 : memref<2048xf32, #tpu.memory_space<vmem>>) offsets(%arg10 : memref<2048xi32, #tpu.memory_space<vmem>>) semaphore(%arg47 : memref<!tpu.dma_semaphore, #tpu.memory_space<semaphore_mem>>)
      %dma_start3A_268 = arith.constant 0 : i32
      %dma_start3A_269 = tpu.memref_slice %arg3[%dma_start3A_268] : memref<56623104xf32, #tpu.memory_space<hbm>> -> memref<56623104xf32, #tpu.memory_space<hbm>>
      tpu.enqueue_indirect_dma source(%dma_start3A_269 : memref<56623104xf32, #tpu.memory_space<hbm>>) target(%arg27 : memref<2048xf32, #tpu.memory_space<vmem>>) offsets(%arg11 : memref<2048xi32, #tpu.memory_space<vmem>>) semaphore(%arg47 : memref<!tpu.dma_semaphore, #tpu.memory_space<semaphore_mem>>)
      %dma_start3A_270 = arith.constant 0 : i32
      %dma_start3A_271 = tpu.memref_slice %arg3[%dma_start3A_270] : memref<56623104xf32, #tpu.memory_space<hbm>> -> memref<56623104xf32, #tpu.memory_space<hbm>>
      tpu.enqueue_indirect_dma source(%dma_start3A_271 : memref<56623104xf32, #tpu.memory_space<hbm>>) target(%arg28 : memref<2048xf32, #tpu.memory_space<vmem>>) offsets(%arg12 : memref<2048xi32, #tpu.memory_space<vmem>>) semaphore(%arg47 : memref<!tpu.dma_semaphore, #tpu.memory_space<semaphore_mem>>)
      %dma_start3A_272 = arith.constant 0 : i32
      %dma_start3A_273 = tpu.memref_slice %arg3[%dma_start3A_272] : memref<56623104xf32, #tpu.memory_space<hbm>> -> memref<56623104xf32, #tpu.memory_space<hbm>>
      tpu.enqueue_indirect_dma source(%dma_start3A_273 : memref<56623104xf32, #tpu.memory_space<hbm>>) target(%arg29 : memref<2048xf32, #tpu.memory_space<vmem>>) offsets(%arg13 : memref<2048xi32, #tpu.memory_space<vmem>>) semaphore(%arg47 : memref<!tpu.dma_semaphore, #tpu.memory_space<semaphore_mem>>)
      %dma_start3A_274 = arith.constant 0 : i32
      %dma_start3A_275 = tpu.memref_slice %arg3[%dma_start3A_274] : memref<56623104xf32, #tpu.memory_space<hbm>> -> memref<56623104xf32, #tpu.memory_space<hbm>>
      tpu.enqueue_indirect_dma source(%dma_start3A_275 : memref<56623104xf32, #tpu.memory_space<hbm>>) target(%arg30 : memref<2048xf32, #tpu.memory_space<vmem>>) offsets(%arg14 : memref<2048xi32, #tpu.memory_space<vmem>>) semaphore(%arg47 : memref<!tpu.dma_semaphore, #tpu.memory_space<semaphore_mem>>)
      %add3A_276 = arith.constant 1 : i32
      %add3A_277 = arith.addi %mul3A_161, %add3A_276 : i32
      %dma_wait3A_278 = arith.constant 0 : i32
      %dma_wait3A_279 = tpu.memref_slice %arg3[%dma_wait3A_278] : memref<56623104xf32, #tpu.memory_space<hbm>> -> memref<56623104xf32, #tpu.memory_space<hbm>>
      tpu.wait_indirect_dma semaphore(%arg48 : memref<!tpu.dma_semaphore, #tpu.memory_space<semaphore_mem>>) src(%dma_wait3A_279 : memref<56623104xf32, #tpu.memory_space<hbm>>) dst(%arg31 : memref<2048xf32, #tpu.memory_space<vmem>>)
      %dma_wait3A_280 = arith.constant 0 : i32
      %dma_wait3A_281 = tpu.memref_slice %arg3[%dma_wait3A_280] : memref<56623104xf32, #tpu.memory_space<hbm>> -> memref<56623104xf32, #tpu.memory_space<hbm>>
      tpu.wait_indirect_dma semaphore(%arg48 : memref<!tpu.dma_semaphore, #tpu.memory_space<semaphore_mem>>) src(%dma_wait3A_281 : memref<56623104xf32, #tpu.memory_space<hbm>>) dst(%arg32 : memref<2048xf32, #tpu.memory_space<vmem>>)
      %dma_wait3A_282 = arith.constant 0 : i32
      %dma_wait3A_283 = tpu.memref_slice %arg3[%dma_wait3A_282] : memref<56623104xf32, #tpu.memory_space<hbm>> -> memref<56623104xf32, #tpu.memory_space<hbm>>
      tpu.wait_indirect_dma semaphore(%arg48 : memref<!tpu.dma_semaphore, #tpu.memory_space<semaphore_mem>>) src(%dma_wait3A_283 : memref<56623104xf32, #tpu.memory_space<hbm>>) dst(%arg33 : memref<2048xf32, #tpu.memory_space<vmem>>)
      %dma_wait3A_284 = arith.constant 0 : i32
      %dma_wait3A_285 = tpu.memref_slice %arg3[%dma_wait3A_284] : memref<56623104xf32, #tpu.memory_space<hbm>> -> memref<56623104xf32, #tpu.memory_space<hbm>>
      tpu.wait_indirect_dma semaphore(%arg48 : memref<!tpu.dma_semaphore, #tpu.memory_space<semaphore_mem>>) src(%dma_wait3A_285 : memref<56623104xf32, #tpu.memory_space<hbm>>) dst(%arg34 : memref<2048xf32, #tpu.memory_space<vmem>>)
      %dma_wait3A_286 = arith.constant 0 : i32
      %dma_wait3A_287 = tpu.memref_slice %arg3[%dma_wait3A_286] : memref<56623104xf32, #tpu.memory_space<hbm>> -> memref<56623104xf32, #tpu.memory_space<hbm>>
      tpu.wait_indirect_dma semaphore(%arg48 : memref<!tpu.dma_semaphore, #tpu.memory_space<semaphore_mem>>) src(%dma_wait3A_287 : memref<56623104xf32, #tpu.memory_space<hbm>>) dst(%arg35 : memref<2048xf32, #tpu.memory_space<vmem>>)
      %dma_wait3A_288 = arith.constant 0 : i32
      %dma_wait3A_289 = tpu.memref_slice %arg3[%dma_wait3A_288] : memref<56623104xf32, #tpu.memory_space<hbm>> -> memref<56623104xf32, #tpu.memory_space<hbm>>
      tpu.wait_indirect_dma semaphore(%arg48 : memref<!tpu.dma_semaphore, #tpu.memory_space<semaphore_mem>>) src(%dma_wait3A_289 : memref<56623104xf32, #tpu.memory_space<hbm>>) dst(%arg36 : memref<2048xf32, #tpu.memory_space<vmem>>)
      %dma_wait3A_290 = arith.constant 0 : i32
      %dma_wait3A_291 = tpu.memref_slice %arg3[%dma_wait3A_290] : memref<56623104xf32, #tpu.memory_space<hbm>> -> memref<56623104xf32, #tpu.memory_space<hbm>>
      tpu.wait_indirect_dma semaphore(%arg48 : memref<!tpu.dma_semaphore, #tpu.memory_space<semaphore_mem>>) src(%dma_wait3A_291 : memref<56623104xf32, #tpu.memory_space<hbm>>) dst(%arg37 : memref<2048xf32, #tpu.memory_space<vmem>>)
      %dma_wait3A_292 = arith.constant 0 : i32
      %dma_wait3A_293 = tpu.memref_slice %arg3[%dma_wait3A_292] : memref<56623104xf32, #tpu.memory_space<hbm>> -> memref<56623104xf32, #tpu.memory_space<hbm>>
      tpu.wait_indirect_dma semaphore(%arg48 : memref<!tpu.dma_semaphore, #tpu.memory_space<semaphore_mem>>) src(%dma_wait3A_293 : memref<56623104xf32, #tpu.memory_space<hbm>>) dst(%arg38 : memref<2048xf32, #tpu.memory_space<vmem>>)
      %mul3A_294 = arith.constant 2048 : i32
      %mul3A_295 = arith.muli %add3A_277, %mul3A_294 : i32
      %add3A_296 = arith.addi %mul3A_2, %mul3A_295 : i32
      %ge3A_297 = arith.constant 2 : i32
      %ge3A_298 = arith.cmpi sge, %add3A_277, %ge3A_297 : i32
      %convert_element_type3A_299 = arith.extui %ge3A_298 : i1 to i32
      %cond3A_300 = arith.constant 0 : i32
      %cond3A_301 = arith.cmpi ne, %convert_element_type3A_299, %cond3A_300 : i32
      scf.if %cond3A_301 {
        %sub3A_312 = arith.constant 4096 : i32
        %sub3A_313 = arith.subi %add3A_296, %sub3A_312 : i32
        %dma_wait3A_314 = tpu.memref_slice %arg4[%sub3A_313] : memref<1048576xf32, #tpu.memory_space<hbm>> -> memref<2048xf32, #tpu.memory_space<hbm>>
        %dma_wait3A_315 = tpu.memref_slice %arg4[%sub3A_313] : memref<1048576xf32, #tpu.memory_space<hbm>> -> memref<2048xf32, #tpu.memory_space<hbm>>
        tpu.wait_dma2 semaphore(%arg52 : memref<!tpu.dma_semaphore, #tpu.memory_space<semaphore_mem>>) src(%arg46 : memref<2048xf32, #tpu.memory_space<vmem>>) dst(%dma_wait3A_315 : memref<2048xf32, #tpu.memory_space<hbm>>)
      } else {
      }
      %scan3A_302 = arith.constant 0 : i32
      %scan3A_303 = arith.constant 0 : i32
      %scan3A_304 = arith.constant 128 : i32
      %scan3A_305 = arith.addi %scan3A_303, %scan3A_304 : i32
      %scan3A_306 = arith.constant 1 : i32
      %scan3A_307 = scf.for %scan3A_312 = %scan3A_303 to %scan3A_305 step %scan3A_306 iter_args(%scan3A_313 = %scan3A_302) -> (i32)  : i32 {
        %mul3A_314 = arith.constant 16 : i32
        %mul3A_315 = arith.muli %scan3A_312, %mul3A_314 : i32
        %get3A = arith.index_cast %mul3A_315 : i32 to index
        %get3A_316 = tpu.vector_load %arg44[%get3A] {strides = array<i32>} : memref<2048xf32, #tpu.memory_space<vmem>>, vector<16xf32>,
        %get3A_317 = vector.shape_cast %get3A_316 : vector<16xf32> to vector<16xf32>
        %get3A_318 = arith.index_cast %mul3A_315 : i32 to index
        %get3A_319 = tpu.vector_load %arg43[%get3A_318] {strides = array<i32>} : memref<2048xf32, #tpu.memory_space<vmem>>, vector<16xf32>,
        %get3A_320 = vector.shape_cast %get3A_319 : vector<16xf32> to vector<16xf32>
        %get3A_321 = arith.index_cast %mul3A_315 : i32 to index
        %get3A_322 = tpu.vector_load %arg42[%get3A_321] {strides = array<i32>} : memref<2048xf32, #tpu.memory_space<vmem>>, vector<16xf32>,
        %get3A_323 = vector.shape_cast %get3A_322 : vector<16xf32> to vector<16xf32>
        %get3A_324 = arith.index_cast %mul3A_315 : i32 to index
        %get3A_325 = tpu.vector_load %arg31[%get3A_324] {strides = array<i32>} : memref<2048xf32, #tpu.memory_space<vmem>>, vector<16xf32>,
        %get3A_326 = vector.shape_cast %get3A_325 : vector<16xf32> to vector<16xf32>
        %sub3A_327 = arith.constant 1.000000e+00 : f32
        %sub3A_328 = vector.broadcast %sub3A_327 : f32 to vector<16xf32>
        %sub3A_329 = arith.subf %sub3A_328, %get3A_317 : vector<16xf32>
        %mul3A_330 = arith.mulf %get3A_326, %sub3A_329 : vector<16xf32>
        %get3A_331 = arith.index_cast %mul3A_315 : i32 to index
        %get3A_332 = tpu.vector_load %arg32[%get3A_331] {strides = array<i32>} : memref<2048xf32, #tpu.memory_space<vmem>>, vector<16xf32>,
        %get3A_333 = vector.shape_cast %get3A_332 : vector<16xf32> to vector<16xf32>
        %mul3A_334 = arith.mulf %get3A_333, %get3A_317 : vector<16xf32>
        %add3A_335 = arith.addf %mul3A_330, %mul3A_334 : vector<16xf32>
        %get3A_336 = arith.index_cast %mul3A_315 : i32 to index
        %get3A_337 = tpu.vector_load %arg33[%get3A_336] {strides = array<i32>} : memref<2048xf32, #tpu.memory_space<vmem>>, vector<16xf32>,
        %get3A_338 = vector.shape_cast %get3A_337 : vector<16xf32> to vector<16xf32>
        %sub3A_339 = arith.constant 1.000000e+00 : f32
        %sub3A_340 = vector.broadcast %sub3A_339 : f32 to vector<16xf32>
        %sub3A_341 = arith.subf %sub3A_340, %get3A_317 : vector<16xf32>
        %mul3A_342 = arith.mulf %get3A_338, %sub3A_341 : vector<16xf32>
        %get3A_343 = arith.index_cast %mul3A_315 : i32 to index
        %get3A_344 = tpu.vector_load %arg34[%get3A_343] {strides = array<i32>} : memref<2048xf32, #tpu.memory_space<vmem>>, vector<16xf32>,
        %get3A_345 = vector.shape_cast %get3A_344 : vector<16xf32> to vector<16xf32>
        %mul3A_346 = arith.mulf %get3A_345, %get3A_317 : vector<16xf32>
        %add3A_347 = arith.addf %mul3A_342, %mul3A_346 : vector<16xf32>
        %get3A_348 = arith.index_cast %mul3A_315 : i32 to index
        %get3A_349 = tpu.vector_load %arg35[%get3A_348] {strides = array<i32>} : memref<2048xf32, #tpu.memory_space<vmem>>, vector<16xf32>,
        %get3A_350 = vector.shape_cast %get3A_349 : vector<16xf32> to vector<16xf32>
        %sub3A_351 = arith.constant 1.000000e+00 : f32
        %sub3A_352 = vector.broadcast %sub3A_351 : f32 to vector<16xf32>
        %sub3A_353 = arith.subf %sub3A_352, %get3A_317 : vector<16xf32>
        %mul3A_354 = arith.mulf %get3A_350, %sub3A_353 : vector<16xf32>
        %get3A_355 = arith.index_cast %mul3A_315 : i32 to index
        %get3A_356 = tpu.vector_load %arg36[%get3A_355] {strides = array<i32>} : memref<2048xf32, #tpu.memory_space<vmem>>, vector<16xf32>,
        %get3A_357 = vector.shape_cast %get3A_356 : vector<16xf32> to vector<16xf32>
        %mul3A_358 = arith.mulf %get3A_357, %get3A_317 : vector<16xf32>
        %add3A_359 = arith.addf %mul3A_354, %mul3A_358 : vector<16xf32>
        %get3A_360 = arith.index_cast %mul3A_315 : i32 to index
        %get3A_361 = tpu.vector_load %arg37[%get3A_360] {strides = array<i32>} : memref<2048xf32, #tpu.memory_space<vmem>>, vector<16xf32>,
        %get3A_362 = vector.shape_cast %get3A_361 : vector<16xf32> to vector<16xf32>
        %sub3A_363 = arith.constant 1.000000e+00 : f32
        %sub3A_364 = vector.broadcast %sub3A_363 : f32 to vector<16xf32>
        %sub3A_365 = arith.subf %sub3A_364, %get3A_317 : vector<16xf32>
        %mul3A_366 = arith.mulf %get3A_362, %sub3A_365 : vector<16xf32>
        %get3A_367 = arith.index_cast %mul3A_315 : i32 to index
        %get3A_368 = tpu.vector_load %arg38[%get3A_367] {strides = array<i32>} : memref<2048xf32, #tpu.memory_space<vmem>>, vector<16xf32>,
        %get3A_369 = vector.shape_cast %get3A_368 : vector<16xf32> to vector<16xf32>
        %mul3A_370 = arith.mulf %get3A_369, %get3A_317 : vector<16xf32>
        %add3A_371 = arith.addf %mul3A_366, %mul3A_370 : vector<16xf32>
        %sub3A_372 = arith.constant 1.000000e+00 : f32
        %sub3A_373 = vector.broadcast %sub3A_372 : f32 to vector<16xf32>
        %sub3A_374 = arith.subf %sub3A_373, %get3A_320 : vector<16xf32>
        %mul3A_375 = arith.mulf %add3A_335, %sub3A_374 : vector<16xf32>
        %mul3A_376 = arith.mulf %add3A_347, %get3A_320 : vector<16xf32>
        %add3A_377 = arith.addf %mul3A_375, %mul3A_376 : vector<16xf32>
        %sub3A_378 = arith.constant 1.000000e+00 : f32
        %sub3A_379 = vector.broadcast %sub3A_378 : f32 to vector<16xf32>
        %sub3A_380 = arith.subf %sub3A_379, %get3A_320 : vector<16xf32>
        %mul3A_381 = arith.mulf %add3A_359, %sub3A_380 : vector<16xf32>
        %mul3A_382 = arith.mulf %add3A_371, %get3A_320 : vector<16xf32>
        %add3A_383 = arith.addf %mul3A_381, %mul3A_382 : vector<16xf32>
        %sub3A_384 = arith.constant 1.000000e+00 : f32
        %sub3A_385 = vector.broadcast %sub3A_384 : f32 to vector<16xf32>
        %sub3A_386 = arith.subf %sub3A_385, %get3A_323 : vector<16xf32>
        %mul3A_387 = arith.mulf %add3A_377, %sub3A_386 : vector<16xf32>
        %mul3A_388 = arith.mulf %add3A_383, %get3A_323 : vector<16xf32>
        %add3A_389 = arith.addf %mul3A_387, %mul3A_388 : vector<16xf32>
        %swap3A = arith.index_cast %mul3A_315 : i32 to index
        %swap3A_390 = tpu.vector_load %arg46[%swap3A] {strides = array<i32>} : memref<2048xf32, #tpu.memory_space<vmem>>, vector<16xf32>,
        %swap3A_391 = vector.shape_cast %swap3A_390 : vector<16xf32> to vector<16xf32>
        %swap3A_392 = vector.shape_cast %add3A_389 : vector<16xf32> to vector<16xf32>
        tpu.vector_store %arg46[%swap3A], %swap3A_392 {strides = array<i32>} : memref<2048xf32, #tpu.memory_space<vmem>>, vector<16xf32>,
        %scan3A_393 = arith.constant 0 : i32
        scf.yield %scan3A_393 : i32
      }
      %scan3A_308 = arith.constant 128 : i32
      %dma_start3A_309 = tpu.memref_slice %arg4[%add3A_296] : memref<1048576xf32, #tpu.memory_space<hbm>> -> memref<2048xf32, #tpu.memory_space<hbm>>
      %dma_start3A_310 = tpu.memref_slice %arg4[%add3A_296] : memref<1048576xf32, #tpu.memory_space<hbm>> -> memref<2048xf32, #tpu.memory_space<hbm>>
      tpu.enqueue_dma source(%arg46 : memref<2048xf32, #tpu.memory_space<vmem>>) target(%dma_start3A_310 : memref<2048xf32, #tpu.memory_space<hbm>>) target_semaphore(%arg52 : memref<!tpu.dma_semaphore, #tpu.memory_space<semaphore_mem>>)
      %scan3A_311 = arith.constant 0 : i32
      scf.yield %scan3A_311 : i32
    }
    %scan3A_50 = arith.constant 7 : i32
    %add3A_51 = arith.constant 30720 : i32
    %add3A_52 = arith.addi %mul3A_2, %add3A_51 : i32
    %mul3A_53 = arith.constant 4 : i32
    %mul3A_54 = arith.muli %add3A_52, %mul3A_53 : i32
    %dma_wait3A_55 = tpu.memref_slice %arg2[%mul3A_54] : memref<4194304xf32, #tpu.memory_space<hbm>> -> memref<8192xf32, #tpu.memory_space<hbm>>
    %dma_wait3A_56 = tpu.memref_slice %arg2[%mul3A_54] : memref<4194304xf32, #tpu.memory_space<hbm>> -> memref<8192xf32, #tpu.memory_space<hbm>>
    tpu.wait_dma2 semaphore(%arg50 : memref<!tpu.dma_semaphore, #tpu.memory_space<semaphore_mem>>) src(%dma_wait3A_56 : memref<8192xf32, #tpu.memory_space<hbm>>) dst(%arg6 : memref<8192xf32, #tpu.memory_space<vmem>>)
    %scan3A_57 = arith.constant 0 : i32
    %scan3A_58 = arith.constant 0 : i32
    %scan3A_59 = arith.constant 128 : i32
    %scan3A_60 = arith.addi %scan3A_58, %scan3A_59 : i32
    %scan3A_61 = arith.constant 1 : i32
    %scan3A_62 = scf.for %scan3A_158 = %scan3A_58 to %scan3A_60 step %scan3A_61 iter_args(%scan3A_159 = %scan3A_57) -> (i32)  : i32 {
      %mul3A_160 = arith.constant 16 : i32
      %mul3A_161 = arith.muli %scan3A_158, %mul3A_160 : i32
      %shift_right_arithmetic3A = arith.constant 3 : i32
      %shift_right_arithmetic3A_162 = arith.shrsi %scan3A_158, %shift_right_arithmetic3A : i32
      %shift_left3A = arith.constant 9 : i32
      %shift_left3A_163 = arith.shli %shift_right_arithmetic3A_162, %shift_left3A : i32
      %and3A = arith.constant 7 : i32
      %and3A_164 = arith.andi %scan3A_158, %and3A : i32
      %shift_left3A_165 = arith.constant 4 : i32
      %shift_left3A_166 = arith.shli %and3A_164, %shift_left3A_165 : i32
      %add3A_167 = arith.addi %shift_left3A_163, %shift_left3A_166 : i32
      %get3A = arith.index_cast %add3A_167 : i32 to index
      %get3A_168 = tpu.vector_load %arg6[%get3A] {strides = array<i32>} : memref<8192xf32, #tpu.memory_space<vmem>>, vector<16xf32>,
      %get3A_169 = vector.shape_cast %get3A_168 : vector<16xf32> to vector<16xf32>
      %add3A_170 = arith.constant 128 : i32
      %add3A_171 = arith.addi %add3A_167, %add3A_170 : i32
      %get3A_172 = arith.index_cast %add3A_171 : i32 to index
      %get3A_173 = tpu.vector_load %arg6[%get3A_172] {strides = array<i32>} : memref<8192xf32, #tpu.memory_space<vmem>>, vector<16xf32>,
      %get3A_174 = vector.shape_cast %get3A_173 : vector<16xf32> to vector<16xf32>
      %add3A_175 = arith.constant 256 : i32
      %add3A_176 = arith.addi %add3A_167, %add3A_175 : i32
      %get3A_177 = arith.index_cast %add3A_176 : i32 to index
      %get3A_178 = tpu.vector_load %arg6[%get3A_177] {strides = array<i32>} : memref<8192xf32, #tpu.memory_space<vmem>>, vector<16xf32>,
      %get3A_179 = vector.shape_cast %get3A_178 : vector<16xf32> to vector<16xf32>
      %add3A_180 = arith.constant 384 : i32
      %add3A_181 = arith.addi %add3A_167, %add3A_180 : i32
      %get3A_182 = arith.index_cast %add3A_181 : i32 to index
      %get3A_183 = tpu.vector_load %arg6[%get3A_182] {strides = array<i32>} : memref<8192xf32, #tpu.memory_space<vmem>>, vector<16xf32>,
      %get3A_184 = vector.shape_cast %get3A_183 : vector<16xf32> to vector<16xf32>
      %mul3A_185 = arith.constant 7.100000e+01 : f32
      %mul3A_186 = vector.broadcast %mul3A_185 : f32 to vector<16xf32>
      %mul3A_187 = arith.mulf %get3A_169, %mul3A_186 : vector<16xf32>
      %mul3A_188 = arith.constant 5.110000e+02 : f32
      %mul3A_189 = vector.broadcast %mul3A_188 : f32 to vector<16xf32>
      %mul3A_190 = arith.mulf %get3A_174, %mul3A_189 : vector<16xf32>
      %mul3A_191 = arith.constant 5.110000e+02 : f32
      %mul3A_192 = vector.broadcast %mul3A_191 : f32 to vector<16xf32>
      %mul3A_193 = arith.mulf %get3A_179, %mul3A_192 : vector<16xf32>
      %convert_element_type3A = arith.fptosi %mul3A_187 : vector<16xf32> to vector<16xi32>
      %convert_element_type3A_194 = arith.fptosi %mul3A_190 : vector<16xf32> to vector<16xi32>
      %convert_element_type3A_195 = arith.fptosi %mul3A_193 : vector<16xf32> to vector<16xi32>
      %convert_element_type3A_196 = arith.sitofp %convert_element_type3A : vector<16xi32> to vector<16xf32>
      %sub3A_197 = arith.subf %mul3A_187, %convert_element_type3A_196 : vector<16xf32>
      %swap3A = arith.index_cast %mul3A_161 : i32 to index
      %swap3A_198 = tpu.vector_load %arg42[%swap3A] {strides = array<i32>} : memref<2048xf32, #tpu.memory_space<vmem>>, vector<16xf32>,
      %swap3A_199 = vector.shape_cast %swap3A_198 : vector<16xf32> to vector<16xf32>
      %swap3A_200 = vector.shape_cast %sub3A_197 : vector<16xf32> to vector<16xf32>
      tpu.vector_store %arg42[%swap3A], %swap3A_200 {strides = array<i32>} : memref<2048xf32, #tpu.memory_space<vmem>>, vector<16xf32>,
      %convert_element_type3A_201 = arith.sitofp %convert_element_type3A_194 : vector<16xi32> to vector<16xf32>
      %sub3A_202 = arith.subf %mul3A_190, %convert_element_type3A_201 : vector<16xf32>
      %swap3A_203 = arith.index_cast %mul3A_161 : i32 to index
      %swap3A_204 = tpu.vector_load %arg43[%swap3A_203] {strides = array<i32>} : memref<2048xf32, #tpu.memory_space<vmem>>, vector<16xf32>,
      %swap3A_205 = vector.shape_cast %swap3A_204 : vector<16xf32> to vector<16xf32>
      %swap3A_206 = vector.shape_cast %sub3A_202 : vector<16xf32> to vector<16xf32>
      tpu.vector_store %arg43[%swap3A_203], %swap3A_206 {strides = array<i32>} : memref<2048xf32, #tpu.memory_space<vmem>>, vector<16xf32>,
      %convert_element_type3A_207 = arith.sitofp %convert_element_type3A_195 : vector<16xi32> to vector<16xf32>
      %sub3A_208 = arith.subf %mul3A_193, %convert_element_type3A_207 : vector<16xf32>
      %swap3A_209 = arith.index_cast %mul3A_161 : i32 to index
      %swap3A_210 = tpu.vector_load %arg44[%swap3A_209] {strides = array<i32>} : memref<2048xf32, #tpu.memory_space<vmem>>, vector<16xf32>,
      %swap3A_211 = vector.shape_cast %swap3A_210 : vector<16xf32> to vector<16xf32>
      %swap3A_212 = vector.shape_cast %sub3A_208 : vector<16xf32> to vector<16xf32>
      tpu.vector_store %arg44[%swap3A_209], %swap3A_212 {strides = array<i32>} : memref<2048xf32, #tpu.memory_space<vmem>>, vector<16xf32>,
      %jit3A = arith.constant 0 : i32
      %jit3A_213 = arith.constant 71 : i32
      %max3A = vector.broadcast %jit3A : i32 to vector<16xi32>
      %max3A_214 = arith.maxsi %max3A, %convert_element_type3A : vector<16xi32>
      %min3A_215 = vector.broadcast %jit3A_213 : i32 to vector<16xi32>
      %min3A_216 = arith.minsi %min3A_215, %max3A_214 : vector<16xi32>
      %jit3A_217 = arith.constant 0 : i32
      %jit3A_218 = arith.constant 511 : i32
      %max3A_219 = vector.broadcast %jit3A_217 : i32 to vector<16xi32>
      %max3A_220 = arith.maxsi %max3A_219, %convert_element_type3A_194 : vector<16xi32>
      %min3A_221 = vector.broadcast %jit3A_218 : i32 to vector<16xi32>
      %min3A_222 = arith.minsi %min3A_221, %max3A_220 : vector<16xi32>
      %jit3A_223 = arith.constant 0 : i32
      %jit3A_224 = arith.constant 511 : i32
      %max3A_225 = vector.broadcast %jit3A_223 : i32 to vector<16xi32>
      %max3A_226 = arith.maxsi %max3A_225, %convert_element_type3A_195 : vector<16xi32>
      %min3A_227 = vector.broadcast %jit3A_224 : i32 to vector<16xi32>
      %min3A_228 = arith.minsi %min3A_227, %max3A_226 : vector<16xi32>
      %add3A_229 = arith.constant 1 : i32
      %add3A_230 = vector.broadcast %add3A_229 : i32 to vector<16xi32>
      %add3A_231 = arith.addi %min3A_216, %add3A_230 : vector<16xi32>
      %min3A_232 = arith.constant 71 : i32
      %min3A_233 = vector.broadcast %min3A_232 : i32 to vector<16xi32>
      %min3A_234 = arith.minsi %add3A_231, %min3A_233 : vector<16xi32>
      %add3A_235 = arith.constant 1 : i32
      %add3A_236 = vector.broadcast %add3A_235 : i32 to vector<16xi32>
      %add3A_237 = arith.addi %min3A_222, %add3A_236 : vector<16xi32>
      %min3A_238 = arith.constant 511 : i32
      %min3A_239 = vector.broadcast %min3A_238 : i32 to vector<16xi32>
      %min3A_240 = arith.minsi %add3A_237, %min3A_239 : vector<16xi32>
      %add3A_241 = arith.constant 1 : i32
      %add3A_242 = vector.broadcast %add3A_241 : i32 to vector<16xi32>
      %add3A_243 = arith.addi %min3A_228, %add3A_242 : vector<16xi32>
      %min3A_244 = arith.constant 511 : i32
      %min3A_245 = vector.broadcast %min3A_244 : i32 to vector<16xi32>
      %min3A_246 = arith.minsi %add3A_243, %min3A_245 : vector<16xi32>
      %add3A_247 = arith.constant 1.000000e+00 : f32
      %add3A_248 = vector.broadcast %add3A_247 : f32 to vector<16xf32>
      %add3A_249 = arith.addf %get3A_184, %add3A_248 : vector<16xf32>
      %abs3A = math.absf %add3A_249 : vector<16xf32>
      %abs3A_250 = math.absf %get3A_184 : vector<16xf32>
      %sub3A_251 = arith.constant 1.000000e+00 : f32
      %sub3A_252 = vector.broadcast %sub3A_251 : f32 to vector<16xf32>
      %sub3A_253 = arith.subf %get3A_184, %sub3A_252 : vector<16xf32>
      %abs3A_254 = math.absf %sub3A_253 : vector<16xf32>
      %lt3A = arith.cmpf olt, %abs3A_250, %abs3A : vector<16xf32>
      %lt3A_255 = arith.cmpf olt, %abs3A_254, %abs3A_250 : vector<16xf32>
      %jit3A_256 = arith.constant 2 : i32
      %jit3A_257 = arith.constant 1 : i32
      %broadcast_in_dim3A = vector.broadcast %jit3A_256 : i32 to vector<16xi32>
      %broadcast_in_dim3A_258 = vector.broadcast %jit3A_257 : i32 to vector<16xi32>
      %select_n3A = arith.select %lt3A_255, %broadcast_in_dim3A, %broadcast_in_dim3A_258 : vector<16xi1>, vector<16xi32>
      %lt3A_259 = arith.cmpf olt, %abs3A_254, %abs3A : vector<16xf32>
      %jit3A_260 = arith.constant 2 : i32
      %jit3A_261 = arith.constant 0 : i32
      %broadcast_in_dim3A_262 = vector.broadcast %jit3A_260 : i32 to vector<16xi32>
      %broadcast_in_dim3A_263 = vector.broadcast %jit3A_261 : i32 to vector<16xi32>
      %select_n3A_264 = arith.select %lt3A_259, %broadcast_in_dim3A_262, %broadcast_in_dim3A_263 : vector<16xi1>, vector<16xi32>
      %select_n3A_265 = arith.select %lt3A, %select_n3A, %select_n3A_264 : vector<16xi1>, vector<16xi32>
      %mul3A_266 = arith.constant 72 : i32
      %mul3A_267 = vector.broadcast %mul3A_266 : i32 to vector<16xi32>
      %mul3A_268 = arith.muli %select_n3A_265, %mul3A_267 : vector<16xi32>
      %add3A_269 = arith.addi %mul3A_268, %min3A_216 : vector<16xi32>
      %mul3A_270 = arith.constant 262144 : i32
      %mul3A_271 = vector.broadcast %mul3A_270 : i32 to vector<16xi32>
      %mul3A_272 = arith.muli %add3A_269, %mul3A_271 : vector<16xi32>
      %sub3A_273 = arith.subi %min3A_234, %min3A_216 : vector<16xi32>
      %mul3A_274 = arith.constant 262144 : i32
      %mul3A_275 = vector.broadcast %mul3A_274 : i32 to vector<16xi32>
      %mul3A_276 = arith.muli %sub3A_273, %mul3A_275 : vector<16xi32>
      %add3A_277 = arith.addi %mul3A_272, %mul3A_276 : vector<16xi32>
      %shift_right_arithmetic3A_278 = arith.constant 3 : i32
      %shift_right_arithmetic3A_279 = vector.broadcast %shift_right_arithmetic3A_278 : i32 to vector<16xi32>
      %shift_right_arithmetic3A_280 = arith.shrsi %min3A_222, %shift_right_arithmetic3A_279 : vector<16xi32>
      %mul3A_281 = arith.constant 4096 : i32
      %mul3A_282 = vector.broadcast %mul3A_281 : i32 to vector<16xi32>
      %mul3A_283 = arith.muli %shift_right_arithmetic3A_280, %mul3A_282 : vector<16xi32>
      %and3A_284 = arith.constant 7 : i32
      %and3A_285 = vector.broadcast %and3A_284 : i32 to vector<16xi32>
      %and3A_286 = arith.andi %min3A_222, %and3A_285 : vector<16xi32>
      %shift_left3A_287 = arith.constant 7 : i32
      %shift_left3A_288 = vector.broadcast %shift_left3A_287 : i32 to vector<16xi32>
      %shift_left3A_289 = arith.shli %and3A_286, %shift_left3A_288 : vector<16xi32>
      %add3A_290 = arith.addi %mul3A_283, %shift_left3A_289 : vector<16xi32>
      %shift_right_arithmetic3A_291 = arith.constant 3 : i32
      %shift_right_arithmetic3A_292 = vector.broadcast %shift_right_arithmetic3A_291 : i32 to vector<16xi32>
      %shift_right_arithmetic3A_293 = arith.shrsi %min3A_240, %shift_right_arithmetic3A_292 : vector<16xi32>
      %mul3A_294 = arith.constant 4096 : i32
      %mul3A_295 = vector.broadcast %mul3A_294 : i32 to vector<16xi32>
      %mul3A_296 = arith.muli %shift_right_arithmetic3A_293, %mul3A_295 : vector<16xi32>
      %and3A_297 = arith.constant 7 : i32
      %and3A_298 = vector.broadcast %and3A_297 : i32 to vector<16xi32>
      %and3A_299 = arith.andi %min3A_240, %and3A_298 : vector<16xi32>
      %shift_left3A_300 = arith.constant 7 : i32
      %shift_left3A_301 = vector.broadcast %shift_left3A_300 : i32 to vector<16xi32>
      %shift_left3A_302 = arith.shli %and3A_299, %shift_left3A_301 : vector<16xi32>
      %add3A_303 = arith.addi %mul3A_296, %shift_left3A_302 : vector<16xi32>
      %shift_right_arithmetic3A_304 = arith.constant 7 : i32
      %shift_right_arithmetic3A_305 = vector.broadcast %shift_right_arithmetic3A_304 : i32 to vector<16xi32>
      %shift_right_arithmetic3A_306 = arith.shrsi %min3A_228, %shift_right_arithmetic3A_305 : vector<16xi32>
      %shift_left3A_307 = arith.constant 10 : i32
      %shift_left3A_308 = vector.broadcast %shift_left3A_307 : i32 to vector<16xi32>
      %shift_left3A_309 = arith.shli %shift_right_arithmetic3A_306, %shift_left3A_308 : vector<16xi32>
      %and3A_310 = arith.constant 127 : i32
      %and3A_311 = vector.broadcast %and3A_310 : i32 to vector<16xi32>
      %and3A_312 = arith.andi %min3A_228, %and3A_311 : vector<16xi32>
      %add3A_313 = arith.addi %shift_left3A_309, %and3A_312 : vector<16xi32>
      %shift_right_arithmetic3A_314 = arith.constant 7 : i32
      %shift_right_arithmetic3A_315 = vector.broadcast %shift_right_arithmetic3A_314 : i32 to vector<16xi32>
      %shift_right_arithmetic3A_316 = arith.shrsi %min3A_246, %shift_right_arithmetic3A_315 : vector<16xi32>
      %shift_left3A_317 = arith.constant 10 : i32
      %shift_left3A_318 = vector.broadcast %shift_left3A_317 : i32 to vector<16xi32>
      %shift_left3A_319 = arith.shli %shift_right_arithmetic3A_316, %shift_left3A_318 : vector<16xi32>
      %and3A_320 = arith.constant 127 : i32
      %and3A_321 = vector.broadcast %and3A_320 : i32 to vector<16xi32>
      %and3A_322 = arith.andi %min3A_246, %and3A_321 : vector<16xi32>
      %add3A_323 = arith.addi %shift_left3A_319, %and3A_322 : vector<16xi32>
      %add3A_324 = arith.addi %mul3A_272, %add3A_290 : vector<16xi32>
      %add3A_325 = arith.addi %mul3A_272, %add3A_303 : vector<16xi32>
      %add3A_326 = arith.addi %add3A_277, %add3A_290 : vector<16xi32>
      %add3A_327 = arith.addi %add3A_277, %add3A_303 : vector<16xi32>
      %add3A_328 = arith.addi %add3A_324, %add3A_313 : vector<16xi32>
      %swap3A_329 = arith.index_cast %mul3A_161 : i32 to index
      %swap3A_330 = tpu.vector_load %arg15[%swap3A_329] {strides = array<i32>} : memref<2048xi32, #tpu.memory_space<vmem>>, vector<16xi32>,
      %swap3A_331 = vector.shape_cast %swap3A_330 : vector<16xi32> to vector<16xi32>
      %swap3A_332 = vector.shape_cast %add3A_328 : vector<16xi32> to vector<16xi32>
      tpu.vector_store %arg15[%swap3A_329], %swap3A_332 {strides = array<i32>} : memref<2048xi32, #tpu.memory_space<vmem>>, vector<16xi32>,
      %add3A_333 = arith.addi %add3A_324, %add3A_323 : vector<16xi32>
      %swap3A_334 = arith.index_cast %mul3A_161 : i32 to index
      %swap3A_335 = tpu.vector_load %arg16[%swap3A_334] {strides = array<i32>} : memref<2048xi32, #tpu.memory_space<vmem>>, vector<16xi32>,
      %swap3A_336 = vector.shape_cast %swap3A_335 : vector<16xi32> to vector<16xi32>
      %swap3A_337 = vector.shape_cast %add3A_333 : vector<16xi32> to vector<16xi32>
      tpu.vector_store %arg16[%swap3A_334], %swap3A_337 {strides = array<i32>} : memref<2048xi32, #tpu.memory_space<vmem>>, vector<16xi32>,
      %add3A_338 = arith.addi %add3A_325, %add3A_313 : vector<16xi32>
      %swap3A_339 = arith.index_cast %mul3A_161 : i32 to index
      %swap3A_340 = tpu.vector_load %arg17[%swap3A_339] {strides = array<i32>} : memref<2048xi32, #tpu.memory_space<vmem>>, vector<16xi32>,
      %swap3A_341 = vector.shape_cast %swap3A_340 : vector<16xi32> to vector<16xi32>
      %swap3A_342 = vector.shape_cast %add3A_338 : vector<16xi32> to vector<16xi32>
      tpu.vector_store %arg17[%swap3A_339], %swap3A_342 {strides = array<i32>} : memref<2048xi32, #tpu.memory_space<vmem>>, vector<16xi32>,
      %add3A_343 = arith.addi %add3A_325, %add3A_323 : vector<16xi32>
      %swap3A_344 = arith.index_cast %mul3A_161 : i32 to index
      %swap3A_345 = tpu.vector_load %arg18[%swap3A_344] {strides = array<i32>} : memref<2048xi32, #tpu.memory_space<vmem>>, vector<16xi32>,
      %swap3A_346 = vector.shape_cast %swap3A_345 : vector<16xi32> to vector<16xi32>
      %swap3A_347 = vector.shape_cast %add3A_343 : vector<16xi32> to vector<16xi32>
      tpu.vector_store %arg18[%swap3A_344], %swap3A_347 {strides = array<i32>} : memref<2048xi32, #tpu.memory_space<vmem>>, vector<16xi32>,
      %add3A_348 = arith.addi %add3A_326, %add3A_313 : vector<16xi32>
      %swap3A_349 = arith.index_cast %mul3A_161 : i32 to index
      %swap3A_350 = tpu.vector_load %arg19[%swap3A_349] {strides = array<i32>} : memref<2048xi32, #tpu.memory_space<vmem>>, vector<16xi32>,
      %swap3A_351 = vector.shape_cast %swap3A_350 : vector<16xi32> to vector<16xi32>
      %swap3A_352 = vector.shape_cast %add3A_348 : vector<16xi32> to vector<16xi32>
      tpu.vector_store %arg19[%swap3A_349], %swap3A_352 {strides = array<i32>} : memref<2048xi32, #tpu.memory_space<vmem>>, vector<16xi32>,
      %add3A_353 = arith.addi %add3A_326, %add3A_323 : vector<16xi32>
      %swap3A_354 = arith.index_cast %mul3A_161 : i32 to index
      %swap3A_355 = tpu.vector_load %arg20[%swap3A_354] {strides = array<i32>} : memref<2048xi32, #tpu.memory_space<vmem>>, vector<16xi32>,
      %swap3A_356 = vector.shape_cast %swap3A_355 : vector<16xi32> to vector<16xi32>
      %swap3A_357 = vector.shape_cast %add3A_353 : vector<16xi32> to vector<16xi32>
      tpu.vector_store %arg20[%swap3A_354], %swap3A_357 {strides = array<i32>} : memref<2048xi32, #tpu.memory_space<vmem>>, vector<16xi32>,
      %add3A_358 = arith.addi %add3A_327, %add3A_313 : vector<16xi32>
      %swap3A_359 = arith.index_cast %mul3A_161 : i32 to index
      %swap3A_360 = tpu.vector_load %arg21[%swap3A_359] {strides = array<i32>} : memref<2048xi32, #tpu.memory_space<vmem>>, vector<16xi32>,
      %swap3A_361 = vector.shape_cast %swap3A_360 : vector<16xi32> to vector<16xi32>
      %swap3A_362 = vector.shape_cast %add3A_358 : vector<16xi32> to vector<16xi32>
      tpu.vector_store %arg21[%swap3A_359], %swap3A_362 {strides = array<i32>} : memref<2048xi32, #tpu.memory_space<vmem>>, vector<16xi32>,
      %add3A_363 = arith.addi %add3A_327, %add3A_323 : vector<16xi32>
      %swap3A_364 = arith.index_cast %mul3A_161 : i32 to index
      %swap3A_365 = tpu.vector_load %arg22[%swap3A_364] {strides = array<i32>} : memref<2048xi32, #tpu.memory_space<vmem>>, vector<16xi32>,
      %swap3A_366 = vector.shape_cast %swap3A_365 : vector<16xi32> to vector<16xi32>
      %swap3A_367 = vector.shape_cast %add3A_363 : vector<16xi32> to vector<16xi32>
      tpu.vector_store %arg22[%swap3A_364], %swap3A_367 {strides = array<i32>} : memref<2048xi32, #tpu.memory_space<vmem>>, vector<16xi32>,
      %scan3A_368 = arith.constant 0 : i32
      scf.yield %scan3A_368 : i32
    }
    %scan3A_63 = arith.constant 128 : i32
    %add3A_64 = arith.constant 32768 : i32
    %add3A_65 = arith.addi %mul3A_2, %add3A_64 : i32
    %min3A_66 = arith.minsi %add3A_65, %add3A_4 : i32
    %mul3A_67 = arith.constant 4 : i32
    %mul3A_68 = arith.muli %min3A_66, %mul3A_67 : i32
    %dma_start3A_69 = tpu.memref_slice %arg2[%mul3A_68] : memref<4194304xf32, #tpu.memory_space<hbm>> -> memref<8192xf32, #tpu.memory_space<hbm>>
    %dma_start3A_70 = tpu.memref_slice %arg2[%mul3A_68] : memref<4194304xf32, #tpu.memory_space<hbm>> -> memref<8192xf32, #tpu.memory_space<hbm>>
    tpu.enqueue_dma source(%dma_start3A_70 : memref<8192xf32, #tpu.memory_space<hbm>>) target(%arg5 : memref<8192xf32, #tpu.memory_space<vmem>>) target_semaphore(%arg49 : memref<!tpu.dma_semaphore, #tpu.memory_space<semaphore_mem>>)
    %dma_start3A_71 = arith.constant 0 : i32
    %dma_start3A_72 = tpu.memref_slice %arg3[%dma_start3A_71] : memref<56623104xf32, #tpu.memory_space<hbm>> -> memref<56623104xf32, #tpu.memory_space<hbm>>
    tpu.enqueue_indirect_dma source(%dma_start3A_72 : memref<56623104xf32, #tpu.memory_space<hbm>>) target(%arg31 : memref<2048xf32, #tpu.memory_space<vmem>>) offsets(%arg15 : memref<2048xi32, #tpu.memory_space<vmem>>) semaphore(%arg48 : memref<!tpu.dma_semaphore, #tpu.memory_space<semaphore_mem>>)
    %dma_start3A_73 = arith.constant 0 : i32
    %dma_start3A_74 = tpu.memref_slice %arg3[%dma_start3A_73] : memref<56623104xf32, #tpu.memory_space<hbm>> -> memref<56623104xf32, #tpu.memory_space<hbm>>
    tpu.enqueue_indirect_dma source(%dma_start3A_74 : memref<56623104xf32, #tpu.memory_space<hbm>>) target(%arg32 : memref<2048xf32, #tpu.memory_space<vmem>>) offsets(%arg16 : memref<2048xi32, #tpu.memory_space<vmem>>) semaphore(%arg48 : memref<!tpu.dma_semaphore, #tpu.memory_space<semaphore_mem>>)
    %dma_start3A_75 = arith.constant 0 : i32
    %dma_start3A_76 = tpu.memref_slice %arg3[%dma_start3A_75] : memref<56623104xf32, #tpu.memory_space<hbm>> -> memref<56623104xf32, #tpu.memory_space<hbm>>
    tpu.enqueue_indirect_dma source(%dma_start3A_76 : memref<56623104xf32, #tpu.memory_space<hbm>>) target(%arg33 : memref<2048xf32, #tpu.memory_space<vmem>>) offsets(%arg17 : memref<2048xi32, #tpu.memory_space<vmem>>) semaphore(%arg48 : memref<!tpu.dma_semaphore, #tpu.memory_space<semaphore_mem>>)
    %dma_start3A_77 = arith.constant 0 : i32
    %dma_start3A_78 = tpu.memref_slice %arg3[%dma_start3A_77] : memref<56623104xf32, #tpu.memory_space<hbm>> -> memref<56623104xf32, #tpu.memory_space<hbm>>
    tpu.enqueue_indirect_dma source(%dma_start3A_78 : memref<56623104xf32, #tpu.memory_space<hbm>>) target(%arg34 : memref<2048xf32, #tpu.memory_space<vmem>>) offsets(%arg18 : memref<2048xi32, #tpu.memory_space<vmem>>) semaphore(%arg48 : memref<!tpu.dma_semaphore, #tpu.memory_space<semaphore_mem>>)
    %dma_start3A_79 = arith.constant 0 : i32
    %dma_start3A_80 = tpu.memref_slice %arg3[%dma_start3A_79] : memref<56623104xf32, #tpu.memory_space<hbm>> -> memref<56623104xf32, #tpu.memory_space<hbm>>
    tpu.enqueue_indirect_dma source(%dma_start3A_80 : memref<56623104xf32, #tpu.memory_space<hbm>>) target(%arg35 : memref<2048xf32, #tpu.memory_space<vmem>>) offsets(%arg19 : memref<2048xi32, #tpu.memory_space<vmem>>) semaphore(%arg48 : memref<!tpu.dma_semaphore, #tpu.memory_space<semaphore_mem>>)
    %dma_start3A_81 = arith.constant 0 : i32
    %dma_start3A_82 = tpu.memref_slice %arg3[%dma_start3A_81] : memref<56623104xf32, #tpu.memory_space<hbm>> -> memref<56623104xf32, #tpu.memory_space<hbm>>
    tpu.enqueue_indirect_dma source(%dma_start3A_82 : memref<56623104xf32, #tpu.memory_space<hbm>>) target(%arg36 : memref<2048xf32, #tpu.memory_space<vmem>>) offsets(%arg20 : memref<2048xi32, #tpu.memory_space<vmem>>) semaphore(%arg48 : memref<!tpu.dma_semaphore, #tpu.memory_space<semaphore_mem>>)
    %dma_start3A_83 = arith.constant 0 : i32
    %dma_start3A_84 = tpu.memref_slice %arg3[%dma_start3A_83] : memref<56623104xf32, #tpu.memory_space<hbm>> -> memref<56623104xf32, #tpu.memory_space<hbm>>
    tpu.enqueue_indirect_dma source(%dma_start3A_84 : memref<56623104xf32, #tpu.memory_space<hbm>>) target(%arg37 : memref<2048xf32, #tpu.memory_space<vmem>>) offsets(%arg21 : memref<2048xi32, #tpu.memory_space<vmem>>) semaphore(%arg48 : memref<!tpu.dma_semaphore, #tpu.memory_space<semaphore_mem>>)
    %dma_start3A_85 = arith.constant 0 : i32
    %dma_start3A_86 = tpu.memref_slice %arg3[%dma_start3A_85] : memref<56623104xf32, #tpu.memory_space<hbm>> -> memref<56623104xf32, #tpu.memory_space<hbm>>
    tpu.enqueue_indirect_dma source(%dma_start3A_86 : memref<56623104xf32, #tpu.memory_space<hbm>>) target(%arg38 : memref<2048xf32, #tpu.memory_space<vmem>>) offsets(%arg22 : memref<2048xi32, #tpu.memory_space<vmem>>) semaphore(%arg48 : memref<!tpu.dma_semaphore, #tpu.memory_space<semaphore_mem>>)
    %dma_wait3A_87 = arith.constant 0 : i32
    %dma_wait3A_88 = tpu.memref_slice %arg3[%dma_wait3A_87] : memref<56623104xf32, #tpu.memory_space<hbm>> -> memref<56623104xf32, #tpu.memory_space<hbm>>
    tpu.wait_indirect_dma semaphore(%arg47 : memref<!tpu.dma_semaphore, #tpu.memory_space<semaphore_mem>>) src(%dma_wait3A_88 : memref<56623104xf32, #tpu.memory_space<hbm>>) dst(%arg23 : memref<2048xf32, #tpu.memory_space<vmem>>)
    %dma_wait3A_89 = arith.constant 0 : i32
    %dma_wait3A_90 = tpu.memref_slice %arg3[%dma_wait3A_89] : memref<56623104xf32, #tpu.memory_space<hbm>> -> memref<56623104xf32, #tpu.memory_space<hbm>>
    tpu.wait_indirect_dma semaphore(%arg47 : memref<!tpu.dma_semaphore, #tpu.memory_space<semaphore_mem>>) src(%dma_wait3A_90 : memref<56623104xf32, #tpu.memory_space<hbm>>) dst(%arg24 : memref<2048xf32, #tpu.memory_space<vmem>>)
    %dma_wait3A_91 = arith.constant 0 : i32
    %dma_wait3A_92 = tpu.memref_slice %arg3[%dma_wait3A_91] : memref<56623104xf32, #tpu.memory_space<hbm>> -> memref<56623104xf32, #tpu.memory_space<hbm>>
    tpu.wait_indirect_dma semaphore(%arg47 : memref<!tpu.dma_semaphore, #tpu.memory_space<semaphore_mem>>) src(%dma_wait3A_92 : memref<56623104xf32, #tpu.memory_space<hbm>>) dst(%arg25 : memref<2048xf32, #tpu.memory_space<vmem>>)
    %dma_wait3A_93 = arith.constant 0 : i32
    %dma_wait3A_94 = tpu.memref_slice %arg3[%dma_wait3A_93] : memref<56623104xf32, #tpu.memory_space<hbm>> -> memref<56623104xf32, #tpu.memory_space<hbm>>
    tpu.wait_indirect_dma semaphore(%arg47 : memref<!tpu.dma_semaphore, #tpu.memory_space<semaphore_mem>>) src(%dma_wait3A_94 : memref<56623104xf32, #tpu.memory_space<hbm>>) dst(%arg26 : memref<2048xf32, #tpu.memory_space<vmem>>)
    %dma_wait3A_95 = arith.constant 0 : i32
    %dma_wait3A_96 = tpu.memref_slice %arg3[%dma_wait3A_95] : memref<56623104xf32, #tpu.memory_space<hbm>> -> memref<56623104xf32, #tpu.memory_space<hbm>>
    tpu.wait_indirect_dma semaphore(%arg47 : memref<!tpu.dma_semaphore, #tpu.memory_space<semaphore_mem>>) src(%dma_wait3A_96 : memref<56623104xf32, #tpu.memory_space<hbm>>) dst(%arg27 : memref<2048xf32, #tpu.memory_space<vmem>>)
    %dma_wait3A_97 = arith.constant 0 : i32
    %dma_wait3A_98 = tpu.memref_slice %arg3[%dma_wait3A_97] : memref<56623104xf32, #tpu.memory_space<hbm>> -> memref<56623104xf32, #tpu.memory_space<hbm>>
    tpu.wait_indirect_dma semaphore(%arg47 : memref<!tpu.dma_semaphore, #tpu.memory_space<semaphore_mem>>) src(%dma_wait3A_98 : memref<56623104xf32, #tpu.memory_space<hbm>>) dst(%arg28 : memref<2048xf32, #tpu.memory_space<vmem>>)
    %dma_wait3A_99 = arith.constant 0 : i32
    %dma_wait3A_100 = tpu.memref_slice %arg3[%dma_wait3A_99] : memref<56623104xf32, #tpu.memory_space<hbm>> -> memref<56623104xf32, #tpu.memory_space<hbm>>
    tpu.wait_indirect_dma semaphore(%arg47 : memref<!tpu.dma_semaphore, #tpu.memory_space<semaphore_mem>>) src(%dma_wait3A_100 : memref<56623104xf32, #tpu.memory_space<hbm>>) dst(%arg29 : memref<2048xf32, #tpu.memory_space<vmem>>)
    %dma_wait3A_101 = arith.constant 0 : i32
    %dma_wait3A_102 = tpu.memref_slice %arg3[%dma_wait3A_101] : memref<56623104xf32, #tpu.memory_space<hbm>> -> memref<56623104xf32, #tpu.memory_space<hbm>>
    tpu.wait_indirect_dma semaphore(%arg47 : memref<!tpu.dma_semaphore, #tpu.memory_space<semaphore_mem>>) src(%dma_wait3A_102 : memref<56623104xf32, #tpu.memory_space<hbm>>) dst(%arg30 : memref<2048xf32, #tpu.memory_space<vmem>>)
    %add3A_103 = arith.constant 28672 : i32
    %add3A_104 = arith.addi %mul3A_2, %add3A_103 : i32
    %sub3A = arith.constant 4096 : i32
    %sub3A_105 = arith.subi %add3A_104, %sub3A : i32
    %dma_wait3A_106 = tpu.memref_slice %arg4[%sub3A_105] : memref<1048576xf32, #tpu.memory_space<hbm>> -> memref<2048xf32, #tpu.memory_space<hbm>>
    %dma_wait3A_107 = tpu.memref_slice %arg4[%sub3A_105] : memref<1048576xf32, #tpu.memory_space<hbm>> -> memref<2048xf32, #tpu.memory_space<hbm>>
    tpu.wait_dma2 semaphore(%arg51 : memref<!tpu.dma_semaphore, #tpu.memory_space<semaphore_mem>>) src(%arg45 : memref<2048xf32, #tpu.memory_space<vmem>>) dst(%dma_wait3A_107 : memref<2048xf32, #tpu.memory_space<hbm>>)
    %scan3A_108 = arith.constant 0 : i32
    %scan3A_109 = arith.constant 0 : i32
    %scan3A_110 = arith.constant 128 : i32
    %scan3A_111 = arith.addi %scan3A_109, %scan3A_110 : i32
    %scan3A_112 = arith.constant 1 : i32
    %scan3A_113 = scf.for %scan3A_158 = %scan3A_109 to %scan3A_111 step %scan3A_112 iter_args(%scan3A_159 = %scan3A_108) -> (i32)  : i32 {
      %mul3A_160 = arith.constant 16 : i32
      %mul3A_161 = arith.muli %scan3A_158, %mul3A_160 : i32
      %get3A = arith.index_cast %mul3A_161 : i32 to index
      %get3A_162 = tpu.vector_load %arg41[%get3A] {strides = array<i32>} : memref<2048xf32, #tpu.memory_space<vmem>>, vector<16xf32>,
      %get3A_163 = vector.shape_cast %get3A_162 : vector<16xf32> to vector<16xf32>
      %get3A_164 = arith.index_cast %mul3A_161 : i32 to index
      %get3A_165 = tpu.vector_load %arg40[%get3A_164] {strides = array<i32>} : memref<2048xf32, #tpu.memory_space<vmem>>, vector<16xf32>,
      %get3A_166 = vector.shape_cast %get3A_165 : vector<16xf32> to vector<16xf32>
      %get3A_167 = arith.index_cast %mul3A_161 : i32 to index
      %get3A_168 = tpu.vector_load %arg39[%get3A_167] {strides = array<i32>} : memref<2048xf32, #tpu.memory_space<vmem>>, vector<16xf32>,
      %get3A_169 = vector.shape_cast %get3A_168 : vector<16xf32> to vector<16xf32>
      %get3A_170 = arith.index_cast %mul3A_161 : i32 to index
      %get3A_171 = tpu.vector_load %arg23[%get3A_170] {strides = array<i32>} : memref<2048xf32, #tpu.memory_space<vmem>>, vector<16xf32>,
      %get3A_172 = vector.shape_cast %get3A_171 : vector<16xf32> to vector<16xf32>
      %sub3A_173 = arith.constant 1.000000e+00 : f32
      %sub3A_174 = vector.broadcast %sub3A_173 : f32 to vector<16xf32>
      %sub3A_175 = arith.subf %sub3A_174, %get3A_163 : vector<16xf32>
      %mul3A_176 = arith.mulf %get3A_172, %sub3A_175 : vector<16xf32>
      %get3A_177 = arith.index_cast %mul3A_161 : i32 to index
      %get3A_178 = tpu.vector_load %arg24[%get3A_177] {strides = array<i32>} : memref<2048xf32, #tpu.memory_space<vmem>>, vector<16xf32>,
      %get3A_179 = vector.shape_cast %get3A_178 : vector<16xf32> to vector<16xf32>
      %mul3A_180 = arith.mulf %get3A_179, %get3A_163 : vector<16xf32>
      %add3A_181 = arith.addf %mul3A_176, %mul3A_180 : vector<16xf32>
      %get3A_182 = arith.index_cast %mul3A_161 : i32 to index
      %get3A_183 = tpu.vector_load %arg25[%get3A_182] {strides = array<i32>} : memref<2048xf32, #tpu.memory_space<vmem>>, vector<16xf32>,
      %get3A_184 = vector.shape_cast %get3A_183 : vector<16xf32> to vector<16xf32>
      %sub3A_185 = arith.constant 1.000000e+00 : f32
      %sub3A_186 = vector.broadcast %sub3A_185 : f32 to vector<16xf32>
      %sub3A_187 = arith.subf %sub3A_186, %get3A_163 : vector<16xf32>
      %mul3A_188 = arith.mulf %get3A_184, %sub3A_187 : vector<16xf32>
      %get3A_189 = arith.index_cast %mul3A_161 : i32 to index
      %get3A_190 = tpu.vector_load %arg26[%get3A_189] {strides = array<i32>} : memref<2048xf32, #tpu.memory_space<vmem>>, vector<16xf32>,
      %get3A_191 = vector.shape_cast %get3A_190 : vector<16xf32> to vector<16xf32>
      %mul3A_192 = arith.mulf %get3A_191, %get3A_163 : vector<16xf32>
      %add3A_193 = arith.addf %mul3A_188, %mul3A_192 : vector<16xf32>
      %get3A_194 = arith.index_cast %mul3A_161 : i32 to index
      %get3A_195 = tpu.vector_load %arg27[%get3A_194] {strides = array<i32>} : memref<2048xf32, #tpu.memory_space<vmem>>, vector<16xf32>,
      %get3A_196 = vector.shape_cast %get3A_195 : vector<16xf32> to vector<16xf32>
      %sub3A_197 = arith.constant 1.000000e+00 : f32
      %sub3A_198 = vector.broadcast %sub3A_197 : f32 to vector<16xf32>
      %sub3A_199 = arith.subf %sub3A_198, %get3A_163 : vector<16xf32>
      %mul3A_200 = arith.mulf %get3A_196, %sub3A_199 : vector<16xf32>
      %get3A_201 = arith.index_cast %mul3A_161 : i32 to index
      %get3A_202 = tpu.vector_load %arg28[%get3A_201] {strides = array<i32>} : memref<2048xf32, #tpu.memory_space<vmem>>, vector<16xf32>,
      %get3A_203 = vector.shape_cast %get3A_202 : vector<16xf32> to vector<16xf32>
      %mul3A_204 = arith.mulf %get3A_203, %get3A_163 : vector<16xf32>
      %add3A_205 = arith.addf %mul3A_200, %mul3A_204 : vector<16xf32>
      %get3A_206 = arith.index_cast %mul3A_161 : i32 to index
      %get3A_207 = tpu.vector_load %arg29[%get3A_206] {strides = array<i32>} : memref<2048xf32, #tpu.memory_space<vmem>>, vector<16xf32>,
      %get3A_208 = vector.shape_cast %get3A_207 : vector<16xf32> to vector<16xf32>
      %sub3A_209 = arith.constant 1.000000e+00 : f32
      %sub3A_210 = vector.broadcast %sub3A_209 : f32 to vector<16xf32>
      %sub3A_211 = arith.subf %sub3A_210, %get3A_163 : vector<16xf32>
      %mul3A_212 = arith.mulf %get3A_208, %sub3A_211 : vector<16xf32>
      %get3A_213 = arith.index_cast %mul3A_161 : i32 to index
      %get3A_214 = tpu.vector_load %arg30[%get3A_213] {strides = array<i32>} : memref<2048xf32, #tpu.memory_space<vmem>>, vector<16xf32>,
      %get3A_215 = vector.shape_cast %get3A_214 : vector<16xf32> to vector<16xf32>
      %mul3A_216 = arith.mulf %get3A_215, %get3A_163 : vector<16xf32>
      %add3A_217 = arith.addf %mul3A_212, %mul3A_216 : vector<16xf32>
      %sub3A_218 = arith.constant 1.000000e+00 : f32
      %sub3A_219 = vector.broadcast %sub3A_218 : f32 to vector<16xf32>
      %sub3A_220 = arith.subf %sub3A_219, %get3A_166 : vector<16xf32>
      %mul3A_221 = arith.mulf %add3A_181, %sub3A_220 : vector<16xf32>
      %mul3A_222 = arith.mulf %add3A_193, %get3A_166 : vector<16xf32>
      %add3A_223 = arith.addf %mul3A_221, %mul3A_222 : vector<16xf32>
      %sub3A_224 = arith.constant 1.000000e+00 : f32
      %sub3A_225 = vector.broadcast %sub3A_224 : f32 to vector<16xf32>
      %sub3A_226 = arith.subf %sub3A_225, %get3A_166 : vector<16xf32>
      %mul3A_227 = arith.mulf %add3A_205, %sub3A_226 : vector<16xf32>
      %mul3A_228 = arith.mulf %add3A_217, %get3A_166 : vector<16xf32>
      %add3A_229 = arith.addf %mul3A_227, %mul3A_228 : vector<16xf32>
      %sub3A_230 = arith.constant 1.000000e+00 : f32
      %sub3A_231 = vector.broadcast %sub3A_230 : f32 to vector<16xf32>
      %sub3A_232 = arith.subf %sub3A_231, %get3A_169 : vector<16xf32>
      %mul3A_233 = arith.mulf %add3A_223, %sub3A_232 : vector<16xf32>
      %mul3A_234 = arith.mulf %add3A_229, %get3A_169 : vector<16xf32>
      %add3A_235 = arith.addf %mul3A_233, %mul3A_234 : vector<16xf32>
      %swap3A = arith.index_cast %mul3A_161 : i32 to index
      %swap3A_236 = tpu.vector_load %arg45[%swap3A] {strides = array<i32>} : memref<2048xf32, #tpu.memory_space<vmem>>, vector<16xf32>,
      %swap3A_237 = vector.shape_cast %swap3A_236 : vector<16xf32> to vector<16xf32>
      %swap3A_238 = vector.shape_cast %add3A_235 : vector<16xf32> to vector<16xf32>
      tpu.vector_store %arg45[%swap3A], %swap3A_238 {strides = array<i32>} : memref<2048xf32, #tpu.memory_space<vmem>>, vector<16xf32>,
      %scan3A_239 = arith.constant 0 : i32
      scf.yield %scan3A_239 : i32
    }
    %scan3A_114 = arith.constant 128 : i32
    %dma_start3A_115 = tpu.memref_slice %arg4[%add3A_104] : memref<1048576xf32, #tpu.memory_space<hbm>> -> memref<2048xf32, #tpu.memory_space<hbm>>
    %dma_start3A_116 = tpu.memref_slice %arg4[%add3A_104] : memref<1048576xf32, #tpu.memory_space<hbm>> -> memref<2048xf32, #tpu.memory_space<hbm>>
    tpu.enqueue_dma source(%arg45 : memref<2048xf32, #tpu.memory_space<vmem>>) target(%dma_start3A_116 : memref<2048xf32, #tpu.memory_space<hbm>>) target_semaphore(%arg51 : memref<!tpu.dma_semaphore, #tpu.memory_space<semaphore_mem>>)
    %dma_wait3A_117 = arith.constant 0 : i32
    %dma_wait3A_118 = tpu.memref_slice %arg3[%dma_wait3A_117] : memref<56623104xf32, #tpu.memory_space<hbm>> -> memref<56623104xf32, #tpu.memory_space<hbm>>
    tpu.wait_indirect_dma semaphore(%arg48 : memref<!tpu.dma_semaphore, #tpu.memory_space<semaphore_mem>>) src(%dma_wait3A_118 : memref<56623104xf32, #tpu.memory_space<hbm>>) dst(%arg31 : memref<2048xf32, #tpu.memory_space<vmem>>)
    %dma_wait3A_119 = arith.constant 0 : i32
    %dma_wait3A_120 = tpu.memref_slice %arg3[%dma_wait3A_119] : memref<56623104xf32, #tpu.memory_space<hbm>> -> memref<56623104xf32, #tpu.memory_space<hbm>>
    tpu.wait_indirect_dma semaphore(%arg48 : memref<!tpu.dma_semaphore, #tpu.memory_space<semaphore_mem>>) src(%dma_wait3A_120 : memref<56623104xf32, #tpu.memory_space<hbm>>) dst(%arg32 : memref<2048xf32, #tpu.memory_space<vmem>>)
    %dma_wait3A_121 = arith.constant 0 : i32
    %dma_wait3A_122 = tpu.memref_slice %arg3[%dma_wait3A_121] : memref<56623104xf32, #tpu.memory_space<hbm>> -> memref<56623104xf32, #tpu.memory_space<hbm>>
    tpu.wait_indirect_dma semaphore(%arg48 : memref<!tpu.dma_semaphore, #tpu.memory_space<semaphore_mem>>) src(%dma_wait3A_122 : memref<56623104xf32, #tpu.memory_space<hbm>>) dst(%arg33 : memref<2048xf32, #tpu.memory_space<vmem>>)
    %dma_wait3A_123 = arith.constant 0 : i32
    %dma_wait3A_124 = tpu.memref_slice %arg3[%dma_wait3A_123] : memref<56623104xf32, #tpu.memory_space<hbm>> -> memref<56623104xf32, #tpu.memory_space<hbm>>
    tpu.wait_indirect_dma semaphore(%arg48 : memref<!tpu.dma_semaphore, #tpu.memory_space<semaphore_mem>>) src(%dma_wait3A_124 : memref<56623104xf32, #tpu.memory_space<hbm>>) dst(%arg34 : memref<2048xf32, #tpu.memory_space<vmem>>)
    %dma_wait3A_125 = arith.constant 0 : i32
    %dma_wait3A_126 = tpu.memref_slice %arg3[%dma_wait3A_125] : memref<56623104xf32, #tpu.memory_space<hbm>> -> memref<56623104xf32, #tpu.memory_space<hbm>>
    tpu.wait_indirect_dma semaphore(%arg48 : memref<!tpu.dma_semaphore, #tpu.memory_space<semaphore_mem>>) src(%dma_wait3A_126 : memref<56623104xf32, #tpu.memory_space<hbm>>) dst(%arg35 : memref<2048xf32, #tpu.memory_space<vmem>>)
    %dma_wait3A_127 = arith.constant 0 : i32
    %dma_wait3A_128 = tpu.memref_slice %arg3[%dma_wait3A_127] : memref<56623104xf32, #tpu.memory_space<hbm>> -> memref<56623104xf32, #tpu.memory_space<hbm>>
    tpu.wait_indirect_dma semaphore(%arg48 : memref<!tpu.dma_semaphore, #tpu.memory_space<semaphore_mem>>) src(%dma_wait3A_128 : memref<56623104xf32, #tpu.memory_space<hbm>>) dst(%arg36 : memref<2048xf32, #tpu.memory_space<vmem>>)
    %dma_wait3A_129 = arith.constant 0 : i32
    %dma_wait3A_130 = tpu.memref_slice %arg3[%dma_wait3A_129] : memref<56623104xf32, #tpu.memory_space<hbm>> -> memref<56623104xf32, #tpu.memory_space<hbm>>
    tpu.wait_indirect_dma semaphore(%arg48 : memref<!tpu.dma_semaphore, #tpu.memory_space<semaphore_mem>>) src(%dma_wait3A_130 : memref<56623104xf32, #tpu.memory_space<hbm>>) dst(%arg37 : memref<2048xf32, #tpu.memory_space<vmem>>)
    %dma_wait3A_131 = arith.constant 0 : i32
    %dma_wait3A_132 = tpu.memref_slice %arg3[%dma_wait3A_131] : memref<56623104xf32, #tpu.memory_space<hbm>> -> memref<56623104xf32, #tpu.memory_space<hbm>>
    tpu.wait_indirect_dma semaphore(%arg48 : memref<!tpu.dma_semaphore, #tpu.memory_space<semaphore_mem>>) src(%dma_wait3A_132 : memref<56623104xf32, #tpu.memory_space<hbm>>) dst(%arg38 : memref<2048xf32, #tpu.memory_space<vmem>>)
    %add3A_133 = arith.constant 30720 : i32
    %add3A_134 = arith.addi %mul3A_2, %add3A_133 : i32
    %sub3A_135 = arith.constant 4096 : i32
    %sub3A_136 = arith.subi %add3A_134, %sub3A_135 : i32
    %dma_wait3A_137 = tpu.memref_slice %arg4[%sub3A_136] : memref<1048576xf32, #tpu.memory_space<hbm>> -> memref<2048xf32, #tpu.memory_space<hbm>>
    %dma_wait3A_138 = tpu.memref_slice %arg4[%sub3A_136] : memref<1048576xf32, #tpu.memory_space<hbm>> -> memref<2048xf32, #tpu.memory_space<hbm>>
    tpu.wait_dma2 semaphore(%arg52 : memref<!tpu.dma_semaphore, #tpu.memory_space<semaphore_mem>>) src(%arg46 : memref<2048xf32, #tpu.memory_space<vmem>>) dst(%dma_wait3A_138 : memref<2048xf32, #tpu.memory_space<hbm>>)
    %scan3A_139 = arith.constant 0 : i32
    %scan3A_140 = arith.constant 0 : i32
    %scan3A_141 = arith.constant 128 : i32
    %scan3A_142 = arith.addi %scan3A_140, %scan3A_141 : i32
    %scan3A_143 = arith.constant 1 : i32
    %scan3A_144 = scf.for %scan3A_158 = %scan3A_140 to %scan3A_142 step %scan3A_143 iter_args(%scan3A_159 = %scan3A_139) -> (i32)  : i32 {
      %mul3A_160 = arith.constant 16 : i32
      %mul3A_161 = arith.muli %scan3A_158, %mul3A_160 : i32
      %get3A = arith.index_cast %mul3A_161 : i32 to index
      %get3A_162 = tpu.vector_load %arg44[%get3A] {strides = array<i32>} : memref<2048xf32, #tpu.memory_space<vmem>>, vector<16xf32>,
      %get3A_163 = vector.shape_cast %get3A_162 : vector<16xf32> to vector<16xf32>
      %get3A_164 = arith.index_cast %mul3A_161 : i32 to index
      %get3A_165 = tpu.vector_load %arg43[%get3A_164] {strides = array<i32>} : memref<2048xf32, #tpu.memory_space<vmem>>, vector<16xf32>,
      %get3A_166 = vector.shape_cast %get3A_165 : vector<16xf32> to vector<16xf32>
      %get3A_167 = arith.index_cast %mul3A_161 : i32 to index
      %get3A_168 = tpu.vector_load %arg42[%get3A_167] {strides = array<i32>} : memref<2048xf32, #tpu.memory_space<vmem>>, vector<16xf32>,
      %get3A_169 = vector.shape_cast %get3A_168 : vector<16xf32> to vector<16xf32>
      %get3A_170 = arith.index_cast %mul3A_161 : i32 to index
      %get3A_171 = tpu.vector_load %arg31[%get3A_170] {strides = array<i32>} : memref<2048xf32, #tpu.memory_space<vmem>>, vector<16xf32>,
      %get3A_172 = vector.shape_cast %get3A_171 : vector<16xf32> to vector<16xf32>
      %sub3A_173 = arith.constant 1.000000e+00 : f32
      %sub3A_174 = vector.broadcast %sub3A_173 : f32 to vector<16xf32>
      %sub3A_175 = arith.subf %sub3A_174, %get3A_163 : vector<16xf32>
      %mul3A_176 = arith.mulf %get3A_172, %sub3A_175 : vector<16xf32>
      %get3A_177 = arith.index_cast %mul3A_161 : i32 to index
      %get3A_178 = tpu.vector_load %arg32[%get3A_177] {strides = array<i32>} : memref<2048xf32, #tpu.memory_space<vmem>>, vector<16xf32>,
      %get3A_179 = vector.shape_cast %get3A_178 : vector<16xf32> to vector<16xf32>
      %mul3A_180 = arith.mulf %get3A_179, %get3A_163 : vector<16xf32>
      %add3A_181 = arith.addf %mul3A_176, %mul3A_180 : vector<16xf32>
      %get3A_182 = arith.index_cast %mul3A_161 : i32 to index
      %get3A_183 = tpu.vector_load %arg33[%get3A_182] {strides = array<i32>} : memref<2048xf32, #tpu.memory_space<vmem>>, vector<16xf32>,
      %get3A_184 = vector.shape_cast %get3A_183 : vector<16xf32> to vector<16xf32>
      %sub3A_185 = arith.constant 1.000000e+00 : f32
      %sub3A_186 = vector.broadcast %sub3A_185 : f32 to vector<16xf32>
      %sub3A_187 = arith.subf %sub3A_186, %get3A_163 : vector<16xf32>
      %mul3A_188 = arith.mulf %get3A_184, %sub3A_187 : vector<16xf32>
      %get3A_189 = arith.index_cast %mul3A_161 : i32 to index
      %get3A_190 = tpu.vector_load %arg34[%get3A_189] {strides = array<i32>} : memref<2048xf32, #tpu.memory_space<vmem>>, vector<16xf32>,
      %get3A_191 = vector.shape_cast %get3A_190 : vector<16xf32> to vector<16xf32>
      %mul3A_192 = arith.mulf %get3A_191, %get3A_163 : vector<16xf32>
      %add3A_193 = arith.addf %mul3A_188, %mul3A_192 : vector<16xf32>
      %get3A_194 = arith.index_cast %mul3A_161 : i32 to index
      %get3A_195 = tpu.vector_load %arg35[%get3A_194] {strides = array<i32>} : memref<2048xf32, #tpu.memory_space<vmem>>, vector<16xf32>,
      %get3A_196 = vector.shape_cast %get3A_195 : vector<16xf32> to vector<16xf32>
      %sub3A_197 = arith.constant 1.000000e+00 : f32
      %sub3A_198 = vector.broadcast %sub3A_197 : f32 to vector<16xf32>
      %sub3A_199 = arith.subf %sub3A_198, %get3A_163 : vector<16xf32>
      %mul3A_200 = arith.mulf %get3A_196, %sub3A_199 : vector<16xf32>
      %get3A_201 = arith.index_cast %mul3A_161 : i32 to index
      %get3A_202 = tpu.vector_load %arg36[%get3A_201] {strides = array<i32>} : memref<2048xf32, #tpu.memory_space<vmem>>, vector<16xf32>,
      %get3A_203 = vector.shape_cast %get3A_202 : vector<16xf32> to vector<16xf32>
      %mul3A_204 = arith.mulf %get3A_203, %get3A_163 : vector<16xf32>
      %add3A_205 = arith.addf %mul3A_200, %mul3A_204 : vector<16xf32>
      %get3A_206 = arith.index_cast %mul3A_161 : i32 to index
      %get3A_207 = tpu.vector_load %arg37[%get3A_206] {strides = array<i32>} : memref<2048xf32, #tpu.memory_space<vmem>>, vector<16xf32>,
      %get3A_208 = vector.shape_cast %get3A_207 : vector<16xf32> to vector<16xf32>
      %sub3A_209 = arith.constant 1.000000e+00 : f32
      %sub3A_210 = vector.broadcast %sub3A_209 : f32 to vector<16xf32>
      %sub3A_211 = arith.subf %sub3A_210, %get3A_163 : vector<16xf32>
      %mul3A_212 = arith.mulf %get3A_208, %sub3A_211 : vector<16xf32>
      %get3A_213 = arith.index_cast %mul3A_161 : i32 to index
      %get3A_214 = tpu.vector_load %arg38[%get3A_213] {strides = array<i32>} : memref<2048xf32, #tpu.memory_space<vmem>>, vector<16xf32>,
      %get3A_215 = vector.shape_cast %get3A_214 : vector<16xf32> to vector<16xf32>
      %mul3A_216 = arith.mulf %get3A_215, %get3A_163 : vector<16xf32>
      %add3A_217 = arith.addf %mul3A_212, %mul3A_216 : vector<16xf32>
      %sub3A_218 = arith.constant 1.000000e+00 : f32
      %sub3A_219 = vector.broadcast %sub3A_218 : f32 to vector<16xf32>
      %sub3A_220 = arith.subf %sub3A_219, %get3A_166 : vector<16xf32>
      %mul3A_221 = arith.mulf %add3A_181, %sub3A_220 : vector<16xf32>
      %mul3A_222 = arith.mulf %add3A_193, %get3A_166 : vector<16xf32>
      %add3A_223 = arith.addf %mul3A_221, %mul3A_222 : vector<16xf32>
      %sub3A_224 = arith.constant 1.000000e+00 : f32
      %sub3A_225 = vector.broadcast %sub3A_224 : f32 to vector<16xf32>
      %sub3A_226 = arith.subf %sub3A_225, %get3A_166 : vector<16xf32>
      %mul3A_227 = arith.mulf %add3A_205, %sub3A_226 : vector<16xf32>
      %mul3A_228 = arith.mulf %add3A_217, %get3A_166 : vector<16xf32>
      %add3A_229 = arith.addf %mul3A_227, %mul3A_228 : vector<16xf32>
      %sub3A_230 = arith.constant 1.000000e+00 : f32
      %sub3A_231 = vector.broadcast %sub3A_230 : f32 to vector<16xf32>
      %sub3A_232 = arith.subf %sub3A_231, %get3A_169 : vector<16xf32>
      %mul3A_233 = arith.mulf %add3A_223, %sub3A_232 : vector<16xf32>
      %mul3A_234 = arith.mulf %add3A_229, %get3A_169 : vector<16xf32>
      %add3A_235 = arith.addf %mul3A_233, %mul3A_234 : vector<16xf32>
      %swap3A = arith.index_cast %mul3A_161 : i32 to index
      %swap3A_236 = tpu.vector_load %arg46[%swap3A] {strides = array<i32>} : memref<2048xf32, #tpu.memory_space<vmem>>, vector<16xf32>,
      %swap3A_237 = vector.shape_cast %swap3A_236 : vector<16xf32> to vector<16xf32>
      %swap3A_238 = vector.shape_cast %add3A_235 : vector<16xf32> to vector<16xf32>
      tpu.vector_store %arg46[%swap3A], %swap3A_238 {strides = array<i32>} : memref<2048xf32, #tpu.memory_space<vmem>>, vector<16xf32>,
      %scan3A_239 = arith.constant 0 : i32
      scf.yield %scan3A_239 : i32
    }
    %scan3A_145 = arith.constant 128 : i32
    %dma_start3A_146 = tpu.memref_slice %arg4[%add3A_134] : memref<1048576xf32, #tpu.memory_space<hbm>> -> memref<2048xf32, #tpu.memory_space<hbm>>
    %dma_start3A_147 = tpu.memref_slice %arg4[%add3A_134] : memref<1048576xf32, #tpu.memory_space<hbm>> -> memref<2048xf32, #tpu.memory_space<hbm>>
    tpu.enqueue_dma source(%arg46 : memref<2048xf32, #tpu.memory_space<vmem>>) target(%dma_start3A_147 : memref<2048xf32, #tpu.memory_space<hbm>>) target_semaphore(%arg52 : memref<!tpu.dma_semaphore, #tpu.memory_space<semaphore_mem>>)
    %mul3A_148 = arith.constant 4 : i32
    %mul3A_149 = arith.muli %add3A_4, %mul3A_148 : i32
    %dma_wait3A_150 = tpu.memref_slice %arg2[%mul3A_149] : memref<4194304xf32, #tpu.memory_space<hbm>> -> memref<8192xf32, #tpu.memory_space<hbm>>
    %dma_wait3A_151 = tpu.memref_slice %arg2[%mul3A_149] : memref<4194304xf32, #tpu.memory_space<hbm>> -> memref<8192xf32, #tpu.memory_space<hbm>>
    tpu.wait_dma2 semaphore(%arg49 : memref<!tpu.dma_semaphore, #tpu.memory_space<semaphore_mem>>) src(%dma_wait3A_151 : memref<8192xf32, #tpu.memory_space<hbm>>) dst(%arg5 : memref<8192xf32, #tpu.memory_space<vmem>>)
    %sub3A_152 = arith.constant 2048 : i32
    %sub3A_153 = arith.subi %add3A_4, %sub3A_152 : i32
    %dma_wait3A_154 = tpu.memref_slice %arg4[%sub3A_153] : memref<1048576xf32, #tpu.memory_space<hbm>> -> memref<2048xf32, #tpu.memory_space<hbm>>
    %dma_wait3A_155 = tpu.memref_slice %arg4[%sub3A_153] : memref<1048576xf32, #tpu.memory_space<hbm>> -> memref<2048xf32, #tpu.memory_space<hbm>>
    tpu.wait_dma2 semaphore(%arg51 : memref<!tpu.dma_semaphore, #tpu.memory_space<semaphore_mem>>) src(%arg45 : memref<2048xf32, #tpu.memory_space<vmem>>) dst(%dma_wait3A_155 : memref<2048xf32, #tpu.memory_space<hbm>>)
    %dma_wait3A_156 = tpu.memref_slice %arg4[%add3A_4] : memref<1048576xf32, #tpu.memory_space<hbm>> -> memref<2048xf32, #tpu.memory_space<hbm>>
    %dma_wait3A_157 = tpu.memref_slice %arg4[%add3A_4] : memref<1048576xf32, #tpu.memory_space<hbm>> -> memref<2048xf32, #tpu.memory_space<hbm>>
    tpu.wait_dma2 semaphore(%arg52 : memref<!tpu.dma_semaphore, #tpu.memory_space<semaphore_mem>>) src(%arg46 : memref<2048xf32, #tpu.memory_space<vmem>>) dst(%dma_wait3A_157 : memref<2048xf32, #tpu.memory_space<hbm>>)
    return
  }
}

</mosaic_0001>

<sc_bundles>
// kernel: kernel.3.cloned.1.call-start
scs
__scs_entry_jumppad:
0x0: {  	(pc) =	sbr.rel $0x88, $3  }
0x1: {  	(tag) =	ssettag $0x0;
	lr =	simm.s32 $0x1  }
0x2: {  	[smem:$0x3F9F] =	sst lr;
	_ =	strace $0xD0000000  }
0x3: {  	_ = 	snop  }
0x4: {  	_ = 	snop  }
0x5: {  	_ = 	snop  }
0x6: {  	_ = 	snop  }
0x7: {  	_ = 	snop  }
__scs_overlays_trampoline_lowered:
0x8: {  	[smem:$0x3FAE] =	sst s0  }
0x9: {  	[smem:$0x3FAF] =	sst s1  }
0xa: {  	[smem:$0x3FB0] =	sst s2  }
0xb: {  	[smem:$0x3FB1] =	sst s3  }
0xc: {  	[smem:$0x3FB2] =	sst s4  }
0xd: {  	[smem:$0x3FB3] =	sst s5  }
0xe: {  	[smem:$0x3FB4] =	sst s6  }
0xf: {  	[smem:$0x3FB5] =	sst s7  }
0x10: {  	[smem:$0x3FB6] =	sst s8  }
0x11: {  	[smem:$0x3FB7] =	sst s9;
	s0 =	simm.s32 @!p0 $0x0  }
0x12: {  	s1 =	sld [smem:$0x3F9D];
	s0 =	simm.s32 @p0 $0x1  }
0x13: {  	[smem:$0x3FB8] =	sst s0;
	s0 =	simm.s32 @!p1 $0x0  }
0x14: {  	s2 =	sld [smem:$0x3F9C];
	s0 =	simm.s32 @p1 $0x1  }
0x15: {  	[smem:$0x3FB9] =	sst s0;
	s0 =	simm.s32 @!p2 $0x0  }
0x16: {  	s3 =	sld [smem:$0x3FDB];
	s0 =	simm.s32 @p2 $0x1  }
0x17: {  	s4 =	simm.s32 $0x1BF5;
	[smem:$0x3FBB] =	sst s0  }
0x18: {  	s0 =	sld [smem:$0x3F9E];
	_ =	swait.ge [sflag:s4], $0x0  }
0x19: {  	s7 =	sld [smem:$0x3F9F]  }
0x1a: {  	s8 =	sadd.s32 $0xFFFFE003, lr  }
0x1b: {  	s9 =	sadd.s32 $0xFFFFFEF7, lr;
	s5 =	simm.s32 $0xFFFFFFFF;
	p2 =	slt.u32 s8, $0xFFFFF086  }
0x1c: {  	p1 =	slt.u32 s9, $0xF7A;
	s5 =	simm.s32 @!p2 $0x0  }
0x1d: {  	s5 =	simm.s32 @p1 $0x1;
	p0 =	seq.s32 s7, s2  }
0x1e: {  	s7 =	smul.u32 @!p0 $0xF7A, s2;
	p2 =	seq.s32 @!p0 s5, $0x0  }
0x1f: {  	s9 =	smul.u32 $0xF7A, s1;
	s8 =	simm.s32 @!p0 $0x1BF5;
	p2 =	por !p2, p0  }
0x20: {  	[sflag:s8] =	ssyncset.s32 @!p0 $0xFFFFF086;
	s6 =	sadd.s32 @!p0 s3, s7;
	s7 =	simm.s32 @!p0 $0x108  }
0x21: {  	s3 =	sadd.s32 s3, s9;
	s6 =	sadd.s32 @!p0 $0x88, s6;
	s7 =	simm.s32 @p2 $0x1082  }
0x22: {  	[simem:s7], [sflag:s8] =	dma.local @!p0 [hbm:s6], $0xF7A  }
0x23: {  	s9 =	sor.u32 $0xD0000000, s2;
	s6 =	simm.s32 $0x108;
	_ =	swait.ge @!p0 [sflag:s8], $0x0  }
0x24: {  	s3 =	sadd.s32 $0x88, s3;
	s6 =	simm.s32 @!p1 $0x1082;
	[sflag:s4] =	ssyncset.s32 $0xFFFFF086  }
0x25: {  	[simem:s6], [sflag:s4] =	dma.local [hbm:s3], $0xF7A  }
0x26: {  	[smem:$0x3F9F] =	sst s1;
	(tag) =	ssettag s2;
	_ =	strace s9  }
0x27: {  	s1 =	sld [smem:$0x3FAF]  }
0x28: {  	s2 =	sld [smem:$0x3FB0]  }
0x29: {  	s4 =	sld [smem:$0x3FB2]  }
0x2a: {  	p0 =	seq.s32 s5, $0x0;
	s5 =	sld [smem:$0x3FB3]  }
0x2b: {  	s6 =	sld [smem:$0x3FB4]  }
0x2c: {  	s7 =	sld [smem:$0x3FB5]  }
0x2d: {  	s3 =	simm.s32 $0x108;
	s8 =	sld [smem:$0x3FB6]  }
0x2e: {  	s3 =	simm.s32 @!p0 $0x1082;
	s9 =	sld [smem:$0x3FB7]  }
0x2f: {  	lr =	sadd.s32 s0, s3;
	s0 =	sld [smem:$0x3FAE]  }
0x30: {  	s3 =	sld [smem:$0x3FB1]  }
0x31: {  	[smem:$0x3FBA] =	sst s10  }
0x32: {  	s10 =	sld [smem:$0x3FB8];
	_ =	sdelay $0x3  }
0x33: {  	p0 =	seq.s32 s10, $0x1;
	s10 =	sld [smem:$0x3FBA];
	_ =	sdelay $0x3  }
0x34: {  	[smem:$0x3FBA] =	sst s10  }
0x35: {  	s10 =	sld [smem:$0x3FB9];
	_ =	sdelay $0x3  }
0x36: {  	p1 =	seq.s32 s10, $0x1;
	s10 =	sld [smem:$0x3FBA];
	_ =	sdelay $0x3  }
0x37: {  	[smem:$0x3FBA] =	sst s10  }
0x38: {  	s10 =	sld [smem:$0x3FBB]  }
0x39: {  	_ = 	snop;
	(pc) =	sbr.ind lr, $3  }
0x3a: {  	_ = 	snop  }
0x3b: {  	_ = 	snop  }
0x3c: {  	p2 =	seq.s32 s10, $0x1;
	s10 =	sld [smem:$0x3FBA]  }
0x3d: {  	_ =	shalt  }
0x3e: {  	_ =	shalt  }
0x3f: {  	_ =	shalt  }
0x40: {  	_ =	shalt  }
0x41: {  	_ =	shalt  }
0x42: {  	_ =	shalt  }
0x43: {  	_ =	shalt  }
0x44: {  	_ =	shalt  }
0x45: {  	_ =	shalt  }
0x46: {  	_ =	shalt  }
0x47: {  	_ =	shalt  }
0x48: {  	_ =	shalt  }
0x49: {  	_ =	shalt  }
0x4a: {  	_ =	shalt  }
0x4b: {  	_ =	shalt  }
0x4c: {  	_ =	shalt  }
0x4d: {  	_ =	shalt  }
0x4e: {  	_ =	shalt  }
0x4f: {  	_ =	shalt  }
0x50: {  	_ =	shalt  }
0x51: {  	_ =	shalt  }
0x52: {  	_ =	shalt  }
0x53: {  	_ =	shalt  }
0x54: {  	_ =	shalt  }
0x55: {  	_ =	shalt  }
0x56: {  	_ =	shalt  }
0x57: {  	_ =	shalt  }
0x58: {  	_ =	shalt  }
0x59: {  	_ =	shalt  }
0x5a: {  	_ =	shalt  }
0x5b: {  	_ =	shalt  }
0x5c: {  	_ =	shalt  }
0x5d: {  	_ =	shalt  }
0x5e: {  	_ =	shalt  }
0x5f: {  	_ =	shalt  }
0x60: {  	_ =	shalt  }
0x61: {  	_ =	shalt  }
0x62: {  	_ =	shalt  }
0x63: {  	_ =	shalt  }
0x64: {  	_ =	shalt  }
0x65: {  	_ =	shalt  }
0x66: {  	_ =	shalt  }
0x67: {  	_ =	shalt  }
0x68: {  	_ =	shalt  }
0x69: {  	_ =	shalt  }
0x6a: {  	_ =	shalt  }
0x6b: {  	_ =	shalt  }
0x6c: {  	_ =	shalt  }
0x6d: {  	_ =	shalt  }
0x6e: {  	_ =	shalt  }
0x6f: {  	_ =	shalt  }
0x70: {  	_ =	shalt  }
0x71: {  	_ =	shalt  }
0x72: {  	_ =	shalt  }
0x73: {  	_ =	shalt  }
0x74: {  	_ =	shalt  }
0x75: {  	_ =	shalt  }
0x76: {  	_ =	shalt  }
0x77: {  	_ =	shalt  }
0x78: {  	_ =	shalt  }
0x79: {  	_ =	shalt  }
0x7a: {  	_ =	shalt  }
0x7b: {  	_ =	shalt  }
0x7c: {  	_ =	shalt  }
0x7d: {  	_ =	shalt  }
0x7e: {  	_ =	shalt  }
0x7f: {  	_ =	shalt  }
0x80: {  	_ =	shalt  }
0x81: {  	_ =	shalt  }
0x82: {  	_ =	shalt  }
0x83: {  	_ =	shalt  }
0x84: {  	_ =	shalt  }
0x85: {  	_ =	shalt  }
0x86: {  	_ =	shalt  }
0x87: {  	_ =	shalt  }
.Lfunc_end0:
.L_simem_size_0:
called_computation_lowered:
.L_overlay_start_0:
0x88: {  	s2 =	sld [smem:$0x3FD9]  }
0x89: {  	s3 =	sld [smem:$0x3FFE];
	_ =	sdelay $0x1  }
0x8a: {  	s1 =	srdreg.scid  }
0x8b: {  	s0 =	sand.u32 $0x1, s1  }
0x8c: {  	s18 =	sshll.u32 s0, $0xA;
	s2 =	sadd.s32 s3, s2  }
0x8d: {  	s2 =	sadd.s32 s2, s18  }
0x8e: {  	[smem:$0x3FC6] =	sst s2  }
0x8f: {  	_ = 	snop  }
0x90: {  	s2 =	sld [smem:$0x3FC9]  }
0x91: {  	s19 =	sld [smem:$0x3FC8]  }
0x92: {  	s4 =	sld [smem:$0x3FD0];
	(tm) =	ssettm $0x1  }
0x93: {  	s5 =	sld [smem:$0x3FFB];
	_ =	sdelay $0x3  }
0x94: {  	_ =	strace s5  }
0x95: {  	s5 =	sld [smem:$0x3FFC];
	_ =	sdelay $0x3  }
0x96: {  	_ =	strace s5  }
0x97: {  	s5 =	sld [smem:$0x3FFD];
	_ =	sdelay $0x3  }
0x98: {  	_ =	strace s5  }
0x99: {  	_ =	strace $0x8FFFFFFF  }
0x9a: {  	s20 =	sld [smem:$0x3FDB];
	_ =	sdelay $0x1  }
0x9b: {  	s6 =	simm.s32 $_scs_section_size  }
0x9c: {  	s7 =	simm.s32 $_size__tile_overlayer_lowered;
	s8 =	simm.s32 $_tile_overlayer_lowered  }
0x9d: {  	s23 =	simm.s32 $0x1BFF;
	s22 =	sshll.u32 s8, $0x1;
	s5 =	sadd.s32 s6, s20  }
0x9e: {  	s9 =	simm.s32 $0x0;
	s21 =	sshll.u32 s7, $0x1;
	s7 =	sadd.s32 s22, s5  }
0x9f: {  	[timem:s9], [sflag:s23] =	dma.local [hbm:s7], s21  }
0xa0: {  	_ =	swait.ge [sflag:s23], s21  }
0xa1: {  	s6 =	ssub.s32 $0x0, s21;
	[sflag:s23] =	ssyncset.done $0x0  }
0xa2: {  	[sflag:s23] =	ssyncadd.s32 s6;
	_ =	sdelay $0x1  }
0xa3: {  	s24 =	simm.s32 $0x1B8B  }
0xa4: {  	_ =	swait.ge [sflag:s24], $0x1  }
0xa5: {  	[sflag:s24] =	ssyncset.done $0x0  }
0xa6: {  	s25 =	simm.s32 $0x1B8E;
	[sflag:s24] =	ssyncadd.s32 $0xFFFFFFFF  }
0xa7: {  	s26 =	simm.s32 $execute0_lowered;
	[smem:$0x3FD2] =	sst s25  }
0xa8: {  	s6 =	sshll.u32 s26, $0x1;
	_ =	strace $0x80000046;
	[dreg:$0x1] =	wrdreg $0xFFFFFFFF  }
0xa9: {  	s28 =	simm.s32 $_size_execute0_lowered;
	s5 =	sadd.s32 s5, s6;
	[dreg:$0x0] =	wrdreg $0x0  }
0xaa: {  	s6 =	sshll.u32 s28, $0x1;
	[dreg:$0x2] =	wrdreg s5  }
0xab: {  	[dreg:$0x3] =	wrdreg s6  }
0xac: {  	[dreg:$0x4] =	wrdreg $0xC0  }
0xad: {  	_ =	task [dreg:s9], $0x5FFFF  }
0xae: {  	[dreg:$0x1] =	wrdreg $0xFFFFFFFF  }
0xaf: {  	[dreg:$0x0] =	wrdreg $0x60  }
0xb0: {  	[dreg:$0x2] =	wrdreg s2  }
0xb1: {  	[dreg:$0x3] =	wrdreg s19  }
0xb2: {  	[dreg:$0x4] =	wrdreg s4  }
0xb3: {  	[dreg:$0x5] =	wrdreg $0x9  }
0xb4: {  	_ =	task.clear_ibuf [dreg:s9], $0x6FFFF;
	_ =	strace $0x90000046  }
0xb5: {  	s29 =	simm.s32 $0x9;
	_ =	strace $0x80000048  }
0xb6: {  	_ =	swait.ge [sflag:s29], $0x1  }
0xb7: {  	[sflag:s29] =	ssyncadd.s32 $0xFFFFFFFF  }
0xb8: {  	_ =	strace $0x90000048  }
0xb9: {  	_ =	sfence  }
0xba: {  	s30 =	sld [smem:$0x0];
	_ =	sdelay $0x2  }
0xbb: {  	s31 =	sshll.u32 s1, $0xD;
	s1 =	sshrl.u32 s1, $0x2  }
0xbc: {  	s3 =	sand.u32 $0x4000, s31;
	s1 =	sadd.s32 s1, s30  }
0xbd: {  	s0 =	sor.u32 s3, s0;
	s1 =	sshll.u32 s1, $0x11  }
0xbe: {  	s0 =	sor.u32 s1, s0  }
0xbf: {  	s0 =	sadd.s32 $0x8F2B, s0  }
0xc0: {  	[sflag:s0] =	ssyncadd.remote.s32 $0x1  }
0xc1: {  	_ =	sfence.sel $0xFFFF  }
0xc2: {  	[dreg:$0x0] =	wrdreg $0xFFFFFFFF;
	(pc) =	sbr.abs _section_cstart, $3  }
0xc3: {  	[dreg:$0x1] =	wrdreg $0xFFFFFFFF  }
0xc4: {  	_ =	task.clear_ibuf [dreg:s9], $0x2FFFF;
	_ =	strace $0x9FFFFFFF  }
0xc5: {  	(tm) =	ssettm $0x7FFFFFFF  }
tec
execute0_lowered:
.L_overlay_start_1:
0x0: {  	(tag) =	ssettag $0x1  }
0x1: {  	s2 =	rddreg [dreg:$0x0]  }
0x2: {  	s3 =	rddreg [dreg:$0x1]  }
0x3: {  	s0 =	srdreg.scid;
	s4 =	rddreg [dreg:$0x2]  }
0x4: {  	s1 =	stileid.u32;
	s5 =	simm.s32 $0x0;
	s16 =	simm.s32 $0x3  }
0x5: {  	s18 =	simm.s32 $0x800;
	s13 =	simm.s32 $0x4;
	s28 =	simm.s32 $0xB000  }
0x6: {  	s29 =	simm.s32 $0x13000;
	s30 =	simm.s32 $0xB800;
	s31 =	simm.s32 $0x13800  }
0x7: {  	s9 =	simm.s32 $0x2;
	s12 =	simm.s32 $0x17800;
	s0 =	sand.u32 $0x1, s0  }
0x8: {  	s14 =	simm.s32 $0x0;
	s1 =	sshll.u32 s1, $0x10;
	s6 =	sshll.u32 s0, $0xF  }
0x9: {  	[smem:$0x7FF] =	sst s5;
	s0 =	ssub.s32 $0x2, s0;
	s6 =	sor.u32 s6, s1  }
0xa: {  	_ =	strace $0x80000047;
	s21 =	sshrl.u32 s0, $0x1;
	s7 =	sshrl.u32 s6, $0x1  }
0xb: {  	s0 =	ssub.s32 s0, s21;
	s8 =	sor.u32 $0x7800, s6;
	s23 =	sadd.s32 $0x8000, s6  }
0xc: {  	s10 =	sor.u32 $0x1000, s6;
	s24 =	sshrl.u32 s6, $0x3;
	s22 =	sadd.s32 s2, s7  }
0xd: {  	s7 =	sadd.s32 s24, s4;
	[dreg:$0x4] =	wrdreg s22;
	s1 =	sadd.s32 $0x400, s22  }
0xe: {  	s0 =	smax.u32 s0, $0x1;
	[dreg:$0x5] =	wrdreg s1;
	s1 =	smin.u32 s23, s8  }
0xf: {  	s25 =	sadd.s32 $0xE00, s7;
	[dreg:$0x9] =	wrdreg s0;
	s1 =	sshrl.u32 s1, $0x1  }
0x10: {  	s26 =	sshrl.u32 s8, $0x3;
	[dreg:$0x7] =	wrdreg s25;
	s1 =	sadd.s32 s2, s1  }
0x11: {  	s11 =	sor.u32 $0x1800, s6;
	[dreg:$0x6] =	wrdreg s1;
	s1 =	sadd.s32 s4, s26  }
0x12: {  	v0 =	vimm.s32 $0x0;
	v1 =	vimm.s32 $0x1;
	s0 =	simm.s32 $0x1;
	[dreg:$0x8] =	wrdreg s1;
	s1 =	simm.s32 $0x17000  }
.LBB2_1:
0x13: {  	[dreg:$0xa] =	wrdreg s14  }
0x14: {  	s7 =	rddreg [dreg:$0x4]  }
0x15: {  	[tilespmem:s5], [sflag:$0x3] =	stream.linear.gather [hbm4b:s7+s5], $0x2000, $0x38;
	[tilespmem:$0x18000] =	vst v63  }
0x16: {  	_ =	swait.ge [sflag:s16], $0x2000  }
0x17: {  	s24 =	sand.u32 $0x1E00, s5;
	s25 =	sand.u32 $0x70, s5;
	[sflag:s16] =	ssyncset.done $0x0  }
0x18: {  	s7 =	sor.u32 s25, s24;
	[sflag:s16] =	ssyncadd.s32 $0xFFFFE000  }
0x19: {  	v2 =	vld [tilespmem:s7+$0x180]  }
0x1a: {  	v3 =	vld [tilespmem:s7+$0x0]  }
0x1b: {  	v4 =	vld [tilespmem:s7+$0x80];
	_ =	sdelay $0x3  }
0x1c: {  	v8 =	vld [tilespmem:s7+$0x100];
	v7 =	vadd.f32 $-1.000000000e+00, v2  }
0x1d: {  	v9 =	vadd.f32 $1.000000000e+00, v2;
	v3 =	vmul.f32 $7.100000000e+01, v3;
	v5 =	vmul.f32 $5.110000000e+02, v4  }
0x1e: {  	v6 =	vand.u32 $0x7FFFFFFF, v2;
	v2 =	vand.u32 $0x7FFFFFFF, v7  }
0x1f: {  	s17 =	simm.s32 $0x10;
	s7 =	simm.s32 $0x40;
	v7 =	vand.u32 $0x7FFFFFFF, v9;
	v4 =	vtrunc.f32 v3;
	v9 =	vtrunc.f32 v5  }
0x20: {  	s15 =	sand.u32 $0x70, s17;
	s26 =	sand.u32 $0x1E00, s7;
	vm0 =	vlt.f32 v2, v6;
	vm1 =	vlt.f32 v2, v7;
	v4 =	vcvt.f32.s32 v4  }
0x21: {  	s19 =	simm.s32 $0x80;
	s14 =	sor.u32 s15, s26;
	s15 =	simm.s32 $0x0;
	v2 =	vmul.f32 $5.110000000e+02, v8;
	v8 =	vcvt.f32.s32 v9;
	v9 =	vsel vm1, $0x2, v0  }
.LBB2_2:
0x22: {  	p0 =	sne.s32 s19, $0x1FC0  }
0x23: {  	s17 =	sadd.s32 $0x10, s17;
	vm1 =	vgt.s32 v4, $0x0;
	vm2 =	vlt.f32 v6, v7;
	v6 =	vsel vm0, $0x2, v1;
	s21 =	smov.u32 s19;
	s19 =	sadd.s32 $0x40, s19  }
0x24: {  	v7 =	vcvt.s32.f32 v8;
	v10 =	vnsel vm1, $0x0, v4;
	vm0 =	vgt.s32 v8, $0x0  }
0x25: {  	v11 =	vtrunc.f32 v2;
	v6 =	vsel vm2, v6, v9;
	v8 =	vnsel vm0, $0x0, v8  }
0x26: {  	v9 =	vcvt.f32.s32 v11;
	v6 =	vmul.u32 $0x48, v6;
	v5 =	vsub.f32 v5, v7  }
0x27: {  	s20 =	sshra.s32 s15, $0x2;
	s15 =	smov.u32 s7;
	s7 =	smov.u32 s21;
	v7 =	vmin.u32 v10, $0x47;
	v10 =	vmin.u32 v10, $0x46;
	v11 =	vmin.u32 v8, $0x1FE  }
0x28: {  	v8 =	vmin.u32 v8, $0x1FF;
	vm0 =	vgt.s32 v9, $0x0;
	[tilespmem:s20+$0x14800] =	vst v5;
	v5 =	vcvt.s32.f32 v9  }
0x29: {  	v4 =	vcvt.s32.f32 v4;
	v12 =	vshll.u32 v8, $0x7;
	v9 =	vnsel vm0, $0x0, v9  }
0x2a: {  	v12 =	vand.u32 $0x380, v12;
	v13 =	vmin.u32 v9, $0x1FF;
	v9 =	vmin.u32 v9, $0x1FE  }
0x2b: {  	v3 =	vsub.f32 v3, v4;
	v4 =	vadd.s32 $0x1, v11;
	v8 =	vshll.u32 v8, $0x9  }
0x2c: {  	v7 =	vadd.s32 v7, v6;
	v11 =	vshll.u32 v4, $0x9;
	v14 =	vshll.u32 v13, $0x3  }
0x2d: {  	v4 =	vshll.u32 v4, $0x7;
	[tilespmem:s20+$0x14000] =	vst v3;
	v3 =	vadd.s32 v6, v10;
	v6 =	vand.u32 $0xC00, v14  }
0x2e: {  	v7 =	vshll.u32 v7, $0x12;
	v4 =	vand.u32 $0x380, v4;
	v10 =	vand.u32 $0x7F, v13  }
0x2f: {  	v8 =	vand.u32 $0x3F000, v8;
	v9 =	vadd.s32 $0x1, v9;
	v3 =	vshll.u32 v3, $0x12  }
0x30: {  	v11 =	vand.u32 $0x7F000, v11;
	v13 =	vshll.u32 v9, $0x3;
	v3 =	vadd.s32 $0x40000, v3  }
0x31: {  	v8 =	vor.u32 v12, v8;
	v4 =	vor.u32 v4, v11;
	v9 =	vand.u32 $0x7F, v9  }
0x32: {  	v6 =	vor.u32 v10, v6;
	v10 =	vadd.s32 v4, v7;
	v4 =	vadd.s32 v4, v3  }
0x33: {  	s22 =	sand.u32 $0x70, s17;
	s21 =	sand.u32 $0x1E00, s7;
	v11 =	vand.u32 $0x1C00, v13;
	v12 =	vor.u32 v6, v10;
	v13 =	vor.u32 v6, v4  }
0x34: {  	s21 =	sor.u32 s22, s21;
	v7 =	vor.u32 v8, v7;
	v9 =	vor.u32 v9, v11;
	v3 =	vor.u32 v8, v3;
	[tilespmem:s20+$0x5000] =	vst v12  }
0x35: {  	v8 =	vadd.s32 v9, v7;
	v10 =	vadd.s32 v9, v10;
	v11 =	vadd.s32 v9, v3;
	[tilespmem:s20+$0x7000] =	vst v13  }
0x36: {  	v7 =	vor.u32 v6, v7;
	v3 =	vor.u32 v6, v3;
	v4 =	vadd.s32 v9, v4;
	[tilespmem:s20+$0x4800] =	vst v8  }
0x37: {  	v2 =	vsub.f32 v2, v5;
	[tilespmem:s20+$0x6800] =	vst v11  }
0x38: {  	[tilespmem:s20+$0x5800] =	vst v10  }
0x39: {  	[tilespmem:s20+$0x15000] =	vst v2  }
0x3a: {  	[tilespmem:s20+$0x4000] =	vst v7  }
0x3b: {  	[tilespmem:s20+$0x6000] =	vst v3  }
0x3c: {  	[tilespmem:s20+$0x7800] =	vst v4  }
0x3d: {  	v2 =	vld [tilespmem:s14+$0x180]  }
0x3e: {  	v3 =	vld [tilespmem:s14+$0x0]  }
0x3f: {  	v4 =	vld [tilespmem:s14+$0x80]  }
0x40: {  	v8 =	vld [tilespmem:s14+$0x100];
	s14 =	smov.u32 s21;
	_ =	sdelay $0x1  }
0x41: {  	v7 =	vadd.f32 $1.000000000e+00, v2;
	v9 =	vadd.f32 $-1.000000000e+00, v2  }
.Ltmp0:
0x42: {  	v6 =	vand.u32 $0x7FFFFFFF, v2;
	v3 =	vmul.f32 $7.100000000e+01, v3;
	(pc) =	sbr.rel @p0 .LBB2_2-.Ltmp0, $4  }
0x43: {  	v5 =	vmul.f32 $5.110000000e+02, v4;
	v7 =	vand.u32 $0x7FFFFFFF, v7;
	v2 =	vand.u32 $0x7FFFFFFF, v9  }
0x44: {  	v4 =	vtrunc.f32 v3;
	vm0 =	vlt.f32 v2, v6;
	vm1 =	vlt.f32 v2, v7  }
0x45: {  	v4 =	vcvt.f32.s32 v4;
	v9 =	vtrunc.f32 v5  }
0x46: {  	v2 =	vmul.f32 $5.110000000e+02, v8;
	v8 =	vcvt.f32.s32 v9;
	v9 =	vsel vm1, $0x2, v0  }
0x47: {  	vm1 =	vgt.s32 v4, $0x0  }
0x48: {  	vm2 =	vlt.f32 v6, v7;
	v19 =	vsel vm0, $0x2, v1;
	v24 =	vcvt.s32.f32 v4  }
0x49: {  	v20 =	vcvt.s32.f32 v8;
	v10 =	vnsel vm1, $0x0, v4;
	vm8 =	vgt.s32 v8, $0x0  }
0x4a: {  	v11 =	vtrunc.f32 v2;
	v6 =	vsel vm2, v19, v9;
	v8 =	vnsel vm8, $0x0, v8  }
0x4b: {  	v21 =	vcvt.f32.s32 v11;
	v6 =	vmul.u32 $0x48, v6;
	v22 =	vmin.u32 v10, $0x47  }
0x4c: {  	v10 =	vmin.u32 v10, $0x46;
	v3 =	vsub.f32 v3, v24;
	v5 =	vsub.f32 v5, v20  }
0x4d: {  	v23 =	vmin.u32 v8, $0x1FE;
	v8 =	vmin.u32 v8, $0x1FF;
	vm9 =	vgt.s32 v21, $0x0  }
0x4e: {  	v13 =	vshll.u32 v8, $0x7;
	v25 =	vadd.s32 $0x1, v23;
	v8 =	vshll.u32 v8, $0x9  }
0x4f: {  	v7 =	vadd.s32 v22, v6;
	v6 =	vadd.s32 v6, v10;
	v33 =	vcvt.s32.f32 v21  }
0x50: {  	v12 =	vnsel vm9, $0x0, v21;
	v13 =	vand.u32 $0x380, v13;
	v11 =	vshll.u32 v25, $0x9  }
0x51: {  	v4 =	vshll.u32 v25, $0x7;
	v7 =	vshll.u32 v7, $0x12;
	v6 =	vshll.u32 v6, $0x12  }
0x52: {  	v8 =	vand.u32 $0x3F000, v8;
	v14 =	vmin.u32 v12, $0x1FF;
	v12 =	vmin.u32 v12, $0x1FE  }
0x53: {  	v4 =	vand.u32 $0x380, v4;
	v6 =	vadd.s32 $0x40000, v6;
	v11 =	vand.u32 $0x7F000, v11  }
0x54: {  	s15 =	sshra.s32 s15, $0x2;
	v8 =	vor.u32 v13, v8;
	v2 =	vsub.f32 v2, v33;
	v26 =	vshll.u32 v14, $0x3  }
0x55: {  	[tilespmem:s15+$0x14000] =	vst v3;
	v14 =	vand.u32 $0x7F, v14;
	v4 =	vor.u32 v4, v11;
	v10 =	vand.u32 $0xC00, v26  }
0x56: {  	[tilespmem:s15+$0x14800] =	vst v5;
	v12 =	vadd.s32 $0x1, v12;
	v11 =	vadd.s32 v4, v7;
	v10 =	vor.u32 v14, v10  }
0x57: {  	v32 =	vor.u32 v8, v7;
	v3 =	vadd.s32 v4, v6;
	[tilespmem:s15+$0x15000] =	vst v2;
	v30 =	vor.u32 v10, v11  }
0x58: {  	v27 =	vshll.u32 v12, $0x3;
	v28 =	vand.u32 $0x7F, v12;
	v31 =	vor.u32 v10, v3;
	[tilespmem:s15+$0x5000] =	vst v30  }
0x59: {  	v6 =	vor.u32 v8, v6;
	v29 =	vand.u32 $0x1C00, v27;
	v5 =	vor.u32 v10, v32;
	[tilespmem:s15+$0x7000] =	vst v31  }
0x5a: {  	v4 =	vor.u32 v28, v29;
	v2 =	vor.u32 v10, v6;
	[tilespmem:s15+$0x4000] =	vst v5  }
0x5b: {  	v34 =	vadd.s32 v4, v32;
	[tilespmem:s15+$0x6000] =	vst v2  }
0x5c: {  	v35 =	vadd.s32 v4, v6;
	[tilespmem:s15+$0x4800] =	vst v34  }
0x5d: {  	v36 =	vadd.s32 v4, v11;
	[tilespmem:s15+$0x6800] =	vst v35  }
0x5e: {  	v3 =	vadd.s32 v4, v3;
	[tilespmem:s15+$0x5800] =	vst v36  }
0x5f: {  	[tilespmem:s15+$0x7800] =	vst v3  }
0x60: {  	v2 =	vld [tilespmem:s14+$0x180]  }
0x61: {  	v3 =	vld [tilespmem:s14+$0x0]  }
0x62: {  	v37 =	vld [tilespmem:s14+$0x80]  }
0x63: {  	v5 =	vld [tilespmem:s14+$0x100];
	_ =	sdelay $0x3  }
0x64: {  	v38 =	vadd.f32 $1.000000000e+00, v2;
	v3 =	vmul.f32 $7.100000000e+01, v3;
	v4 =	vmul.f32 $5.110000000e+02, v37  }
0x65: {  	v39 =	vadd.f32 $-1.000000000e+00, v2;
	v2 =	vand.u32 $0x7FFFFFFF, v2;
	v5 =	vmul.f32 $5.110000000e+02, v5  }
0x66: {  	v6 =	vand.u32 $0x7FFFFFFF, v38;
	v40 =	vtrunc.f32 v3;
	v41 =	vtrunc.f32 v4  }
0x67: {  	v7 =	vand.u32 $0x7FFFFFFF, v39;
	v46 =	vtrunc.f32 v5;
	v8 =	vcvt.f32.s32 v40  }
0x68: {  	vm10 =	vlt.f32 v7, v2;
	vm11 =	vlt.f32 v7, v6;
	v42 =	vcvt.f32.s32 v41  }
0x69: {  	vm13 =	vlt.f32 v2, v6;
	v47 =	vcvt.f32.s32 v46;
	v43 =	vsel vm11, $0x2, v0  }
0x6a: {  	v2 =	vsel vm10, $0x2, v1;
	vm12 =	vgt.s32 v8, $0x0;
	v44 =	vcvt.s32.f32 v42  }
0x6b: {  	vm14 =	vgt.s32 v42, $0x0;
	v2 =	vsel vm13, v2, v43;
	vm15 =	vgt.s32 v47, $0x0  }
0x6c: {  	v60 =	vcvt.s32.f32 v47;
	v45 =	vnsel vm12, $0x0, v8;
	v7 =	vnsel vm14, $0x0, v42  }
0x6d: {  	v2 =	vmul.u32 $0x48, v2;
	v8 =	vcvt.s32.f32 v8;
	v50 =	vnsel vm15, $0x0, v47  }
0x6e: {  	v4 =	vsub.f32 v4, v44;
	v48 =	vmin.u32 v45, $0x47;
	v10 =	vmin.u32 v45, $0x46  }
0x6f: {  	v49 =	vmin.u32 v7, $0x1FE;
	v7 =	vmin.u32 v7, $0x1FF;
	v52 =	vmin.u32 v50, $0x1FF  }
0x70: {  	v12 =	vmin.u32 v50, $0x1FE;
	v5 =	vsub.f32 v5, v60;
	v51 =	vshll.u32 v7, $0x7  }
0x71: {  	v3 =	vsub.f32 v3, v8;
	v53 =	vadd.s32 $0x1, v49;
	v7 =	vshll.u32 v7, $0x9  }
0x72: {  	v6 =	vadd.s32 v48, v2;
	v2 =	vadd.s32 v2, v10;
	v54 =	vshll.u32 v52, $0x3  }
0x73: {  	v14 =	vand.u32 $0x7F, v52;
	v12 =	vadd.s32 $0x1, v12;
	v13 =	vand.u32 $0x380, v51  }
0x74: {  	v11 =	vshll.u32 v53, $0x9;
	v8 =	vshll.u32 v53, $0x7;
	v10 =	vand.u32 $0xC00, v54  }
0x75: {  	v6 =	vshll.u32 v6, $0x12;
	v2 =	vshll.u32 v2, $0x12;
	v7 =	vand.u32 $0x3F000, v7  }
0x76: {  	s7 =	sshra.s32 s7, $0x2;
	v55 =	vshll.u32 v12, $0x3;
	v8 =	vand.u32 $0x380, v8;
	v11 =	vand.u32 $0x7F000, v11  }
0x77: {  	[tilespmem:s7+$0x14800] =	vst v4;
	v56 =	vand.u32 $0x7F, v12;
	v2 =	vadd.s32 $0x40000, v2;
	v8 =	vor.u32 v8, v11  }
0x78: {  	[tilespmem:s7+$0x15000] =	vst v5;
	v7 =	vor.u32 v13, v7;
	v10 =	vor.u32 v14, v10;
	v11 =	vadd.s32 v8, v6  }
0x79: {  	[tilespmem:s7+$0x14000] =	vst v3;
	v57 =	vand.u32 $0x1C00, v55;
	v3 =	vadd.s32 v8, v2;
	v58 =	vor.u32 v10, v11  }
0x7a: {  	v4 =	vor.u32 v56, v57;
	v6 =	vor.u32 v7, v6;
	v59 =	vor.u32 v10, v3;
	[tilespmem:s7+$0x5000] =	vst v58  }
0x7b: {  	v2 =	vor.u32 v7, v2;
	v61 =	vadd.s32 v4, v6;
	[tilespmem:s7+$0x7000] =	vst v59  }
0x7c: {  	v62 =	vadd.s32 v4, v2;
	[tilespmem:s7+$0x4800] =	vst v61  }
0x7d: {  	v63 =	vadd.s32 v4, v11;
	[tilespmem:s7+$0x6800] =	vst v62  }
0x7e: {  	v6 =	vor.u32 v10, v6;
	[tilespmem:s7+$0x5800] =	vst v63  }
0x7f: {  	v2 =	vor.u32 v10, v2;
	[tilespmem:s7+$0x4000] =	vst v6  }
0x80: {  	v3 =	vadd.s32 v4, v3;
	[tilespmem:s7+$0x6000] =	vst v2  }
0x81: {  	s19 =	rddreg [dreg:$0x5];
	s20 =	simm.s32 $0x2000;
	s14 =	simm.s32 $0x0;
	[tilespmem:s7+$0x7800] =	vst v3  }
0x82: {  	[tilespmem:s20], [sflag:$0x4] =	stream.linear.gather [hbm4b:s19+s14], $0x2000, $0x38;
	[tilespmem:$0x18000] =	vst v63  }
0x83: {  	s21 =	simm.s32 $0x4000;
	s22 =	simm.s32 $0xC000  }
0x84: {  	[tilespmem:s22], [sflag:$0x1] =	stream.indirect.gather [hbm4b:s3+s18], $0x1, s21, s18, $0xb8;
	[tilespmem:$0x18000] =	vst v63  }
0x85: {  	s23 =	simm.s32 $0x4800;
	s24 =	simm.s32 $0xC800  }
0x86: {  	[tilespmem:s24], [sflag:$0x1] =	stream.indirect.gather [hbm4b:s3+s18], $0x1, s23, s18, $0xb8;
	[tilespmem:$0x18000] =	vst v63  }
0x87: {  	s25 =	simm.s32 $0x5000;
	s26 =	simm.s32 $0xD000  }
0x88: {  	[tilespmem:s26], [sflag:$0x1] =	stream.indirect.gather [hbm4b:s3+s18], $0x1, s25, s18, $0xb8;
	[tilespmem:$0x18000] =	vst v63  }
0x89: {  	s17 =	simm.s32 $0xD800;
	s15 =	simm.s32 $0x5800  }
0x8a: {  	[tilespmem:s17], [sflag:$0x1] =	stream.indirect.gather [hbm4b:s3+s18], $0x1, s15, s18, $0xb8;
	[tilespmem:$0x18000] =	vst v63  }
0x8b: {  	s19 =	simm.s32 $0x6000;
	s20 =	simm.s32 $0xE000  }
0x8c: {  	[tilespmem:s20], [sflag:$0x1] =	stream.indirect.gather [hbm4b:s3+s18], $0x1, s19, s18, $0xb8;
	[tilespmem:$0x18000] =	vst v63  }
0x8d: {  	s21 =	simm.s32 $0x6800;
	s22 =	simm.s32 $0xE800  }
0x8e: {  	[tilespmem:s22], [sflag:$0x1] =	stream.indirect.gather [hbm4b:s3+s18], $0x1, s21, s18, $0xb8;
	[tilespmem:$0x18000] =	vst v63  }
0x8f: {  	s23 =	simm.s32 $0x7000;
	s24 =	simm.s32 $0xF000  }
0x90: {  	[tilespmem:s24], [sflag:$0x1] =	stream.indirect.gather [hbm4b:s3+s18], $0x1, s23, s18, $0xb8;
	[tilespmem:$0x18000] =	vst v63  }
0x91: {  	s25 =	simm.s32 $0x7800;
	s26 =	simm.s32 $0xF800;
	s15 =	simm.s32 $0x0  }
0x92: {  	[tilespmem:s26], [sflag:$0x1] =	stream.indirect.gather [hbm4b:s3+s18], $0x1, s25, s18, $0xb8;
	[tilespmem:$0x18000] =	vst v63  }
.LBB2_4:
0x93: {  	_ =	swait.ge [sflag:s13], $0x2000  }
0x94: {  	s7 =	sand.u32 $0x1E00, s14;
	s17 =	sand.u32 $0x70, s14;
	[sflag:s13] =	ssyncset.done $0x0  }
0x95: {  	s7 =	sor.u32 s17, s7;
	[sflag:s13] =	ssyncadd.s32 $0xFFFFE000  }
0x96: {  	v2 =	vld [tilespmem:s7+$0x2180]  }
0x97: {  	v3 =	vld [tilespmem:s7+$0x2000]  }
0x98: {  	v4 =	vld [tilespmem:s7+$0x2080];
	_ =	sdelay $0x3  }
0x99: {  	v8 =	vld [tilespmem:s7+$0x2100];
	v7 =	vadd.f32 $-1.000000000e+00, v2  }
0x9a: {  	v9 =	vadd.f32 $1.000000000e+00, v2;
	v3 =	vmul.f32 $7.100000000e+01, v3;
	v5 =	vmul.f32 $5.110000000e+02, v4  }
0x9b: {  	v6 =	vand.u32 $0x7FFFFFFF, v2;
	v2 =	vand.u32 $0x7FFFFFFF, v7  }
0x9c: {  	s20 =	simm.s32 $0x10;
	s7 =	simm.s32 $0x40;
	v7 =	vand.u32 $0x7FFFFFFF, v9;
	v4 =	vtrunc.f32 v3;
	v9 =	vtrunc.f32 v5  }
0x9d: {  	s19 =	sand.u32 $0x70, s20;
	s26 =	sand.u32 $0x1E00, s7;
	vm0 =	vlt.f32 v2, v6;
	vm1 =	vlt.f32 v2, v7;
	v4 =	vcvt.f32.s32 v4  }
0x9e: {  	s21 =	simm.s32 $0x80;
	s17 =	sor.u32 s19, s26;
	s19 =	simm.s32 $0x0;
	v2 =	vmul.f32 $5.110000000e+02, v8;
	v8 =	vcvt.f32.s32 v9;
	v9 =	vsel vm1, $0x2, v0  }
.LBB2_5:
0x9f: {  	p0 =	sne.s32 s21, $0x1FC0  }
0xa0: {  	s20 =	sadd.s32 $0x10, s20;
	vm1 =	vgt.s32 v4, $0x0;
	vm2 =	vlt.f32 v6, v7;
	v6 =	vsel vm0, $0x2, v1;
	s23 =	smov.u32 s21;
	s21 =	sadd.s32 $0x40, s21  }
0xa1: {  	v7 =	vcvt.s32.f32 v8;
	v10 =	vnsel vm1, $0x0, v4;
	vm0 =	vgt.s32 v8, $0x0  }
0xa2: {  	v11 =	vtrunc.f32 v2;
	v6 =	vsel vm2, v6, v9;
	v8 =	vnsel vm0, $0x0, v8  }
0xa3: {  	v9 =	vcvt.f32.s32 v11;
	v6 =	vmul.u32 $0x48, v6;
	v5 =	vsub.f32 v5, v7  }
0xa4: {  	s22 =	sshra.s32 s19, $0x2;
	s19 =	smov.u32 s7;
	s7 =	smov.u32 s23;
	v7 =	vmin.u32 v10, $0x47;
	v10 =	vmin.u32 v10, $0x46;
	v11 =	vmin.u32 v8, $0x1FE  }
0xa5: {  	v8 =	vmin.u32 v8, $0x1FF;
	vm0 =	vgt.s32 v9, $0x0;
	[tilespmem:s22+$0x16000] =	vst v5;
	v5 =	vcvt.s32.f32 v9  }
0xa6: {  	v4 =	vcvt.s32.f32 v4;
	v12 =	vshll.u32 v8, $0x7;
	v9 =	vnsel vm0, $0x0, v9  }
0xa7: {  	v12 =	vand.u32 $0x380, v12;
	v13 =	vmin.u32 v9, $0x1FF;
	v9 =	vmin.u32 v9, $0x1FE  }
0xa8: {  	v3 =	vsub.f32 v3, v4;
	v4 =	vadd.s32 $0x1, v11;
	v8 =	vshll.u32 v8, $0x9  }
0xa9: {  	v7 =	vadd.s32 v7, v6;
	v11 =	vshll.u32 v4, $0x9;
	v14 =	vshll.u32 v13, $0x3  }
0xaa: {  	v4 =	vshll.u32 v4, $0x7;
	[tilespmem:s22+$0x15800] =	vst v3;
	v3 =	vadd.s32 v6, v10;
	v6 =	vand.u32 $0xC00, v14  }
0xab: {  	v7 =	vshll.u32 v7, $0x12;
	v4 =	vand.u32 $0x380, v4;
	v10 =	vand.u32 $0x7F, v13  }
0xac: {  	v8 =	vand.u32 $0x3F000, v8;
	v9 =	vadd.s32 $0x1, v9;
	v3 =	vshll.u32 v3, $0x12  }
0xad: {  	v11 =	vand.u32 $0x7F000, v11;
	v13 =	vshll.u32 v9, $0x3;
	v3 =	vadd.s32 $0x40000, v3  }
0xae: {  	v8 =	vor.u32 v12, v8;
	v4 =	vor.u32 v4, v11;
	v9 =	vand.u32 $0x7F, v9  }
0xaf: {  	v6 =	vor.u32 v10, v6;
	v10 =	vadd.s32 v4, v7;
	v4 =	vadd.s32 v4, v3  }
0xb0: {  	s24 =	sand.u32 $0x70, s20;
	s23 =	sand.u32 $0x1E00, s7;
	v11 =	vand.u32 $0x1C00, v13;
	v12 =	vor.u32 v6, v10;
	v13 =	vor.u32 v6, v4  }
0xb1: {  	s23 =	sor.u32 s24, s23;
	v7 =	vor.u32 v8, v7;
	v9 =	vor.u32 v9, v11;
	v3 =	vor.u32 v8, v3;
	[tilespmem:s22+$0x9000] =	vst v12  }
0xb2: {  	v8 =	vadd.s32 v9, v7;
	v10 =	vadd.s32 v9, v10;
	v11 =	vadd.s32 v9, v3;
	[tilespmem:s22+$0xB000] =	vst v13  }
0xb3: {  	v7 =	vor.u32 v6, v7;
	v3 =	vor.u32 v6, v3;
	v4 =	vadd.s32 v9, v4;
	[tilespmem:s22+$0x8800] =	vst v8  }
0xb4: {  	v2 =	vsub.f32 v2, v5;
	[tilespmem:s22+$0xA800] =	vst v11  }
0xb5: {  	[tilespmem:s22+$0x9800] =	vst v10  }
0xb6: {  	[tilespmem:s22+$0x16800] =	vst v2  }
0xb7: {  	[tilespmem:s22+$0x8000] =	vst v7  }
0xb8: {  	[tilespmem:s22+$0xA000] =	vst v3  }
0xb9: {  	[tilespmem:s22+$0xB800] =	vst v4  }
0xba: {  	v2 =	vld [tilespmem:s17+$0x2180]  }
0xbb: {  	v3 =	vld [tilespmem:s17+$0x2000]  }
0xbc: {  	v4 =	vld [tilespmem:s17+$0x2080]  }
0xbd: {  	v8 =	vld [tilespmem:s17+$0x2100];
	s17 =	smov.u32 s23;
	_ =	sdelay $0x1  }
0xbe: {  	v7 =	vadd.f32 $1.000000000e+00, v2;
	v9 =	vadd.f32 $-1.000000000e+00, v2  }
.Ltmp1:
0xbf: {  	v6 =	vand.u32 $0x7FFFFFFF, v2;
	v3 =	vmul.f32 $7.100000000e+01, v3;
	(pc) =	sbr.rel @p0 .LBB2_5-.Ltmp1, $4  }
0xc0: {  	v5 =	vmul.f32 $5.110000000e+02, v4;
	v7 =	vand.u32 $0x7FFFFFFF, v7;
	v2 =	vand.u32 $0x7FFFFFFF, v9  }
0xc1: {  	v4 =	vtrunc.f32 v3;
	vm0 =	vlt.f32 v2, v6;
	vm1 =	vlt.f32 v2, v7  }
0xc2: {  	v4 =	vcvt.f32.s32 v4;
	v9 =	vtrunc.f32 v5  }
0xc3: {  	v2 =	vmul.f32 $5.110000000e+02, v8;
	v8 =	vcvt.f32.s32 v9;
	v9 =	vsel vm1, $0x2, v0  }
0xc4: {  	vm1 =	vgt.s32 v4, $0x0  }
0xc5: {  	vm2 =	vlt.f32 v6, v7;
	v6 =	vsel vm0, $0x2, v1;
	v7 =	vcvt.s32.f32 v8  }
0xc6: {  	v10 =	vnsel vm1, $0x0, v4;
	vm8 =	vgt.s32 v8, $0x0;
	v11 =	vtrunc.f32 v2  }
0xc7: {  	v6 =	vsel vm2, v6, v9;
	v4 =	vcvt.s32.f32 v4;
	v8 =	vnsel vm8, $0x0, v8  }
0xc8: {  	v9 =	vcvt.f32.s32 v11;
	v6 =	vmul.u32 $0x48, v6;
	v5 =	vsub.f32 v5, v7  }
0xc9: {  	v7 =	vmin.u32 v10, $0x47;
	v10 =	vmin.u32 v10, $0x46;
	v11 =	vmin.u32 v8, $0x1FE  }
0xca: {  	v8 =	vmin.u32 v8, $0x1FF;
	v3 =	vsub.f32 v3, v4;
	vm9 =	vgt.s32 v9, $0x0  }
0xcb: {  	v13 =	vshll.u32 v8, $0x7;
	v4 =	vadd.s32 $0x1, v11;
	v8 =	vshll.u32 v8, $0x9  }
0xcc: {  	v7 =	vadd.s32 v7, v6;
	v6 =	vadd.s32 v6, v10;
	v12 =	vnsel vm9, $0x0, v9  }
0xcd: {  	v13 =	vand.u32 $0x380, v13;
	v11 =	vshll.u32 v4, $0x9;
	v4 =	vshll.u32 v4, $0x7  }
0xce: {  	v7 =	vshll.u32 v7, $0x12;
	v6 =	vshll.u32 v6, $0x12;
	v8 =	vand.u32 $0x3F000, v8  }
0xcf: {  	v14 =	vmin.u32 v12, $0x1FF;
	v12 =	vmin.u32 v12, $0x1FE;
	v4 =	vand.u32 $0x380, v4  }
0xd0: {  	v6 =	vadd.s32 $0x40000, v6;
	v11 =	vand.u32 $0x7F000, v11;
	v8 =	vor.u32 v13, v8  }
0xd1: {  	v15 =	vshll.u32 v14, $0x3;
	v14 =	vand.u32 $0x7F, v14;
	v12 =	vadd.s32 $0x1, v12  }
0xd2: {  	s19 =	sshra.s32 s19, $0x2;
	v4 =	vor.u32 v4, v11;
	v10 =	vand.u32 $0xC00, v15;
	v15 =	vshll.u32 v12, $0x3  }
0xd3: {  	[tilespmem:s19+$0x16000] =	vst v5;
	v5 =	vand.u32 $0x7F, v12;
	v11 =	vadd.s32 v4, v7;
	v10 =	vor.u32 v14, v10  }
0xd4: {  	[tilespmem:s19+$0x15800] =	vst v3;
	v3 =	vadd.s32 v4, v6;
	v4 =	vand.u32 $0x1C00, v15;
	v12 =	vor.u32 v10, v11  }
0xd5: {  	v13 =	vor.u32 v10, v3;
	v4 =	vor.u32 v5, v4;
	v5 =	vor.u32 v8, v7;
	[tilespmem:s19+$0x9000] =	vst v12  }
0xd6: {  	v6 =	vor.u32 v8, v6;
	v8 =	vadd.s32 v4, v5;
	[tilespmem:s19+$0xB000] =	vst v13  }
0xd7: {  	v7 =	vcvt.s32.f32 v9;
	v9 =	vadd.s32 v4, v6;
	[tilespmem:s19+$0x8800] =	vst v8  }
0xd8: {  	v5 =	vor.u32 v10, v5;
	[tilespmem:s19+$0xA800] =	vst v9  }
0xd9: {  	v3 =	vadd.s32 v4, v3;
	[tilespmem:s19+$0x8000] =	vst v5  }
0xda: {  	v8 =	vadd.s32 v4, v11;
	v2 =	vsub.f32 v2, v7;
	[tilespmem:s19+$0xB800] =	vst v3  }
0xdb: {  	[tilespmem:s19+$0x9800] =	vst v8  }
0xdc: {  	[tilespmem:s19+$0x16800] =	vst v2;
	v2 =	vor.u32 v10, v6  }
0xdd: {  	[tilespmem:s19+$0xA000] =	vst v2  }
0xde: {  	v2 =	vld [tilespmem:s17+$0x2180]  }
0xdf: {  	v3 =	vld [tilespmem:s17+$0x2000]  }
0xe0: {  	v4 =	vld [tilespmem:s17+$0x2080]  }
0xe1: {  	v5 =	vld [tilespmem:s17+$0x2100];
	_ =	sdelay $0x2  }
0xe2: {  	v6 =	vadd.f32 $1.000000000e+00, v2  }
0xe3: {  	v3 =	vmul.f32 $7.100000000e+01, v3;
	v7 =	vadd.f32 $-1.000000000e+00, v2;
	v4 =	vmul.f32 $5.110000000e+02, v4  }
0xe4: {  	v2 =	vand.u32 $0x7FFFFFFF, v2;
	v5 =	vmul.f32 $5.110000000e+02, v5;
	v6 =	vand.u32 $0x7FFFFFFF, v6  }
0xe5: {  	v8 =	vtrunc.f32 v3;
	v7 =	vand.u32 $0x7FFFFFFF, v7;
	v9 =	vtrunc.f32 v4  }
0xe6: {  	v11 =	vtrunc.f32 v5;
	v8 =	vcvt.f32.s32 v8;
	vm10 =	vlt.f32 v7, v2  }
0xe7: {  	vm11 =	vlt.f32 v7, v6;
	v7 =	vcvt.f32.s32 v9;
	vm13 =	vlt.f32 v2, v6  }
0xe8: {  	v9 =	vsel vm11, $0x2, v0;
	v2 =	vsel vm10, $0x2, v1;
	vm12 =	vgt.s32 v8, $0x0  }
0xe9: {  	v6 =	vcvt.s32.f32 v7;
	vm14 =	vgt.s32 v7, $0x0;
	v2 =	vsel vm13, v2, v9  }
0xea: {  	v9 =	vcvt.f32.s32 v11;
	v10 =	vnsel vm12, $0x0, v8;
	v7 =	vnsel vm14, $0x0, v7  }
0xeb: {  	v2 =	vmul.u32 $0x48, v2;
	v8 =	vcvt.s32.f32 v8;
	v4 =	vsub.f32 v4, v6  }
0xec: {  	v6 =	vmin.u32 v10, $0x47;
	v10 =	vmin.u32 v10, $0x46;
	vm15 =	vgt.s32 v9, $0x0  }
0xed: {  	v11 =	vmin.u32 v7, $0x1FE;
	v7 =	vmin.u32 v7, $0x1FF;
	v12 =	vnsel vm15, $0x0, v9  }
0xee: {  	v13 =	vshll.u32 v7, $0x7;
	v3 =	vsub.f32 v3, v8;
	v8 =	vadd.s32 $0x1, v11  }
0xef: {  	v7 =	vshll.u32 v7, $0x9;
	v6 =	vadd.s32 v6, v2;
	v2 =	vadd.s32 v2, v10  }
0xf0: {  	v14 =	vmin.u32 v12, $0x1FF;
	v12 =	vmin.u32 v12, $0x1FE;
	v13 =	vand.u32 $0x380, v13  }
0xf1: {  	v11 =	vshll.u32 v8, $0x9;
	v8 =	vshll.u32 v8, $0x7;
	v6 =	vshll.u32 v6, $0x12  }
0xf2: {  	v2 =	vshll.u32 v2, $0x12;
	v7 =	vand.u32 $0x3F000, v7;
	v15 =	vshll.u32 v14, $0x3  }
0xf3: {  	v8 =	vand.u32 $0x380, v8;
	v14 =	vand.u32 $0x7F, v14;
	v12 =	vadd.s32 $0x1, v12  }
0xf4: {  	v2 =	vadd.s32 $0x40000, v2;
	v11 =	vand.u32 $0x7F000, v11;
	v7 =	vor.u32 v13, v7  }
0xf5: {  	s20 =	sshra.s32 s7, $0x2;
	v10 =	vand.u32 $0xC00, v15;
	v15 =	vshll.u32 v12, $0x3;
	v8 =	vor.u32 v8, v11  }
0xf6: {  	[tilespmem:s20+$0x16000] =	vst v4;
	v4 =	vand.u32 $0x7F, v12;
	v10 =	vor.u32 v14, v10;
	v11 =	vadd.s32 v8, v6  }
0xf7: {  	[tilespmem:s20+$0x15800] =	vst v3;
	v3 =	vadd.s32 v8, v2;
	v8 =	vand.u32 $0x1C00, v15;
	v12 =	vor.u32 v10, v11  }
0xf8: {  	v6 =	vor.u32 v7, v6;
	v13 =	vor.u32 v10, v3;
	v4 =	vor.u32 v4, v8;
	[tilespmem:s20+$0x9000] =	vst v12  }
0xf9: {  	v2 =	vor.u32 v7, v2;
	v7 =	vadd.s32 v4, v6;
	[tilespmem:s20+$0xB000] =	vst v13  }
0xfa: {  	v8 =	vcvt.s32.f32 v9;
	v9 =	vadd.s32 v4, v2;
	[tilespmem:s20+$0x8800] =	vst v7  }
0xfb: {  	s7 =	sshll.u32 s15, $0xC;
	v6 =	vor.u32 v10, v6;
	[tilespmem:s20+$0xA800] =	vst v9  }
0xfc: {  	s21 =	sadd.s32 s7, s10;
	v2 =	vor.u32 v10, v2;
	[tilespmem:s20+$0x8000] =	vst v6  }
0xfd: {  	s19 =	smin.u32 s21, s8;
	v3 =	vadd.s32 v4, v3;
	[tilespmem:s20+$0xA000] =	vst v2  }
0xfe: {  	s19 =	sshrl.u32 s19, $0x1;
	v7 =	vadd.s32 v4, v11;
	v5 =	vsub.f32 v5, v8;
	[tilespmem:s20+$0xB800] =	vst v3  }
0xff: {  	s19 =	sand.u32 $0x7FC00, s19;
	[tilespmem:s20+$0x9800] =	vst v7  }
0x100: {  	s22 =	sadd.s32 s2, s19;
	[tilespmem:s20+$0x16800] =	vst v5  }
0x101: {  	[tilespmem:s5], [sflag:$0x3] =	stream.linear.gather [hbm4b:s22+s5], $0x2000, $0x38;
	[tilespmem:$0x18000] =	vst v63  }
0x102: {  	s23 =	simm.s32 $0x8000;
	s24 =	simm.s32 $0x10000  }
0x103: {  	[tilespmem:s24], [sflag:$0x2] =	stream.indirect.gather [hbm4b:s3+s18], $0x1, s23, s18, $0xb8;
	[tilespmem:$0x18000] =	vst v63  }
0x104: {  	s25 =	simm.s32 $0x8800;
	s26 =	simm.s32 $0x10800  }
0x105: {  	[tilespmem:s26], [sflag:$0x2] =	stream.indirect.gather [hbm4b:s3+s18], $0x1, s25, s18, $0xb8;
	[tilespmem:$0x18000] =	vst v63  }
0x106: {  	s19 =	simm.s32 $0x9000;
	s20 =	simm.s32 $0x11000  }
0x107: {  	[tilespmem:s20], [sflag:$0x2] =	stream.indirect.gather [hbm4b:s3+s18], $0x1, s19, s18, $0xb8;
	[tilespmem:$0x18000] =	vst v63  }
0x108: {  	s21 =	simm.s32 $0x9800;
	s22 =	simm.s32 $0x11800  }
0x109: {  	[tilespmem:s22], [sflag:$0x2] =	stream.indirect.gather [hbm4b:s3+s18], $0x1, s21, s18, $0xb8;
	[tilespmem:$0x18000] =	vst v63  }
0x10a: {  	s23 =	simm.s32 $0xA000;
	s24 =	simm.s32 $0x12000  }
0x10b: {  	[tilespmem:s24], [sflag:$0x2] =	stream.indirect.gather [hbm4b:s3+s18], $0x1, s23, s18, $0xb8;
	[tilespmem:$0x18000] =	vst v63  }
0x10c: {  	s25 =	simm.s32 $0xA800;
	s26 =	simm.s32 $0x12800  }
0x10d: {  	[tilespmem:s26], [sflag:$0x2] =	stream.indirect.gather [hbm4b:s3+s18], $0x1, s25, s18, $0xb8;
	[tilespmem:$0x18000] =	vst v63  }
0x10e: {  	_ = 	snop  }
0x10f: {  	[tilespmem:s29], [sflag:$0x2] =	stream.indirect.gather [hbm4b:s3+s18], $0x1, s28, s18, $0xb8;
	[tilespmem:$0x18000] =	vst v63  }
0x110: {  	_ = 	snop  }
0x111: {  	[tilespmem:s31], [sflag:$0x2] =	stream.indirect.gather [hbm4b:s3+s18], $0x1, s30, s18, $0xb8;
	[tilespmem:$0x18000] =	vst v63  }
0x112: {  	_ =	swait.ge [sflag:s0], $0x800  }
0x113: {  	[sflag:s0] =	ssyncset.done $0x0  }
0x114: {  	[sflag:s0] =	ssyncadd.s32 $0xFFFFF800  }
0x115: {  	_ =	swait.ge [sflag:s0], $0x800  }
0x116: {  	[sflag:s0] =	ssyncset.done $0x0  }
0x117: {  	[sflag:s0] =	ssyncadd.s32 $0xFFFFF800  }
0x118: {  	_ =	swait.ge [sflag:s0], $0x800  }
0x119: {  	[sflag:s0] =	ssyncset.done $0x0  }
0x11a: {  	[sflag:s0] =	ssyncadd.s32 $0xFFFFF800  }
0x11b: {  	_ =	swait.ge [sflag:s0], $0x800  }
0x11c: {  	[sflag:s0] =	ssyncset.done $0x0  }
0x11d: {  	[sflag:s0] =	ssyncadd.s32 $0xFFFFF800  }
0x11e: {  	_ =	swait.ge [sflag:s0], $0x800  }
0x11f: {  	[sflag:s0] =	ssyncset.done $0x0  }
0x120: {  	[sflag:s0] =	ssyncadd.s32 $0xFFFFF800  }
0x121: {  	_ =	swait.ge [sflag:s0], $0x800  }
0x122: {  	[sflag:s0] =	ssyncset.done $0x0  }
0x123: {  	[sflag:s0] =	ssyncadd.s32 $0xFFFFF800  }
0x124: {  	_ =	swait.ge [sflag:s0], $0x800  }
0x125: {  	[sflag:s0] =	ssyncset.done $0x0  }
0x126: {  	[sflag:s0] =	ssyncadd.s32 $0xFFFFF800  }
0x127: {  	_ =	swait.ge [sflag:s0], $0x800  }
0x128: {  	p0 =	seq.s32 s15, $0x0;
	[sflag:s0] =	ssyncset.done $0x0  }
0x129: {  	s17 =	simm.s32 @!p0 $0x5;
	[sflag:s0] =	ssyncadd.s32 $0xFFFFF800  }
0x12a: {  	_ =	swait.ge @!p0 [sflag:s17], $0x800  }
0x12b: {  	[sflag:s17] =	ssyncset.done @!p0 $0x0  }
0x12c: {  	[sflag:s17] =	ssyncadd.s32 @!p0 $0xFFFFF800;
	s17 =	simm.s32 $0x0  }
0x12d: {  	v2 =	vld [tilespmem:s17+$0x14800]  }
0x12e: {  	v5 =	vld [tilespmem:s17+$0xC000]  }
0x12f: {  	v4 =	vld [tilespmem:s17+$0xC800]  }
0x130: {  	v8 =	vld [tilespmem:s17+$0xD000]  }
0x131: {  	v6 =	vld [tilespmem:s17+$0xD800]  }
0x132: {  	v9 =	vld [tilespmem:s17+$0x15000]  }
0x133: {  	v10 =	vld [tilespmem:s17+$0xE800]  }
0x134: {  	v11 =	vld [tilespmem:s17+$0xF800]  }
0x135: {  	v12 =	vld [tilespmem:s17+$0xE000]  }
0x136: {  	v13 =	vld [tilespmem:s17+$0xF000]  }
0x137: {  	s19 =	simm.s32 $0x10;
	v3 =	vld [tilespmem:s17+$0x14000]  }
0x138: {  	v7 =	vld [tilespmem:s19+$0xC000];
	v14 =	vmul.f32 v4, v9;
	v15 =	vsub.f32 $1.000000000e+00, v9;
	v16 =	vmul.f32 v6, v9  }
0x139: {  	v4 =	vld [tilespmem:s19+$0x14800];
	v17 =	vmul.f32 v10, v9;
	v11 =	vmul.f32 v11, v9  }
0x13a: {  	v6 =	vld [tilespmem:s19+$0xC800];
	v18 =	vmul.f32 v5, v15;
	v8 =	vmul.f32 v8, v15  }
0x13b: {  	v10 =	vsub.f32 $1.000000000e+00, v2;
	v9 =	vld [tilespmem:s19+$0xD800];
	v12 =	vmul.f32 v12, v15;
	v13 =	vmul.f32 v13, v15  }
0x13c: {  	v5 =	vld [tilespmem:s19+$0xD000];
	v18 =	vadd.f32 v14, v18;
	v16 =	vadd.f32 v16, v8  }
0x13d: {  	v8 =	vld [tilespmem:s19+$0x15000];
	v15 =	vadd.f32 v17, v12;
	v14 =	vadd.f32 v11, v13  }
0x13e: {  	s20 =	sor.u32 s7, s6;
	s21 =	simm.s32 $0x80;
	v11 =	vld [tilespmem:s19+$0xE800];
	v12 =	vmul.f32 v18, v10;
	v13 =	vmul.f32 v16, v2  }
.LBB2_7:
0x13f: {  	p1 =	sne.s32 s21, $0x1FC0;
	v16 =	vld [tilespmem:s19+$0xF800];
	v10 =	vmul.f32 v15, v10;
	v14 =	vmul.f32 v14, v2;
	v2 =	vmov v4  }
0x140: {  	v17 =	vsub.f32 $1.000000000e+00, v3;
	v15 =	vld [tilespmem:s19+$0xE000]  }
0x141: {  	v12 =	vadd.f32 v13, v12;
	v18 =	vld [tilespmem:s19+$0xF000];
	v10 =	vadd.f32 v14, v10  }
0x142: {  	s22 =	sshra.s32 s21, $0x2;
	v13 =	vld [tilespmem:s19+$0x14000];
	v14 =	vmul.f32 v6, v8;
	v19 =	vmul.f32 v9, v8  }
0x143: {  	v9 =	vsub.f32 $1.000000000e+00, v8;
	v12 =	vmul.f32 v12, v17;
	v4 =	vld [tilespmem:s22+$0x14800];
	v3 =	vmul.f32 v10, v3  }
0x144: {  	v11 =	vmul.f32 v11, v8;
	v17 =	vld [tilespmem:s22+$0xC000];
	v16 =	vmul.f32 v16, v8  }
.Ltmp2:
0x145: {  	v7 =	vmul.f32 v7, v9;
	v8 =	vmul.f32 v5, v9;
	v6 =	vld [tilespmem:s22+$0xC800];
	v20 =	vadd.f32 v3, v12;
	(pc) =	sbr.rel @p1 .LBB2_7-.Ltmp2, $4  }
0x146: {  	v10 =	vsub.f32 $1.000000000e+00, v2;
	v12 =	vmul.f32 v15, v9;
	v5 =	vld [tilespmem:s22+$0xD000];
	v18 =	vmul.f32 v18, v9  }
0x147: {  	v21 =	vadd.f32 v14, v7;
	v19 =	vadd.f32 v19, v8;
	v9 =	vld [tilespmem:s22+$0xD800];
	[tilespmem:s17+$0x17000] =	vst v20;
	v3 =	vmov v13;
	s17 =	smov.u32 s19;
	s19 =	smov.u32 s22  }
0x148: {  	v15 =	vadd.f32 v11, v12;
	v8 =	vld [tilespmem:s19+$0x15000];
	v14 =	vadd.f32 v16, v18  }
0x149: {  	s21 =	sadd.s32 $0x40, s21;
	v12 =	vmul.f32 v21, v10;
	v13 =	vmul.f32 v19, v2;
	v11 =	vld [tilespmem:s19+$0xE800];
	v7 =	vmov v17  }
0x14a: {  	v16 =	vld [tilespmem:s19+$0xF800]  }
0x14b: {  	v17 =	vld [tilespmem:s19+$0xE000]  }
0x14c: {  	v18 =	vld [tilespmem:s19+$0xF000]  }
0x14d: {  	v19 =	vsub.f32 $1.000000000e+00, v8  }
0x14e: {  	v6 =	vmul.f32 v6, v8;
	v9 =	vmul.f32 v9, v8  }
0x14f: {  	v11 =	vmul.f32 v11, v8;
	v7 =	vmul.f32 v7, v19  }
0x150: {  	v8 =	vmul.f32 v16, v8;
	v5 =	vmul.f32 v5, v19  }
0x151: {  	v63 =	vsub.f32 $1.000000000e+00, v4;
	v61 =	vmul.f32 v17, v19;
	v62 =	vmul.f32 v18, v19  }
0x152: {  	v10 =	vmul.f32 v15, v10;
	v6 =	vadd.f32 v6, v7;
	v7 =	vld [tilespmem:s19+$0x14000];
	v5 =	vadd.f32 v9, v5  }
0x153: {  	v2 =	vmul.f32 v14, v2;
	v9 =	vadd.f32 v11, v61;
	v8 =	vadd.f32 v8, v62  }
0x154: {  	v12 =	vadd.f32 v13, v12;
	v6 =	vmul.f32 v6, v63;
	v5 =	vmul.f32 v5, v4  }
0x155: {  	v2 =	vadd.f32 v2, v10;
	v9 =	vmul.f32 v9, v63;
	v4 =	vmul.f32 v8, v4  }
0x156: {  	v11 =	vsub.f32 $1.000000000e+00, v3;
	v5 =	vadd.f32 v5, v6  }
0x157: {  	v4 =	vadd.f32 v4, v9;
	v8 =	vsub.f32 $1.000000000e+00, v7  }
0x158: {  	v2 =	vmul.f32 v2, v3;
	v6 =	vmul.f32 v12, v11  }
0x159: {  	v4 =	vmul.f32 v4, v7;
	v3 =	vmul.f32 v5, v8  }
0x15a: {  	v2 =	vadd.f32 v2, v6  }
0x15b: {  	v3 =	vadd.f32 v4, v3  }
0x15c: {  	[tilespmem:s17+$0x17000] =	vst v2;
	s17 =	sshrl.u32 s20, $0x3  }
0x15d: {  	s21 =	simm.s32 $0x0;
	s23 =	sadd.s32 s4, s17;
	[tilespmem:s19+$0x17000] =	vst v3  }
0x15e: {  	[hbm4b:s23+s21] =	stream.linear.scatter [tilespmem:s1], [sflag:$0x5], $0x800, $0x38;
	[tilespmem:$0x18000] =	vst v63  }
0x15f: {  	_ =	swait.ge [sflag:s16], $0x2000  }
0x160: {  	s24 =	sand.u32 $0x1E00, s21;
	s25 =	sand.u32 $0x70, s21;
	[sflag:s16] =	ssyncset.done $0x0  }
0x161: {  	s19 =	sor.u32 s25, s24;
	[sflag:s16] =	ssyncadd.s32 $0xFFFFE000  }
0x162: {  	v2 =	vld [tilespmem:s19+$0x180]  }
0x163: {  	v3 =	vld [tilespmem:s19+$0x0]  }
0x164: {  	v4 =	vld [tilespmem:s19+$0x80];
	_ =	sdelay $0x3  }
0x165: {  	v8 =	vld [tilespmem:s19+$0x100];
	v7 =	vadd.f32 $-1.000000000e+00, v2  }
0x166: {  	v9 =	vadd.f32 $1.000000000e+00, v2;
	v3 =	vmul.f32 $7.100000000e+01, v3;
	v5 =	vmul.f32 $5.110000000e+02, v4  }
0x167: {  	v6 =	vand.u32 $0x7FFFFFFF, v2;
	v2 =	vand.u32 $0x7FFFFFFF, v7  }
0x168: {  	s22 =	simm.s32 $0x10;
	s19 =	simm.s32 $0x40;
	v7 =	vand.u32 $0x7FFFFFFF, v9;
	v4 =	vtrunc.f32 v3;
	v9 =	vtrunc.f32 v5  }
0x169: {  	s24 =	sand.u32 $0x70, s22;
	s26 =	sand.u32 $0x1E00, s19;
	vm0 =	vlt.f32 v2, v6;
	vm1 =	vlt.f32 v2, v7;
	v4 =	vcvt.f32.s32 v4  }
0x16a: {  	s23 =	simm.s32 $0x80;
	s20 =	sor.u32 s24, s26;
	v2 =	vmul.f32 $5.110000000e+02, v8;
	v8 =	vcvt.f32.s32 v9;
	v9 =	vsel vm1, $0x2, v0  }
.LBB2_9:
0x16b: {  	p1 =	sne.s32 s23, $0x1FC0  }
0x16c: {  	s22 =	sadd.s32 $0x10, s22;
	vm1 =	vgt.s32 v4, $0x0;
	vm2 =	vlt.f32 v6, v7;
	v6 =	vsel vm0, $0x2, v1;
	s25 =	smov.u32 s23;
	s23 =	sadd.s32 $0x40, s23  }
0x16d: {  	v7 =	vcvt.s32.f32 v8;
	v10 =	vnsel vm1, $0x0, v4;
	vm0 =	vgt.s32 v8, $0x0  }
0x16e: {  	v11 =	vtrunc.f32 v2;
	v6 =	vsel vm2, v6, v9;
	v8 =	vnsel vm0, $0x0, v8  }
0x16f: {  	v9 =	vcvt.f32.s32 v11;
	v6 =	vmul.u32 $0x48, v6;
	v5 =	vsub.f32 v5, v7  }
0x170: {  	s24 =	sshra.s32 s21, $0x2;
	s21 =	smov.u32 s19;
	s19 =	smov.u32 s25;
	v7 =	vmin.u32 v10, $0x47;
	v10 =	vmin.u32 v10, $0x46;
	v11 =	vmin.u32 v8, $0x1FE  }
0x171: {  	v8 =	vmin.u32 v8, $0x1FF;
	vm0 =	vgt.s32 v9, $0x0;
	[tilespmem:s24+$0x14800] =	vst v5;
	v5 =	vcvt.s32.f32 v9  }
0x172: {  	v4 =	vcvt.s32.f32 v4;
	v12 =	vshll.u32 v8, $0x7;
	v9 =	vnsel vm0, $0x0, v9  }
0x173: {  	v12 =	vand.u32 $0x380, v12;
	v13 =	vmin.u32 v9, $0x1FF;
	v9 =	vmin.u32 v9, $0x1FE  }
0x174: {  	v3 =	vsub.f32 v3, v4;
	v4 =	vadd.s32 $0x1, v11;
	v8 =	vshll.u32 v8, $0x9  }
0x175: {  	v7 =	vadd.s32 v7, v6;
	v11 =	vshll.u32 v4, $0x9;
	v14 =	vshll.u32 v13, $0x3  }
0x176: {  	v4 =	vshll.u32 v4, $0x7;
	[tilespmem:s24+$0x14000] =	vst v3;
	v3 =	vadd.s32 v6, v10;
	v6 =	vand.u32 $0xC00, v14  }
0x177: {  	v7 =	vshll.u32 v7, $0x12;
	v4 =	vand.u32 $0x380, v4;
	v10 =	vand.u32 $0x7F, v13  }
0x178: {  	v8 =	vand.u32 $0x3F000, v8;
	v9 =	vadd.s32 $0x1, v9;
	v3 =	vshll.u32 v3, $0x12  }
0x179: {  	v11 =	vand.u32 $0x7F000, v11;
	v13 =	vshll.u32 v9, $0x3;
	v3 =	vadd.s32 $0x40000, v3  }
0x17a: {  	v8 =	vor.u32 v12, v8;
	v4 =	vor.u32 v4, v11;
	v9 =	vand.u32 $0x7F, v9  }
0x17b: {  	v6 =	vor.u32 v10, v6;
	v10 =	vadd.s32 v4, v7;
	v4 =	vadd.s32 v4, v3  }
0x17c: {  	s26 =	sand.u32 $0x70, s22;
	s25 =	sand.u32 $0x1E00, s19;
	v11 =	vand.u32 $0x1C00, v13;
	v12 =	vor.u32 v6, v10;
	v13 =	vor.u32 v6, v4  }
0x17d: {  	s25 =	sor.u32 s26, s25;
	v7 =	vor.u32 v8, v7;
	v9 =	vor.u32 v9, v11;
	v3 =	vor.u32 v8, v3;
	[tilespmem:s24+$0x5000] =	vst v12  }
0x17e: {  	v8 =	vadd.s32 v9, v7;
	v10 =	vadd.s32 v9, v10;
	v11 =	vadd.s32 v9, v3;
	[tilespmem:s24+$0x7000] =	vst v13  }
0x17f: {  	v7 =	vor.u32 v6, v7;
	v3 =	vor.u32 v6, v3;
	v4 =	vadd.s32 v9, v4;
	[tilespmem:s24+$0x4800] =	vst v8  }
0x180: {  	v2 =	vsub.f32 v2, v5;
	[tilespmem:s24+$0x6800] =	vst v11  }
0x181: {  	[tilespmem:s24+$0x5800] =	vst v10  }
0x182: {  	[tilespmem:s24+$0x15000] =	vst v2  }
0x183: {  	[tilespmem:s24+$0x4000] =	vst v7  }
0x184: {  	[tilespmem:s24+$0x6000] =	vst v3  }
0x185: {  	[tilespmem:s24+$0x7800] =	vst v4  }
0x186: {  	v2 =	vld [tilespmem:s20+$0x180]  }
0x187: {  	v3 =	vld [tilespmem:s20+$0x0]  }
0x188: {  	v4 =	vld [tilespmem:s20+$0x80]  }
0x189: {  	v8 =	vld [tilespmem:s20+$0x100];
	s20 =	smov.u32 s25;
	_ =	sdelay $0x1  }
0x18a: {  	v7 =	vadd.f32 $1.000000000e+00, v2;
	v9 =	vadd.f32 $-1.000000000e+00, v2  }
.Ltmp3:
0x18b: {  	v6 =	vand.u32 $0x7FFFFFFF, v2;
	v3 =	vmul.f32 $7.100000000e+01, v3;
	(pc) =	sbr.rel @p1 .LBB2_9-.Ltmp3, $4  }
0x18c: {  	v5 =	vmul.f32 $5.110000000e+02, v4;
	v7 =	vand.u32 $0x7FFFFFFF, v7;
	v2 =	vand.u32 $0x7FFFFFFF, v9  }
0x18d: {  	v4 =	vtrunc.f32 v3;
	vm0 =	vlt.f32 v2, v6;
	vm1 =	vlt.f32 v2, v7  }
0x18e: {  	v4 =	vcvt.f32.s32 v4;
	v9 =	vtrunc.f32 v5  }
0x18f: {  	v2 =	vmul.f32 $5.110000000e+02, v8;
	v8 =	vcvt.f32.s32 v9;
	v9 =	vsel vm1, $0x2, v0  }
0x190: {  	vm1 =	vgt.s32 v4, $0x0  }
0x191: {  	vm2 =	vlt.f32 v6, v7;
	v6 =	vsel vm0, $0x2, v1;
	v7 =	vcvt.s32.f32 v8  }
0x192: {  	v10 =	vnsel vm1, $0x0, v4;
	vm8 =	vgt.s32 v8, $0x0;
	v11 =	vtrunc.f32 v2  }
0x193: {  	v6 =	vsel vm2, v6, v9;
	v4 =	vcvt.s32.f32 v4;
	v8 =	vnsel vm8, $0x0, v8  }
0x194: {  	v9 =	vcvt.f32.s32 v11;
	v6 =	vmul.u32 $0x48, v6;
	v5 =	vsub.f32 v5, v7  }
0x195: {  	v7 =	vmin.u32 v10, $0x47;
	v10 =	vmin.u32 v10, $0x46;
	v11 =	vmin.u32 v8, $0x1FE  }
0x196: {  	v8 =	vmin.u32 v8, $0x1FF;
	v3 =	vsub.f32 v3, v4;
	vm9 =	vgt.s32 v9, $0x0  }
0x197: {  	v13 =	vshll.u32 v8, $0x7;
	v4 =	vadd.s32 $0x1, v11;
	v8 =	vshll.u32 v8, $0x9  }
0x198: {  	v7 =	vadd.s32 v7, v6;
	v6 =	vadd.s32 v6, v10;
	v12 =	vnsel vm9, $0x0, v9  }
0x199: {  	v13 =	vand.u32 $0x380, v13;
	v11 =	vshll.u32 v4, $0x9;
	v4 =	vshll.u32 v4, $0x7  }
0x19a: {  	v7 =	vshll.u32 v7, $0x12;
	v6 =	vshll.u32 v6, $0x12;
	v8 =	vand.u32 $0x3F000, v8  }
0x19b: {  	v14 =	vmin.u32 v12, $0x1FF;
	v12 =	vmin.u32 v12, $0x1FE;
	v4 =	vand.u32 $0x380, v4  }
0x19c: {  	v6 =	vadd.s32 $0x40000, v6;
	v11 =	vand.u32 $0x7F000, v11;
	v8 =	vor.u32 v13, v8  }
0x19d: {  	v15 =	vshll.u32 v14, $0x3;
	v14 =	vand.u32 $0x7F, v14;
	v12 =	vadd.s32 $0x1, v12  }
0x19e: {  	s21 =	sshra.s32 s21, $0x2;
	v4 =	vor.u32 v4, v11;
	v10 =	vand.u32 $0xC00, v15;
	v15 =	vshll.u32 v12, $0x3  }
0x19f: {  	[tilespmem:s21+$0x14800] =	vst v5;
	v5 =	vand.u32 $0x7F, v12;
	v11 =	vadd.s32 v4, v7;
	v10 =	vor.u32 v14, v10  }
0x1a0: {  	[tilespmem:s21+$0x14000] =	vst v3;
	v3 =	vadd.s32 v4, v6;
	v4 =	vand.u32 $0x1C00, v15;
	v12 =	vor.u32 v10, v11  }
0x1a1: {  	v13 =	vor.u32 v10, v3;
	v4 =	vor.u32 v5, v4;
	v5 =	vor.u32 v8, v7;
	[tilespmem:s21+$0x5000] =	vst v12  }
0x1a2: {  	v6 =	vor.u32 v8, v6;
	v8 =	vadd.s32 v4, v5;
	[tilespmem:s21+$0x7000] =	vst v13  }
0x1a3: {  	v7 =	vcvt.s32.f32 v9;
	v9 =	vadd.s32 v4, v6;
	[tilespmem:s21+$0x4800] =	vst v8  }
0x1a4: {  	v5 =	vor.u32 v10, v5;
	[tilespmem:s21+$0x6800] =	vst v9  }
0x1a5: {  	v3 =	vadd.s32 v4, v3;
	[tilespmem:s21+$0x4000] =	vst v5  }
0x1a6: {  	v8 =	vadd.s32 v4, v11;
	v2 =	vsub.f32 v2, v7;
	[tilespmem:s21+$0x7800] =	vst v3  }
0x1a7: {  	[tilespmem:s21+$0x5800] =	vst v8  }
0x1a8: {  	[tilespmem:s21+$0x15000] =	vst v2;
	v2 =	vor.u32 v10, v6  }
0x1a9: {  	[tilespmem:s21+$0x6000] =	vst v2  }
0x1aa: {  	v2 =	vld [tilespmem:s20+$0x180]  }
0x1ab: {  	v3 =	vld [tilespmem:s20+$0x0]  }
0x1ac: {  	v4 =	vld [tilespmem:s20+$0x80]  }
0x1ad: {  	v5 =	vld [tilespmem:s20+$0x100];
	_ =	sdelay $0x2  }
0x1ae: {  	v6 =	vadd.f32 $1.000000000e+00, v2  }
0x1af: {  	v3 =	vmul.f32 $7.100000000e+01, v3;
	v7 =	vadd.f32 $-1.000000000e+00, v2;
	v4 =	vmul.f32 $5.110000000e+02, v4  }
0x1b0: {  	v2 =	vand.u32 $0x7FFFFFFF, v2;
	v5 =	vmul.f32 $5.110000000e+02, v5;
	v6 =	vand.u32 $0x7FFFFFFF, v6  }
0x1b1: {  	v8 =	vtrunc.f32 v3;
	v7 =	vand.u32 $0x7FFFFFFF, v7;
	v9 =	vtrunc.f32 v4  }
0x1b2: {  	v11 =	vtrunc.f32 v5;
	v8 =	vcvt.f32.s32 v8;
	vm10 =	vlt.f32 v7, v2  }
0x1b3: {  	vm11 =	vlt.f32 v7, v6;
	v7 =	vcvt.f32.s32 v9;
	vm13 =	vlt.f32 v2, v6  }
0x1b4: {  	v9 =	vsel vm11, $0x2, v0;
	v2 =	vsel vm10, $0x2, v1;
	vm12 =	vgt.s32 v8, $0x0  }
0x1b5: {  	v6 =	vcvt.s32.f32 v7;
	vm14 =	vgt.s32 v7, $0x0;
	v2 =	vsel vm13, v2, v9  }
0x1b6: {  	v9 =	vcvt.f32.s32 v11;
	v10 =	vnsel vm12, $0x0, v8;
	v7 =	vnsel vm14, $0x0, v7  }
0x1b7: {  	v2 =	vmul.u32 $0x48, v2;
	v8 =	vcvt.s32.f32 v8;
	v4 =	vsub.f32 v4, v6  }
0x1b8: {  	v6 =	vmin.u32 v10, $0x47;
	v10 =	vmin.u32 v10, $0x46;
	vm15 =	vgt.s32 v9, $0x0  }
0x1b9: {  	v11 =	vmin.u32 v7, $0x1FE;
	v7 =	vmin.u32 v7, $0x1FF;
	v12 =	vnsel vm15, $0x0, v9  }
0x1ba: {  	v13 =	vshll.u32 v7, $0x7;
	v3 =	vsub.f32 v3, v8;
	v8 =	vadd.s32 $0x1, v11  }
0x1bb: {  	v7 =	vshll.u32 v7, $0x9;
	v6 =	vadd.s32 v6, v2;
	v2 =	vadd.s32 v2, v10  }
0x1bc: {  	v14 =	vmin.u32 v12, $0x1FF;
	v12 =	vmin.u32 v12, $0x1FE;
	v13 =	vand.u32 $0x380, v13  }
0x1bd: {  	v11 =	vshll.u32 v8, $0x9;
	v8 =	vshll.u32 v8, $0x7;
	v6 =	vshll.u32 v6, $0x12  }
0x1be: {  	v2 =	vshll.u32 v2, $0x12;
	v7 =	vand.u32 $0x3F000, v7;
	v15 =	vshll.u32 v14, $0x3  }
0x1bf: {  	v8 =	vand.u32 $0x380, v8;
	v14 =	vand.u32 $0x7F, v14;
	v12 =	vadd.s32 $0x1, v12  }
0x1c0: {  	v2 =	vadd.s32 $0x40000, v2;
	v11 =	vand.u32 $0x7F000, v11;
	v7 =	vor.u32 v13, v7  }
0x1c1: {  	s19 =	sshra.s32 s19, $0x2;
	v10 =	vand.u32 $0xC00, v15;
	v15 =	vshll.u32 v12, $0x3;
	v8 =	vor.u32 v8, v11  }
0x1c2: {  	[tilespmem:s19+$0x14800] =	vst v4;
	v4 =	vand.u32 $0x7F, v12;
	v10 =	vor.u32 v14, v10;
	v11 =	vadd.s32 v8, v6  }
0x1c3: {  	[tilespmem:s19+$0x14000] =	vst v3;
	v3 =	vadd.s32 v8, v2;
	v8 =	vand.u32 $0x1C00, v15;
	v12 =	vor.u32 v10, v11  }
0x1c4: {  	v6 =	vor.u32 v7, v6;
	v13 =	vor.u32 v10, v3;
	v4 =	vor.u32 v4, v8;
	[tilespmem:s19+$0x5000] =	vst v12  }
0x1c5: {  	v2 =	vor.u32 v7, v2;
	v7 =	vadd.s32 v4, v6;
	[tilespmem:s19+$0x7000] =	vst v13  }
0x1c6: {  	v8 =	vcvt.s32.f32 v9;
	v9 =	vadd.s32 v4, v2;
	[tilespmem:s19+$0x4800] =	vst v7  }
0x1c7: {  	v6 =	vor.u32 v10, v6;
	[tilespmem:s19+$0x6800] =	vst v9  }
0x1c8: {  	s7 =	sadd.s32 s7, s11;
	v2 =	vor.u32 v10, v2;
	[tilespmem:s19+$0x4000] =	vst v6  }
0x1c9: {  	s7 =	smin.u32 s7, s8;
	v3 =	vadd.s32 v4, v3;
	[tilespmem:s19+$0x6000] =	vst v2  }
0x1ca: {  	s7 =	sshrl.u32 s7, $0x1;
	v7 =	vadd.s32 v4, v11;
	v5 =	vsub.f32 v5, v8;
	[tilespmem:s19+$0x7800] =	vst v3  }
0x1cb: {  	s7 =	sand.u32 $0x7FC00, s7;
	[tilespmem:s19+$0x5800] =	vst v7  }
0x1cc: {  	s26 =	simm.s32 $0x2000;
	s7 =	sadd.s32 s2, s7;
	[tilespmem:s19+$0x15000] =	vst v5  }
0x1cd: {  	[tilespmem:s26], [sflag:$0x4] =	stream.linear.gather [hbm4b:s7+s5], $0x2000, $0x38;
	[tilespmem:$0x18000] =	vst v63  }
0x1ce: {  	s20 =	simm.s32 $0xC000;
	s19 =	simm.s32 $0x4000  }
0x1cf: {  	[tilespmem:s20], [sflag:$0x1] =	stream.indirect.gather [hbm4b:s3+s18], $0x1, s19, s18, $0xb8;
	[tilespmem:$0x18000] =	vst v63  }
0x1d0: {  	s22 =	simm.s32 $0xC800;
	s21 =	simm.s32 $0x4800  }
0x1d1: {  	[tilespmem:s22], [sflag:$0x1] =	stream.indirect.gather [hbm4b:s3+s18], $0x1, s21, s18, $0xb8;
	[tilespmem:$0x18000] =	vst v63  }
0x1d2: {  	s23 =	simm.s32 $0x5000;
	s24 =	simm.s32 $0xD000  }
0x1d3: {  	[tilespmem:s24], [sflag:$0x1] =	stream.indirect.gather [hbm4b:s3+s18], $0x1, s23, s18, $0xb8;
	[tilespmem:$0x18000] =	vst v63  }
0x1d4: {  	s25 =	simm.s32 $0x5800;
	s26 =	simm.s32 $0xD800  }
0x1d5: {  	[tilespmem:s26], [sflag:$0x1] =	stream.indirect.gather [hbm4b:s3+s18], $0x1, s25, s18, $0xb8;
	[tilespmem:$0x18000] =	vst v63  }
0x1d6: {  	s19 =	simm.s32 $0x6000;
	s20 =	simm.s32 $0xE000  }
0x1d7: {  	[tilespmem:s20], [sflag:$0x1] =	stream.indirect.gather [hbm4b:s3+s18], $0x1, s19, s18, $0xb8;
	[tilespmem:$0x18000] =	vst v63  }
0x1d8: {  	s21 =	simm.s32 $0x6800;
	s22 =	simm.s32 $0xE800  }
0x1d9: {  	[tilespmem:s22], [sflag:$0x1] =	stream.indirect.gather [hbm4b:s3+s18], $0x1, s21, s18, $0xb8;
	[tilespmem:$0x18000] =	vst v63  }
0x1da: {  	s23 =	simm.s32 $0x7000;
	s24 =	simm.s32 $0xF000  }
0x1db: {  	[tilespmem:s24], [sflag:$0x1] =	stream.indirect.gather [hbm4b:s3+s18], $0x1, s23, s18, $0xb8;
	[tilespmem:$0x18000] =	vst v63  }
0x1dc: {  	s25 =	simm.s32 $0x7800;
	s26 =	simm.s32 $0xF800  }
0x1dd: {  	[tilespmem:s26], [sflag:$0x1] =	stream.indirect.gather [hbm4b:s3+s18], $0x1, s25, s18, $0xb8;
	[tilespmem:$0x18000] =	vst v63  }
0x1de: {  	_ =	swait.ge [sflag:s9], $0x800  }
0x1df: {  	[sflag:s9] =	ssyncset.done $0x0  }
0x1e0: {  	[sflag:s9] =	ssyncadd.s32 $0xFFFFF800  }
0x1e1: {  	_ =	swait.ge [sflag:s9], $0x800  }
0x1e2: {  	[sflag:s9] =	ssyncset.done $0x0  }
0x1e3: {  	[sflag:s9] =	ssyncadd.s32 $0xFFFFF800  }
0x1e4: {  	_ =	swait.ge [sflag:s9], $0x800  }
0x1e5: {  	[sflag:s9] =	ssyncset.done $0x0  }
0x1e6: {  	[sflag:s9] =	ssyncadd.s32 $0xFFFFF800  }
0x1e7: {  	_ =	swait.ge [sflag:s9], $0x800  }
0x1e8: {  	[sflag:s9] =	ssyncset.done $0x0  }
0x1e9: {  	[sflag:s9] =	ssyncadd.s32 $0xFFFFF800  }
0x1ea: {  	_ =	swait.ge [sflag:s9], $0x800  }
0x1eb: {  	[sflag:s9] =	ssyncset.done $0x0  }
0x1ec: {  	[sflag:s9] =	ssyncadd.s32 $0xFFFFF800  }
0x1ed: {  	_ =	swait.ge [sflag:s9], $0x800  }
0x1ee: {  	[sflag:s9] =	ssyncset.done $0x0  }
0x1ef: {  	[sflag:s9] =	ssyncadd.s32 $0xFFFFF800  }
0x1f0: {  	_ =	swait.ge [sflag:s9], $0x800  }
0x1f1: {  	[sflag:s9] =	ssyncset.done $0x0  }
0x1f2: {  	[sflag:s9] =	ssyncadd.s32 $0xFFFFF800  }
0x1f3: {  	_ =	swait.ge [sflag:s9], $0x800  }
0x1f4: {  	[sflag:s9] =	ssyncset.done $0x0  }
0x1f5: {  	s7 =	simm.s32 @!p0 $0x6;
	[sflag:s9] =	ssyncadd.s32 $0xFFFFF800  }
0x1f6: {  	_ =	swait.ge @!p0 [sflag:s7], $0x800  }
0x1f7: {  	[sflag:s7] =	ssyncset.done @!p0 $0x0  }
0x1f8: {  	[sflag:s7] =	ssyncadd.s32 @!p0 $0xFFFFF800;
	s7 =	simm.s32 $0x0  }
0x1f9: {  	v2 =	vld [tilespmem:s7+$0x16000]  }
0x1fa: {  	v5 =	vld [tilespmem:s7+$0x10000]  }
0x1fb: {  	v4 =	vld [tilespmem:s7+$0x10800]  }
0x1fc: {  	v8 =	vld [tilespmem:s7+$0x11000]  }
0x1fd: {  	v6 =	vld [tilespmem:s7+$0x11800]  }
0x1fe: {  	v9 =	vld [tilespmem:s7+$0x16800]  }
0x1ff: {  	v10 =	vld [tilespmem:s7+$0x12800]  }
0x200: {  	v11 =	vld [tilespmem:s7+$0x13800]  }
0x201: {  	v12 =	vld [tilespmem:s7+$0x12000]  }
0x202: {  	v13 =	vld [tilespmem:s7+$0x13000]  }
0x203: {  	s19 =	simm.s32 $0x10;
	v3 =	vld [tilespmem:s7+$0x15800]  }
0x204: {  	v7 =	vld [tilespmem:s19+$0x10000];
	v14 =	vmul.f32 v4, v9;
	v15 =	vsub.f32 $1.000000000e+00, v9;
	v16 =	vmul.f32 v6, v9  }
0x205: {  	v4 =	vld [tilespmem:s19+$0x16000];
	v17 =	vmul.f32 v10, v9;
	v11 =	vmul.f32 v11, v9  }
0x206: {  	v6 =	vld [tilespmem:s19+$0x10800];
	v18 =	vmul.f32 v5, v15;
	v8 =	vmul.f32 v8, v15  }
0x207: {  	v10 =	vsub.f32 $1.000000000e+00, v2;
	v9 =	vld [tilespmem:s19+$0x11800];
	v12 =	vmul.f32 v12, v15;
	v13 =	vmul.f32 v13, v15  }
0x208: {  	v5 =	vld [tilespmem:s19+$0x11000];
	v18 =	vadd.f32 v14, v18;
	v16 =	vadd.f32 v16, v8  }
0x209: {  	v8 =	vld [tilespmem:s19+$0x16800];
	v15 =	vadd.f32 v17, v12;
	v14 =	vadd.f32 v11, v13  }
0x20a: {  	s20 =	simm.s32 $0x80;
	v11 =	vld [tilespmem:s19+$0x12800];
	v12 =	vmul.f32 v18, v10;
	v13 =	vmul.f32 v16, v2  }
.LBB2_11:
0x20b: {  	p0 =	sne.s32 s20, $0x1FC0;
	v16 =	vld [tilespmem:s19+$0x13800];
	v10 =	vmul.f32 v15, v10;
	v14 =	vmul.f32 v14, v2;
	v2 =	vmov v4  }
0x20c: {  	v17 =	vsub.f32 $1.000000000e+00, v3;
	v15 =	vld [tilespmem:s19+$0x12000]  }
0x20d: {  	v12 =	vadd.f32 v13, v12;
	v18 =	vld [tilespmem:s19+$0x13000];
	v10 =	vadd.f32 v14, v10  }
0x20e: {  	s21 =	sshra.s32 s20, $0x2;
	v13 =	vld [tilespmem:s19+$0x15800];
	v14 =	vmul.f32 v6, v8;
	v19 =	vmul.f32 v9, v8  }
0x20f: {  	v9 =	vsub.f32 $1.000000000e+00, v8;
	v12 =	vmul.f32 v12, v17;
	v4 =	vld [tilespmem:s21+$0x16000];
	v3 =	vmul.f32 v10, v3  }
0x210: {  	v11 =	vmul.f32 v11, v8;
	v17 =	vld [tilespmem:s21+$0x10000];
	v16 =	vmul.f32 v16, v8  }
.Ltmp4:
0x211: {  	v7 =	vmul.f32 v7, v9;
	v8 =	vmul.f32 v5, v9;
	v6 =	vld [tilespmem:s21+$0x10800];
	v20 =	vadd.f32 v3, v12;
	(pc) =	sbr.rel @p0 .LBB2_11-.Ltmp4, $4  }
0x212: {  	v10 =	vsub.f32 $1.000000000e+00, v2;
	v12 =	vmul.f32 v15, v9;
	v5 =	vld [tilespmem:s21+$0x11000];
	v18 =	vmul.f32 v18, v9  }
0x213: {  	v21 =	vadd.f32 v14, v7;
	v19 =	vadd.f32 v19, v8;
	v9 =	vld [tilespmem:s21+$0x11800];
	[tilespmem:s7+$0x17800] =	vst v20;
	v3 =	vmov v13;
	s7 =	smov.u32 s19;
	s19 =	smov.u32 s21  }
0x214: {  	v15 =	vadd.f32 v11, v12;
	v8 =	vld [tilespmem:s19+$0x16800];
	v14 =	vadd.f32 v16, v18  }
0x215: {  	s20 =	sadd.s32 $0x40, s20;
	v12 =	vmul.f32 v21, v10;
	v13 =	vmul.f32 v19, v2;
	v11 =	vld [tilespmem:s19+$0x12800];
	v7 =	vmov v17  }
0x216: {  	v16 =	vld [tilespmem:s19+$0x13800]  }
0x217: {  	v17 =	vld [tilespmem:s19+$0x12000]  }
0x218: {  	v18 =	vld [tilespmem:s19+$0x13000]  }
0x219: {  	v19 =	vsub.f32 $1.000000000e+00, v8  }
0x21a: {  	v6 =	vmul.f32 v6, v8;
	v9 =	vmul.f32 v9, v8  }
0x21b: {  	v11 =	vmul.f32 v11, v8;
	v7 =	vmul.f32 v7, v19  }
0x21c: {  	v54 =	vmul.f32 v16, v8;
	v5 =	vmul.f32 v5, v19  }
0x21d: {  	v57 =	vld [tilespmem:s19+$0x15800];
	v58 =	vsub.f32 $1.000000000e+00, v4;
	v55 =	vmul.f32 v17, v19;
	v56 =	vmul.f32 v18, v19  }
0x21e: {  	v10 =	vmul.f32 v15, v10;
	v6 =	vadd.f32 v6, v7;
	v5 =	vadd.f32 v9, v5  }
0x21f: {  	v2 =	vmul.f32 v14, v2;
	v59 =	vadd.f32 v11, v55;
	v8 =	vadd.f32 v54, v56  }
0x220: {  	v60 =	vsub.f32 $1.000000000e+00, v3;
	v6 =	vmul.f32 v6, v58;
	v5 =	vmul.f32 v5, v4  }
0x221: {  	v12 =	vadd.f32 v13, v12;
	v9 =	vmul.f32 v59, v58;
	v61 =	vmul.f32 v8, v4  }
0x222: {  	v2 =	vadd.f32 v2, v10;
	v62 =	vsub.f32 $1.000000000e+00, v57  }
0x223: {  	v5 =	vadd.f32 v5, v6;
	v4 =	vadd.f32 v61, v9  }
0x224: {  	s15 =	sadd.s32 $0x1, s15;
	v63 =	vmul.f32 v12, v60;
	v2 =	vmul.f32 v2, v3  }
0x225: {  	p0 =	sne.s32 s15, $0x7;
	v3 =	vmul.f32 v5, v62;
	v4 =	vmul.f32 v4, v57  }
.Ltmp5:
0x226: {  	v2 =	vadd.f32 v2, v63;
	(pc) =	sbr.rel @p0 .LBB2_4-.Ltmp5, $4  }
0x227: {  	v3 =	vadd.f32 v4, v3  }
0x228: {  	s26 =	sadd.s32 s17, s4;
	[tilespmem:s7+$0x17800] =	vst v2  }
0x229: {  	s7 =	sadd.s32 $0x100, s26;
	[tilespmem:s19+$0x17800] =	vst v3  }
0x22a: {  	[hbm4b:s7+s5] =	stream.linear.scatter [tilespmem:s12], [sflag:$0x6], $0x800, $0x38;
	[tilespmem:$0x18000] =	vst v63  }
0x22b: {  	_ =	swait.ge [sflag:s13], $0x2000;
	s15 =	simm.s32 $0x0  }
0x22c: {  	[sflag:s13] =	ssyncset.done $0x0;
	s7 =	sand.u32 $0x1E00, s15;
	s14 =	sand.u32 $0x70, s15  }
0x22d: {  	[sflag:s13] =	ssyncadd.s32 $0xFFFFE000;
	s7 =	sor.u32 s14, s7  }
0x22e: {  	v2 =	vld [tilespmem:s7+$0x2180]  }
0x22f: {  	v3 =	vld [tilespmem:s7+$0x2000]  }
0x230: {  	v4 =	vld [tilespmem:s7+$0x2080];
	_ =	sdelay $0x3  }
0x231: {  	v8 =	vld [tilespmem:s7+$0x2100];
	v7 =	vadd.f32 $-1.000000000e+00, v2  }
0x232: {  	v9 =	vadd.f32 $1.000000000e+00, v2;
	v3 =	vmul.f32 $7.100000000e+01, v3;
	v5 =	vmul.f32 $5.110000000e+02, v4  }
0x233: {  	v6 =	vand.u32 $0x7FFFFFFF, v2;
	v2 =	vand.u32 $0x7FFFFFFF, v7  }
0x234: {  	s17 =	simm.s32 $0x10;
	s7 =	simm.s32 $0x40;
	v7 =	vand.u32 $0x7FFFFFFF, v9;
	v4 =	vtrunc.f32 v3;
	v9 =	vtrunc.f32 v5  }
0x235: {  	s20 =	sand.u32 $0x70, s17;
	s26 =	sand.u32 $0x1E00, s7;
	vm0 =	vlt.f32 v2, v6;
	vm1 =	vlt.f32 v2, v7;
	v4 =	vcvt.f32.s32 v4  }
0x236: {  	s19 =	simm.s32 $0x80;
	s14 =	sor.u32 s20, s26;
	v2 =	vmul.f32 $5.110000000e+02, v8;
	v8 =	vcvt.f32.s32 v9;
	v9 =	vsel vm1, $0x2, v0  }
.LBB2_14:
0x237: {  	p0 =	sne.s32 s19, $0x1FC0  }
0x238: {  	s17 =	sadd.s32 $0x10, s17;
	vm1 =	vgt.s32 v4, $0x0;
	vm2 =	vlt.f32 v6, v7;
	v6 =	vsel vm0, $0x2, v1;
	s21 =	smov.u32 s19;
	s19 =	sadd.s32 $0x40, s19  }
0x239: {  	v7 =	vcvt.s32.f32 v8;
	v10 =	vnsel vm1, $0x0, v4;
	vm0 =	vgt.s32 v8, $0x0  }
0x23a: {  	v11 =	vtrunc.f32 v2;
	v6 =	vsel vm2, v6, v9;
	v8 =	vnsel vm0, $0x0, v8  }
0x23b: {  	v9 =	vcvt.f32.s32 v11;
	v6 =	vmul.u32 $0x48, v6;
	v5 =	vsub.f32 v5, v7  }
0x23c: {  	s20 =	sshra.s32 s15, $0x2;
	s15 =	smov.u32 s7;
	s7 =	smov.u32 s21;
	v7 =	vmin.u32 v10, $0x47;
	v10 =	vmin.u32 v10, $0x46;
	v11 =	vmin.u32 v8, $0x1FE  }
0x23d: {  	v8 =	vmin.u32 v8, $0x1FF;
	vm0 =	vgt.s32 v9, $0x0;
	[tilespmem:s20+$0x16000] =	vst v5;
	v5 =	vcvt.s32.f32 v9  }
0x23e: {  	v4 =	vcvt.s32.f32 v4;
	v12 =	vshll.u32 v8, $0x7;
	v9 =	vnsel vm0, $0x0, v9  }
0x23f: {  	v12 =	vand.u32 $0x380, v12;
	v13 =	vmin.u32 v9, $0x1FF;
	v9 =	vmin.u32 v9, $0x1FE  }
0x240: {  	v3 =	vsub.f32 v3, v4;
	v4 =	vadd.s32 $0x1, v11;
	v8 =	vshll.u32 v8, $0x9  }
0x241: {  	v7 =	vadd.s32 v7, v6;
	v11 =	vshll.u32 v4, $0x9;
	v14 =	vshll.u32 v13, $0x3  }
0x242: {  	v4 =	vshll.u32 v4, $0x7;
	[tilespmem:s20+$0x15800] =	vst v3;
	v3 =	vadd.s32 v6, v10;
	v6 =	vand.u32 $0xC00, v14  }
0x243: {  	v7 =	vshll.u32 v7, $0x12;
	v4 =	vand.u32 $0x380, v4;
	v10 =	vand.u32 $0x7F, v13  }
0x244: {  	v8 =	vand.u32 $0x3F000, v8;
	v9 =	vadd.s32 $0x1, v9;
	v3 =	vshll.u32 v3, $0x12  }
0x245: {  	v11 =	vand.u32 $0x7F000, v11;
	v13 =	vshll.u32 v9, $0x3;
	v3 =	vadd.s32 $0x40000, v3  }
0x246: {  	v8 =	vor.u32 v12, v8;
	v4 =	vor.u32 v4, v11;
	v9 =	vand.u32 $0x7F, v9  }
0x247: {  	v6 =	vor.u32 v10, v6;
	v10 =	vadd.s32 v4, v7;
	v4 =	vadd.s32 v4, v3  }
0x248: {  	s22 =	sand.u32 $0x70, s17;
	s21 =	sand.u32 $0x1E00, s7;
	v11 =	vand.u32 $0x1C00, v13;
	v12 =	vor.u32 v6, v10;
	v13 =	vor.u32 v6, v4  }
0x249: {  	s21 =	sor.u32 s22, s21;
	v7 =	vor.u32 v8, v7;
	v9 =	vor.u32 v9, v11;
	v3 =	vor.u32 v8, v3;
	[tilespmem:s20+$0x9000] =	vst v12  }
0x24a: {  	v8 =	vadd.s32 v9, v7;
	v10 =	vadd.s32 v9, v10;
	v11 =	vadd.s32 v9, v3;
	[tilespmem:s20+$0xB000] =	vst v13  }
0x24b: {  	v7 =	vor.u32 v6, v7;
	v3 =	vor.u32 v6, v3;
	v4 =	vadd.s32 v9, v4;
	[tilespmem:s20+$0x8800] =	vst v8  }
0x24c: {  	v2 =	vsub.f32 v2, v5;
	[tilespmem:s20+$0xA800] =	vst v11  }
0x24d: {  	[tilespmem:s20+$0x9800] =	vst v10  }
0x24e: {  	[tilespmem:s20+$0x16800] =	vst v2  }
0x24f: {  	[tilespmem:s20+$0x8000] =	vst v7  }
0x250: {  	[tilespmem:s20+$0xA000] =	vst v3  }
0x251: {  	[tilespmem:s20+$0xB800] =	vst v4  }
0x252: {  	v2 =	vld [tilespmem:s14+$0x2180]  }
0x253: {  	v3 =	vld [tilespmem:s14+$0x2000]  }
0x254: {  	v4 =	vld [tilespmem:s14+$0x2080]  }
0x255: {  	v8 =	vld [tilespmem:s14+$0x2100];
	s14 =	smov.u32 s21;
	_ =	sdelay $0x1  }
0x256: {  	v7 =	vadd.f32 $1.000000000e+00, v2;
	v9 =	vadd.f32 $-1.000000000e+00, v2  }
.Ltmp6:
0x257: {  	v6 =	vand.u32 $0x7FFFFFFF, v2;
	v3 =	vmul.f32 $7.100000000e+01, v3;
	(pc) =	sbr.rel @p0 .LBB2_14-.Ltmp6, $4  }
0x258: {  	v5 =	vmul.f32 $5.110000000e+02, v4;
	v7 =	vand.u32 $0x7FFFFFFF, v7;
	v2 =	vand.u32 $0x7FFFFFFF, v9  }
0x259: {  	v4 =	vtrunc.f32 v3;
	vm0 =	vlt.f32 v2, v6;
	vm1 =	vlt.f32 v2, v7  }
0x25a: {  	v4 =	vcvt.f32.s32 v4;
	v9 =	vtrunc.f32 v5  }
0x25b: {  	v2 =	vmul.f32 $5.110000000e+02, v8;
	v8 =	vcvt.f32.s32 v9;
	v9 =	vsel vm1, $0x2, v0  }
0x25c: {  	vm1 =	vgt.s32 v4, $0x0  }
0x25d: {  	vm2 =	vlt.f32 v6, v7;
	v6 =	vsel vm0, $0x2, v1;
	v7 =	vcvt.s32.f32 v8  }
0x25e: {  	v10 =	vnsel vm1, $0x0, v4;
	vm8 =	vgt.s32 v8, $0x0;
	v11 =	vtrunc.f32 v2  }
0x25f: {  	v6 =	vsel vm2, v6, v9;
	v4 =	vcvt.s32.f32 v4;
	v8 =	vnsel vm8, $0x0, v8  }
0x260: {  	v9 =	vcvt.f32.s32 v11;
	v6 =	vmul.u32 $0x48, v6;
	v5 =	vsub.f32 v5, v7  }
0x261: {  	v7 =	vmin.u32 v10, $0x47;
	v10 =	vmin.u32 v10, $0x46;
	v11 =	vmin.u32 v8, $0x1FE  }
0x262: {  	v8 =	vmin.u32 v8, $0x1FF;
	v3 =	vsub.f32 v3, v4;
	vm9 =	vgt.s32 v9, $0x0  }
0x263: {  	v13 =	vshll.u32 v8, $0x7;
	v4 =	vadd.s32 $0x1, v11;
	v8 =	vshll.u32 v8, $0x9  }
0x264: {  	v7 =	vadd.s32 v7, v6;
	v6 =	vadd.s32 v6, v10;
	v12 =	vnsel vm9, $0x0, v9  }
0x265: {  	v13 =	vand.u32 $0x380, v13;
	v11 =	vshll.u32 v4, $0x9;
	v4 =	vshll.u32 v4, $0x7  }
0x266: {  	v7 =	vshll.u32 v7, $0x12;
	v6 =	vshll.u32 v6, $0x12;
	v8 =	vand.u32 $0x3F000, v8  }
0x267: {  	v14 =	vmin.u32 v12, $0x1FF;
	v12 =	vmin.u32 v12, $0x1FE;
	v4 =	vand.u32 $0x380, v4  }
0x268: {  	v6 =	vadd.s32 $0x40000, v6;
	v11 =	vand.u32 $0x7F000, v11;
	v8 =	vor.u32 v13, v8  }
0x269: {  	v15 =	vshll.u32 v14, $0x3;
	v14 =	vand.u32 $0x7F, v14;
	v12 =	vadd.s32 $0x1, v12  }
0x26a: {  	s15 =	sshra.s32 s15, $0x2;
	v4 =	vor.u32 v4, v11;
	v10 =	vand.u32 $0xC00, v15;
	v15 =	vshll.u32 v12, $0x3  }
0x26b: {  	[tilespmem:s15+$0x16000] =	vst v5;
	v5 =	vand.u32 $0x7F, v12;
	v11 =	vadd.s32 v4, v7;
	v10 =	vor.u32 v14, v10  }
0x26c: {  	[tilespmem:s15+$0x15800] =	vst v3;
	v3 =	vadd.s32 v4, v6;
	v4 =	vand.u32 $0x1C00, v15;
	v12 =	vor.u32 v10, v11  }
0x26d: {  	v13 =	vor.u32 v10, v3;
	v4 =	vor.u32 v5, v4;
	v5 =	vor.u32 v8, v7;
	[tilespmem:s15+$0x9000] =	vst v12  }
0x26e: {  	v6 =	vor.u32 v8, v6;
	v8 =	vadd.s32 v4, v5;
	[tilespmem:s15+$0xB000] =	vst v13  }
0x26f: {  	v7 =	vcvt.s32.f32 v9;
	v9 =	vadd.s32 v4, v6;
	[tilespmem:s15+$0x8800] =	vst v8  }
0x270: {  	v5 =	vor.u32 v10, v5;
	[tilespmem:s15+$0xA800] =	vst v9  }
0x271: {  	v3 =	vadd.s32 v4, v3;
	[tilespmem:s15+$0x8000] =	vst v5  }
0x272: {  	v8 =	vadd.s32 v4, v11;
	v2 =	vsub.f32 v2, v7;
	[tilespmem:s15+$0xB800] =	vst v3  }
0x273: {  	[tilespmem:s15+$0x9800] =	vst v8  }
0x274: {  	[tilespmem:s15+$0x16800] =	vst v2;
	v2 =	vor.u32 v10, v6  }
0x275: {  	[tilespmem:s15+$0xA000] =	vst v2  }
0x276: {  	v2 =	vld [tilespmem:s14+$0x2180]  }
0x277: {  	v3 =	vld [tilespmem:s14+$0x2000]  }
0x278: {  	v4 =	vld [tilespmem:s14+$0x2080]  }
0x279: {  	v5 =	vld [tilespmem:s14+$0x2100];
	_ =	sdelay $0x2  }
0x27a: {  	v6 =	vadd.f32 $1.000000000e+00, v2  }
0x27b: {  	v3 =	vmul.f32 $7.100000000e+01, v3;
	v7 =	vadd.f32 $-1.000000000e+00, v2;
	v4 =	vmul.f32 $5.110000000e+02, v4  }
0x27c: {  	v2 =	vand.u32 $0x7FFFFFFF, v2;
	v5 =	vmul.f32 $5.110000000e+02, v5;
	v6 =	vand.u32 $0x7FFFFFFF, v6  }
0x27d: {  	v8 =	vtrunc.f32 v3;
	v7 =	vand.u32 $0x7FFFFFFF, v7;
	v9 =	vtrunc.f32 v4  }
0x27e: {  	v11 =	vtrunc.f32 v5;
	v8 =	vcvt.f32.s32 v8;
	vm10 =	vlt.f32 v7, v2  }
0x27f: {  	vm11 =	vlt.f32 v7, v6;
	v7 =	vcvt.f32.s32 v9;
	vm13 =	vlt.f32 v2, v6  }
0x280: {  	v9 =	vsel vm11, $0x2, v0;
	v2 =	vsel vm10, $0x2, v1;
	vm12 =	vgt.s32 v8, $0x0  }
0x281: {  	v6 =	vcvt.s32.f32 v7;
	vm14 =	vgt.s32 v7, $0x0;
	v2 =	vsel vm13, v2, v9  }
0x282: {  	v9 =	vcvt.f32.s32 v11;
	v10 =	vnsel vm12, $0x0, v8;
	v7 =	vnsel vm14, $0x0, v7  }
0x283: {  	v2 =	vmul.u32 $0x48, v2;
	v8 =	vcvt.s32.f32 v8;
	v4 =	vsub.f32 v4, v6  }
0x284: {  	v6 =	vmin.u32 v10, $0x47;
	v10 =	vmin.u32 v10, $0x46;
	vm15 =	vgt.s32 v9, $0x0  }
0x285: {  	v11 =	vmin.u32 v7, $0x1FE;
	v7 =	vmin.u32 v7, $0x1FF;
	v12 =	vnsel vm15, $0x0, v9  }
0x286: {  	v13 =	vshll.u32 v7, $0x7;
	v3 =	vsub.f32 v3, v8;
	v8 =	vadd.s32 $0x1, v11  }
0x287: {  	v7 =	vshll.u32 v7, $0x9;
	v6 =	vadd.s32 v6, v2;
	v2 =	vadd.s32 v2, v10  }
0x288: {  	v14 =	vmin.u32 v12, $0x1FF;
	v12 =	vmin.u32 v12, $0x1FE;
	v13 =	vand.u32 $0x380, v13  }
0x289: {  	v11 =	vshll.u32 v8, $0x9;
	v8 =	vshll.u32 v8, $0x7;
	v6 =	vshll.u32 v6, $0x12  }
0x28a: {  	v2 =	vshll.u32 v2, $0x12;
	v7 =	vand.u32 $0x3F000, v7;
	v15 =	vshll.u32 v14, $0x3  }
0x28b: {  	v8 =	vand.u32 $0x380, v8;
	v14 =	vand.u32 $0x7F, v14;
	v12 =	vadd.s32 $0x1, v12  }
0x28c: {  	v2 =	vadd.s32 $0x40000, v2;
	v11 =	vand.u32 $0x7F000, v11;
	v7 =	vor.u32 v13, v7  }
0x28d: {  	s7 =	sshra.s32 s7, $0x2;
	v10 =	vand.u32 $0xC00, v15;
	v15 =	vshll.u32 v12, $0x3;
	v8 =	vor.u32 v8, v11  }
0x28e: {  	[tilespmem:s7+$0x16000] =	vst v4;
	v4 =	vand.u32 $0x7F, v12;
	v10 =	vor.u32 v14, v10;
	v11 =	vadd.s32 v8, v6  }
0x28f: {  	[tilespmem:s7+$0x15800] =	vst v3;
	v3 =	vadd.s32 v8, v2;
	v8 =	vand.u32 $0x1C00, v15;
	v12 =	vor.u32 v10, v11  }
0x290: {  	v6 =	vor.u32 v7, v6;
	v13 =	vor.u32 v10, v3;
	v4 =	vor.u32 v4, v8;
	[tilespmem:s7+$0x9000] =	vst v12  }
0x291: {  	v2 =	vor.u32 v7, v2;
	v7 =	vadd.s32 v4, v6;
	[tilespmem:s7+$0xB000] =	vst v13  }
0x292: {  	v8 =	vcvt.s32.f32 v9;
	v9 =	vadd.s32 v4, v2;
	[tilespmem:s7+$0x8800] =	vst v7  }
0x293: {  	v6 =	vor.u32 v10, v6;
	[tilespmem:s7+$0xA800] =	vst v9  }
0x294: {  	v2 =	vor.u32 v10, v2;
	[tilespmem:s7+$0x8000] =	vst v6  }
0x295: {  	v3 =	vadd.s32 v4, v3;
	[tilespmem:s7+$0xA000] =	vst v2  }
0x296: {  	v7 =	vadd.s32 v4, v11;
	v5 =	vsub.f32 v5, v8;
	[tilespmem:s7+$0xB800] =	vst v3  }
0x297: {  	[tilespmem:s7+$0x9800] =	vst v7  }
0x298: {  	s23 =	simm.s32 $0x0;
	s24 =	rddreg [dreg:$0x6];
	[tilespmem:s7+$0x16800] =	vst v5  }
0x299: {  	[tilespmem:s23], [sflag:$0x3] =	stream.linear.gather [hbm4b:s24+s23], $0x2000, $0x38;
	[tilespmem:$0x18000] =	vst v63  }
0x29a: {  	s25 =	simm.s32 $0x8000;
	s26 =	simm.s32 $0x10000  }
0x29b: {  	[tilespmem:s26], [sflag:$0x2] =	stream.indirect.gather [hbm4b:s3+s18], $0x1, s25, s18, $0xb8;
	[tilespmem:$0x18000] =	vst v63  }
0x29c: {  	s17 =	simm.s32 $0x10800;
	s15 =	simm.s32 $0x8800  }
0x29d: {  	[tilespmem:s17], [sflag:$0x2] =	stream.indirect.gather [hbm4b:s3+s18], $0x1, s15, s18, $0xb8;
	[tilespmem:$0x18000] =	vst v63  }
0x29e: {  	s19 =	simm.s32 $0x9000;
	s20 =	simm.s32 $0x11000  }
0x29f: {  	[tilespmem:s20], [sflag:$0x2] =	stream.indirect.gather [hbm4b:s3+s18], $0x1, s19, s18, $0xb8;
	[tilespmem:$0x18000] =	vst v63  }
0x2a0: {  	s21 =	simm.s32 $0x9800;
	s22 =	simm.s32 $0x11800  }
0x2a1: {  	[tilespmem:s22], [sflag:$0x2] =	stream.indirect.gather [hbm4b:s3+s18], $0x1, s21, s18, $0xb8;
	[tilespmem:$0x18000] =	vst v63  }
0x2a2: {  	s23 =	simm.s32 $0xA000;
	s24 =	simm.s32 $0x12000  }
0x2a3: {  	[tilespmem:s24], [sflag:$0x2] =	stream.indirect.gather [hbm4b:s3+s18], $0x1, s23, s18, $0xb8;
	[tilespmem:$0x18000] =	vst v63  }
0x2a4: {  	s25 =	simm.s32 $0xA800;
	s26 =	simm.s32 $0x12800  }
0x2a5: {  	[tilespmem:s26], [sflag:$0x2] =	stream.indirect.gather [hbm4b:s3+s18], $0x1, s25, s18, $0xb8;
	[tilespmem:$0x18000] =	vst v63  }
0x2a6: {  	_ = 	snop  }
0x2a7: {  	[tilespmem:s29], [sflag:$0x2] =	stream.indirect.gather [hbm4b:s3+s18], $0x1, s28, s18, $0xb8;
	[tilespmem:$0x18000] =	vst v63  }
0x2a8: {  	_ = 	snop  }
0x2a9: {  	[tilespmem:s31], [sflag:$0x2] =	stream.indirect.gather [hbm4b:s3+s18], $0x1, s30, s18, $0xb8;
	[tilespmem:$0x18000] =	vst v63  }
0x2aa: {  	_ =	swait.ge [sflag:s0], $0x800  }
0x2ab: {  	[sflag:s0] =	ssyncset.done $0x0  }
0x2ac: {  	[sflag:s0] =	ssyncadd.s32 $0xFFFFF800  }
0x2ad: {  	_ =	swait.ge [sflag:s0], $0x800  }
0x2ae: {  	[sflag:s0] =	ssyncset.done $0x0  }
0x2af: {  	[sflag:s0] =	ssyncadd.s32 $0xFFFFF800  }
0x2b0: {  	_ =	swait.ge [sflag:s0], $0x800  }
0x2b1: {  	[sflag:s0] =	ssyncset.done $0x0  }
0x2b2: {  	[sflag:s0] =	ssyncadd.s32 $0xFFFFF800  }
0x2b3: {  	_ =	swait.ge [sflag:s0], $0x800  }
0x2b4: {  	[sflag:s0] =	ssyncset.done $0x0  }
0x2b5: {  	[sflag:s0] =	ssyncadd.s32 $0xFFFFF800  }
0x2b6: {  	_ =	swait.ge [sflag:s0], $0x800  }
0x2b7: {  	[sflag:s0] =	ssyncset.done $0x0  }
0x2b8: {  	[sflag:s0] =	ssyncadd.s32 $0xFFFFF800  }
0x2b9: {  	_ =	swait.ge [sflag:s0], $0x800  }
0x2ba: {  	[sflag:s0] =	ssyncset.done $0x0  }
0x2bb: {  	[sflag:s0] =	ssyncadd.s32 $0xFFFFF800  }
0x2bc: {  	_ =	swait.ge [sflag:s0], $0x800  }
0x2bd: {  	[sflag:s0] =	ssyncset.done $0x0  }
0x2be: {  	[sflag:s0] =	ssyncadd.s32 $0xFFFFF800  }
0x2bf: {  	_ =	swait.ge [sflag:s0], $0x800  }
0x2c0: {  	[sflag:s0] =	ssyncset.done $0x0  }
0x2c1: {  	s19 =	simm.s32 $0x5;
	[sflag:s0] =	ssyncadd.s32 $0xFFFFF800  }
0x2c2: {  	_ =	swait.ge [sflag:s19], $0x800  }
0x2c3: {  	[sflag:s19] =	ssyncset.done $0x0  }
0x2c4: {  	s7 =	simm.s32 $0x0;
	[sflag:s19] =	ssyncadd.s32 $0xFFFFF800  }
0x2c5: {  	v2 =	vld [tilespmem:s7+$0x14800]  }
0x2c6: {  	v5 =	vld [tilespmem:s7+$0xC000]  }
0x2c7: {  	v4 =	vld [tilespmem:s7+$0xC800]  }
0x2c8: {  	v8 =	vld [tilespmem:s7+$0xD000]  }
0x2c9: {  	v6 =	vld [tilespmem:s7+$0xD800]  }
0x2ca: {  	v9 =	vld [tilespmem:s7+$0x15000]  }
0x2cb: {  	v10 =	vld [tilespmem:s7+$0xE800]  }
0x2cc: {  	v11 =	vld [tilespmem:s7+$0xF800]  }
0x2cd: {  	v12 =	vld [tilespmem:s7+$0xE000]  }
0x2ce: {  	v13 =	vld [tilespmem:s7+$0xF000]  }
0x2cf: {  	s14 =	simm.s32 $0x10;
	v3 =	vld [tilespmem:s7+$0x14000]  }
0x2d0: {  	v7 =	vld [tilespmem:s14+$0xC000];
	v14 =	vmul.f32 v4, v9;
	v15 =	vsub.f32 $1.000000000e+00, v9;
	v16 =	vmul.f32 v6, v9  }
0x2d1: {  	v4 =	vld [tilespmem:s14+$0x14800];
	v17 =	vmul.f32 v10, v9;
	v11 =	vmul.f32 v11, v9  }
0x2d2: {  	v6 =	vld [tilespmem:s14+$0xC800];
	v18 =	vmul.f32 v5, v15;
	v8 =	vmul.f32 v8, v15  }
0x2d3: {  	v10 =	vsub.f32 $1.000000000e+00, v2;
	v9 =	vld [tilespmem:s14+$0xD800];
	v12 =	vmul.f32 v12, v15;
	v13 =	vmul.f32 v13, v15  }
0x2d4: {  	v5 =	vld [tilespmem:s14+$0xD000];
	v18 =	vadd.f32 v14, v18;
	v16 =	vadd.f32 v16, v8  }
0x2d5: {  	v8 =	vld [tilespmem:s14+$0x15000];
	v15 =	vadd.f32 v17, v12;
	v14 =	vadd.f32 v11, v13  }
0x2d6: {  	s15 =	simm.s32 $0x80;
	v11 =	vld [tilespmem:s14+$0xE800];
	v12 =	vmul.f32 v18, v10;
	v13 =	vmul.f32 v16, v2  }
.LBB2_16:
0x2d7: {  	p0 =	sne.s32 s15, $0x1FC0;
	v16 =	vld [tilespmem:s14+$0xF800];
	v10 =	vmul.f32 v15, v10;
	v14 =	vmul.f32 v14, v2;
	v2 =	vmov v4  }
0x2d8: {  	v17 =	vsub.f32 $1.000000000e+00, v3;
	v15 =	vld [tilespmem:s14+$0xE000]  }
0x2d9: {  	v12 =	vadd.f32 v13, v12;
	v18 =	vld [tilespmem:s14+$0xF000];
	v10 =	vadd.f32 v14, v10  }
0x2da: {  	s17 =	sshra.s32 s15, $0x2;
	v13 =	vld [tilespmem:s14+$0x14000];
	v14 =	vmul.f32 v6, v8;
	v19 =	vmul.f32 v9, v8  }
0x2db: {  	v9 =	vsub.f32 $1.000000000e+00, v8;
	v12 =	vmul.f32 v12, v17;
	v4 =	vld [tilespmem:s17+$0x14800];
	v3 =	vmul.f32 v10, v3  }
0x2dc: {  	v11 =	vmul.f32 v11, v8;
	v17 =	vld [tilespmem:s17+$0xC000];
	v16 =	vmul.f32 v16, v8  }
.Ltmp7:
0x2dd: {  	v7 =	vmul.f32 v7, v9;
	v8 =	vmul.f32 v5, v9;
	v6 =	vld [tilespmem:s17+$0xC800];
	v20 =	vadd.f32 v3, v12;
	(pc) =	sbr.rel @p0 .LBB2_16-.Ltmp7, $4  }
0x2de: {  	v10 =	vsub.f32 $1.000000000e+00, v2;
	v12 =	vmul.f32 v15, v9;
	v5 =	vld [tilespmem:s17+$0xD000];
	v18 =	vmul.f32 v18, v9  }
0x2df: {  	v21 =	vadd.f32 v14, v7;
	v19 =	vadd.f32 v19, v8;
	v9 =	vld [tilespmem:s17+$0xD800];
	[tilespmem:s7+$0x17000] =	vst v20;
	v3 =	vmov v13;
	s7 =	smov.u32 s14;
	s14 =	smov.u32 s17  }
0x2e0: {  	v15 =	vadd.f32 v11, v12;
	v8 =	vld [tilespmem:s14+$0x15000];
	v14 =	vadd.f32 v16, v18  }
0x2e1: {  	s15 =	sadd.s32 $0x40, s15;
	v12 =	vmul.f32 v21, v10;
	v13 =	vmul.f32 v19, v2;
	v11 =	vld [tilespmem:s14+$0xE800];
	v7 =	vmov v17  }
0x2e2: {  	v16 =	vld [tilespmem:s14+$0xF800]  }
0x2e3: {  	v17 =	vld [tilespmem:s14+$0xE000]  }
0x2e4: {  	v18 =	vld [tilespmem:s14+$0xF000]  }
0x2e5: {  	v10 =	vmul.f32 v15, v10;
	v19 =	vsub.f32 $1.000000000e+00, v8  }
0x2e6: {  	v6 =	vmul.f32 v6, v8;
	v9 =	vmul.f32 v9, v8  }
0x2e7: {  	v11 =	vmul.f32 v11, v8;
	v7 =	vmul.f32 v7, v19  }
0x2e8: {  	v8 =	vmul.f32 v16, v8;
	v5 =	vmul.f32 v5, v19  }
0x2e9: {  	v15 =	vsub.f32 $1.000000000e+00, v4;
	v16 =	vmul.f32 v17, v19;
	v17 =	vmul.f32 v18, v19  }
0x2ea: {  	v6 =	vadd.f32 v6, v7;
	v7 =	vld [tilespmem:s14+$0x14000];
	v5 =	vadd.f32 v9, v5  }
0x2eb: {  	v2 =	vmul.f32 v14, v2;
	v9 =	vadd.f32 v11, v16;
	v8 =	vadd.f32 v8, v17  }
0x2ec: {  	v12 =	vadd.f32 v13, v12;
	v6 =	vmul.f32 v6, v15;
	v5 =	vmul.f32 v5, v4  }
0x2ed: {  	v2 =	vadd.f32 v2, v10;
	v9 =	vmul.f32 v9, v15;
	v4 =	vmul.f32 v8, v4  }
0x2ee: {  	v11 =	vsub.f32 $1.000000000e+00, v3;
	v5 =	vadd.f32 v5, v6  }
0x2ef: {  	v4 =	vadd.f32 v4, v9;
	v8 =	vsub.f32 $1.000000000e+00, v7  }
0x2f0: {  	v2 =	vmul.f32 v2, v3;
	v6 =	vmul.f32 v12, v11  }
0x2f1: {  	v4 =	vmul.f32 v4, v7;
	v3 =	vmul.f32 v5, v8  }
0x2f2: {  	v2 =	vadd.f32 v2, v6  }
0x2f3: {  	v3 =	vadd.f32 v4, v3  }
0x2f4: {  	[tilespmem:s7+$0x17000] =	vst v2  }
0x2f5: {  	s25 =	simm.s32 $0x0;
	s26 =	rddreg [dreg:$0x7];
	[tilespmem:s14+$0x17000] =	vst v3  }
0x2f6: {  	[hbm4b:s26+s25] =	stream.linear.scatter [tilespmem:s1], [sflag:$0x5], $0x800, $0x38;
	[tilespmem:$0x18000] =	vst v63  }
0x2f7: {  	_ =	swait.ge [sflag:s9], $0x800  }
0x2f8: {  	[sflag:s9] =	ssyncset.done $0x0  }
0x2f9: {  	[sflag:s9] =	ssyncadd.s32 $0xFFFFF800  }
0x2fa: {  	_ =	swait.ge [sflag:s9], $0x800  }
0x2fb: {  	[sflag:s9] =	ssyncset.done $0x0  }
0x2fc: {  	[sflag:s9] =	ssyncadd.s32 $0xFFFFF800  }
0x2fd: {  	_ =	swait.ge [sflag:s9], $0x800  }
0x2fe: {  	[sflag:s9] =	ssyncset.done $0x0  }
0x2ff: {  	[sflag:s9] =	ssyncadd.s32 $0xFFFFF800  }
0x300: {  	_ =	swait.ge [sflag:s9], $0x800  }
0x301: {  	[sflag:s9] =	ssyncset.done $0x0  }
0x302: {  	[sflag:s9] =	ssyncadd.s32 $0xFFFFF800  }
0x303: {  	_ =	swait.ge [sflag:s9], $0x800  }
0x304: {  	[sflag:s9] =	ssyncset.done $0x0  }
0x305: {  	[sflag:s9] =	ssyncadd.s32 $0xFFFFF800  }
0x306: {  	_ =	swait.ge [sflag:s9], $0x800  }
0x307: {  	[sflag:s9] =	ssyncset.done $0x0  }
0x308: {  	[sflag:s9] =	ssyncadd.s32 $0xFFFFF800  }
0x309: {  	_ =	swait.ge [sflag:s9], $0x800  }
0x30a: {  	[sflag:s9] =	ssyncset.done $0x0  }
0x30b: {  	[sflag:s9] =	ssyncadd.s32 $0xFFFFF800  }
0x30c: {  	_ =	swait.ge [sflag:s9], $0x800  }
0x30d: {  	[sflag:s9] =	ssyncset.done $0x0  }
0x30e: {  	s20 =	simm.s32 $0x6;
	[sflag:s9] =	ssyncadd.s32 $0xFFFFF800  }
0x30f: {  	_ =	swait.ge [sflag:s20], $0x800  }
0x310: {  	[sflag:s20] =	ssyncset.done $0x0  }
0x311: {  	s7 =	simm.s32 $0x0;
	[sflag:s20] =	ssyncadd.s32 $0xFFFFF800  }
0x312: {  	v2 =	vld [tilespmem:s7+$0x16000]  }
0x313: {  	v5 =	vld [tilespmem:s7+$0x10000]  }
0x314: {  	v4 =	vld [tilespmem:s7+$0x10800]  }
0x315: {  	v8 =	vld [tilespmem:s7+$0x11000]  }
0x316: {  	v6 =	vld [tilespmem:s7+$0x11800]  }
0x317: {  	v9 =	vld [tilespmem:s7+$0x16800]  }
0x318: {  	v10 =	vld [tilespmem:s7+$0x12800]  }
0x319: {  	v11 =	vld [tilespmem:s7+$0x13800]  }
0x31a: {  	v12 =	vld [tilespmem:s7+$0x12000]  }
0x31b: {  	v13 =	vld [tilespmem:s7+$0x13000]  }
0x31c: {  	s14 =	simm.s32 $0x10;
	v3 =	vld [tilespmem:s7+$0x15800]  }
0x31d: {  	v7 =	vld [tilespmem:s14+$0x10000];
	v14 =	vmul.f32 v4, v9;
	v15 =	vsub.f32 $1.000000000e+00, v9;
	v16 =	vmul.f32 v6, v9  }
0x31e: {  	v4 =	vld [tilespmem:s14+$0x16000];
	v17 =	vmul.f32 v10, v9;
	v11 =	vmul.f32 v11, v9  }
0x31f: {  	v6 =	vld [tilespmem:s14+$0x10800];
	v63 =	vmul.f32 v5, v15;
	v8 =	vmul.f32 v8, v15  }
0x320: {  	v10 =	vsub.f32 $1.000000000e+00, v2;
	v9 =	vld [tilespmem:s14+$0x11800];
	v12 =	vmul.f32 v12, v15;
	v13 =	vmul.f32 v13, v15  }
0x321: {  	v5 =	vld [tilespmem:s14+$0x11000];
	v18 =	vadd.f32 v14, v63;
	v16 =	vadd.f32 v16, v8  }
0x322: {  	v8 =	vld [tilespmem:s14+$0x16800];
	v15 =	vadd.f32 v17, v12;
	v14 =	vadd.f32 v11, v13  }
0x323: {  	s15 =	simm.s32 $0x80;
	v11 =	vld [tilespmem:s14+$0x12800];
	v12 =	vmul.f32 v18, v10;
	v13 =	vmul.f32 v16, v2  }
.LBB2_18:
0x324: {  	p0 =	sne.s32 s15, $0x1FC0;
	v16 =	vld [tilespmem:s14+$0x13800];
	v10 =	vmul.f32 v15, v10;
	v14 =	vmul.f32 v14, v2;
	v2 =	vmov v4  }
0x325: {  	v17 =	vsub.f32 $1.000000000e+00, v3;
	v15 =	vld [tilespmem:s14+$0x12000]  }
0x326: {  	v12 =	vadd.f32 v13, v12;
	v18 =	vld [tilespmem:s14+$0x13000];
	v10 =	vadd.f32 v14, v10  }
0x327: {  	s17 =	sshra.s32 s15, $0x2;
	v13 =	vld [tilespmem:s14+$0x15800];
	v14 =	vmul.f32 v6, v8;
	v19 =	vmul.f32 v9, v8  }
0x328: {  	v9 =	vsub.f32 $1.000000000e+00, v8;
	v12 =	vmul.f32 v12, v17;
	v4 =	vld [tilespmem:s17+$0x16000];
	v3 =	vmul.f32 v10, v3  }
0x329: {  	v11 =	vmul.f32 v11, v8;
	v17 =	vld [tilespmem:s17+$0x10000];
	v16 =	vmul.f32 v16, v8  }
.Ltmp8:
0x32a: {  	v7 =	vmul.f32 v7, v9;
	v8 =	vmul.f32 v5, v9;
	v6 =	vld [tilespmem:s17+$0x10800];
	v20 =	vadd.f32 v3, v12;
	(pc) =	sbr.rel @p0 .LBB2_18-.Ltmp8, $4  }
0x32b: {  	v10 =	vsub.f32 $1.000000000e+00, v2;
	v12 =	vmul.f32 v15, v9;
	v5 =	vld [tilespmem:s17+$0x11000];
	v18 =	vmul.f32 v18, v9  }
0x32c: {  	v21 =	vadd.f32 v14, v7;
	v19 =	vadd.f32 v19, v8;
	v9 =	vld [tilespmem:s17+$0x11800];
	[tilespmem:s7+$0x17800] =	vst v20;
	v3 =	vmov v13;
	s7 =	smov.u32 s14;
	s14 =	smov.u32 s17  }
0x32d: {  	v15 =	vadd.f32 v11, v12;
	v8 =	vld [tilespmem:s14+$0x16800];
	v14 =	vadd.f32 v16, v18  }
0x32e: {  	s15 =	sadd.s32 $0x40, s15;
	v12 =	vmul.f32 v21, v10;
	v13 =	vmul.f32 v19, v2;
	v11 =	vld [tilespmem:s14+$0x12800];
	v7 =	vmov v17  }
0x32f: {  	v16 =	vld [tilespmem:s14+$0x13800]  }
0x330: {  	v17 =	vld [tilespmem:s14+$0x12000]  }
0x331: {  	v18 =	vld [tilespmem:s14+$0x13000]  }
0x332: {  	v19 =	vsub.f32 $1.000000000e+00, v8  }
0x333: {  	v6 =	vmul.f32 v6, v8;
	v9 =	vmul.f32 v9, v8  }
0x334: {  	v11 =	vmul.f32 v11, v8;
	v7 =	vmul.f32 v7, v19  }
0x335: {  	v54 =	vmul.f32 v16, v8;
	v5 =	vmul.f32 v5, v19  }
0x336: {  	v57 =	vld [tilespmem:s14+$0x15800];
	v58 =	vsub.f32 $1.000000000e+00, v4;
	v55 =	vmul.f32 v17, v19;
	v56 =	vmul.f32 v18, v19  }
0x337: {  	v10 =	vmul.f32 v15, v10;
	v6 =	vadd.f32 v6, v7;
	v5 =	vadd.f32 v9, v5  }
0x338: {  	v2 =	vmul.f32 v14, v2;
	v59 =	vadd.f32 v11, v55;
	v8 =	vadd.f32 v54, v56  }
0x339: {  	v60 =	vsub.f32 $1.000000000e+00, v3;
	v6 =	vmul.f32 v6, v58;
	v5 =	vmul.f32 v5, v4  }
0x33a: {  	v12 =	vadd.f32 v13, v12;
	v9 =	vmul.f32 v59, v58;
	v61 =	vmul.f32 v8, v4  }
0x33b: {  	v2 =	vadd.f32 v2, v10;
	v62 =	vsub.f32 $1.000000000e+00, v57  }
0x33c: {  	v5 =	vadd.f32 v5, v6;
	v4 =	vadd.f32 v61, v9  }
0x33d: {  	v63 =	vmul.f32 v12, v60;
	v2 =	vmul.f32 v2, v3  }
0x33e: {  	v3 =	vmul.f32 v5, v62;
	v4 =	vmul.f32 v4, v57  }
0x33f: {  	v2 =	vadd.f32 v2, v63  }
0x340: {  	v3 =	vadd.f32 v4, v3  }
0x341: {  	[tilespmem:s7+$0x17800] =	vst v2  }
0x342: {  	s24 =	rddreg [dreg:$0x8];
	[tilespmem:s14+$0x17800] =	vst v3  }
0x343: {  	[hbm4b:s24+s5] =	stream.linear.scatter [tilespmem:s12], [sflag:$0x6], $0x800, $0x38;
	[tilespmem:$0x18000] =	vst v63  }
0x344: {  	_ =	swait.ge [sflag:s16], $0x2000  }
0x345: {  	[sflag:s16] =	ssyncset.done $0x0  }
0x346: {  	[sflag:s16] =	ssyncadd.s32 $0xFFFFE000  }
0x347: {  	_ =	swait.ge [sflag:s19], $0x800  }
0x348: {  	[sflag:s19] =	ssyncset.done $0x0  }
0x349: {  	[sflag:s19] =	ssyncadd.s32 $0xFFFFF800  }
0x34a: {  	_ =	swait.ge [sflag:s20], $0x800  }
0x34b: {  	s25 =	rddreg [dreg:$0xa]  }
0x34c: {  	s26 =	rddreg [dreg:$0x9];
	s14 =	sadd.s32 $0x1, s25  }
0x34d: {  	p0 =	sne.s32 s14, s26  }
.Ltmp9:
0x34e: {  	_ = 	snop;
	(pc) =	sbr.rel @p0 .LBB2_1-.Ltmp9, $3  }
0x34f: {  	_ =	sdelay $0x1  }
0x350: {  	[sflag:s20] =	ssyncset.done $0x0  }
0x351: {  	[sflag:s20] =	ssyncadd.s32 $0xFFFFF800  }
0x352: {  	_ =	sfence.sel $0x180000  }
0x353: {  	[bflag:$0x0] =	sbarrier.arrive $0xFFFF  }
0x354: {  	_ =	strace $0x90000047  }
0x355: {  	s0 =	stileid.u32;
	[bflag:$0x2] =	sbarrier.arrive $0xFFFF  }
0x356: {  	p0 =	sne.s32 s0, $0x0;
	s0 =	rddreg [dreg:$0x3]  }
0x357: {  	s0 =	sadd.s32 @!p0 $0x100000, s0  }
0x358: {  	[sflag:s0] =	ssyncadd.tile.s32 @!p0 $0x1;
	_ =	shalt  }
.Lfunc_end2:
_tile_overlayer_lowered:
.L_overlay_start_2:
0x359: {  	(tag) =	ssettag $0x2  }
0x35a: {  	s0 =	rddreg [dreg:$0x0];
	s2 =	stileid.u32  }
0x35b: {  	s1 =	rddreg [dreg:$0x1];
	p0 =	sne.s32 s2, $0x0  }
0x35c: {  	s3 =	rddreg [dreg:$0x2];
	[bflag:$0x3] =	sbarrier.arrive $0xFFFF;
	s2 =	simm.s32 @!p0 $0x1C07  }
0x35d: {  	[timem:s3], [sflag:s2] =	dma.local @!p0 [hbm:s0], s1  }
0x35e: {  	s0 =	simm.s32 @!p0 $0x7  }
0x35f: {  	_ =	swait.ge @!p0 [sflag:s0], s1  }
0x360: {  	s1 =	ssub.s32 @!p0 $0x0, s1;
	[sflag:s0] =	ssyncset.done @!p0 $0x0  }
0x361: {  	[sflag:s0] =	ssyncadd.s32 @!p0 s1  }
0x362: {  	[bflag:$0x3] =	sbarrier.arrive $0xFFFF  }
0x363: {  	_ =	shalt  }

</sc_bundles>
